<compile_context>
chip_gen: v7x
topology: tpu7x:2x2x1
jax: 0.10.2.dev20260603
libtpu: 0.0.44.dev20260713+nightly
codegen_flags: <defaults>
</compile_context>

<pallas_src>
import functools

import jax
import jax.numpy as jnp
from jax import lax
from jax.experimental import pallas as pl
from jax.experimental.pallas import tpu as pltpu
from jax.experimental.pallas import tpu_sc as plsc

PAD = -1
NUM_DISC = 128

NC = 2
NS = 16
L = 16

B = 16
NV = 8192
NF = 16384

WORKERS = NC * NS
HALF_F = NF // 2
IDX_PER_W = HALF_F * 3
OUT_PER_W = HALF_F * 9
VTX_W = NV * 3

CHUNK_IDX = 2048
CHUNK_OUT = CHUNK_IDX * 3
N_CHUNKS = IDX_PER_W // CHUNK_IDX
INNER = CHUNK_IDX // L


def _sc_body(vtx_hbm, faces_hbm, codes_hbm, recon_hbm,
             vtx_v, faces_v, codes_st, recon_st, sem):
    wid = lax.axis_index("s") * NC + lax.axis_index("c")
    b = wid // 2
    half = wid % 2

    pltpu.sync_copy(vtx_hbm.at[b], vtx_v)
    pltpu.sync_copy(faces_hbm.at[b, pl.ds(half * IDX_PER_W, IDX_PER_W)],
                    faces_v)

    def pre(i, _):
        x = vtx_v[pl.ds(i * L, L)]
        w = (x + 1.0) * 64.0
        wc = jnp.minimum(jnp.maximum(w, -1.0), 16384.0)
        r0 = wc.astype(jnp.int32)
        half_fix = (r0.astype(jnp.float32) == wc) & ((r0 & 1) == 1)
        r = jnp.where(half_fix, r0 - 1, r0)
        d = jnp.minimum(jnp.maximum(r, 0), NUM_DISC - 1)
        vtx_v[pl.ds(i * L, L)] = d.astype(jnp.float32)
        return 0

    lax.fori_loop(0, VTX_W // L, pre, 0, unroll=2)

    out_base = half * OUT_PER_W
    pos0 = lax.iota(jnp.int32, L) * 3

    for k in range(N_CHUNKS):
        def body(j, _):
            idx = faces_v[pl.ds((k * INNER + j) * L, L)]
            a = idx * 3
            pos = pos0 + j * (3 * L)
            for c in range(3):
                g = plsc.load_gather(vtx_v, [a + c])
                plsc.store_scatter(codes_st, [pos + c], g.astype(jnp.int32))
                r = g * (1.0 / 64.0) + (1.0 / NUM_DISC - 1.0)
                plsc.store_scatter(recon_st, [pos + c], r)
            return 0

        lax.fori_loop(0, INNER, body, 0)
        dst = pl.ds(out_base + k * CHUNK_OUT, CHUNK_OUT)
        pltpu.sync_copy(codes_st, codes_hbm.at[b, dst])
        pltpu.sync_copy(recon_st, recon_hbm.at[b, dst])


@jax.jit
def _sc_call(vx, fa):
    mesh = plsc.VectorSubcoreMesh(core_axis_name="c", subcore_axis_name="s")
    return pl.kernel(
        _sc_body,
        out_type=(
            jax.ShapeDtypeStruct((B, NF * 9), jnp.int32),
            jax.ShapeDtypeStruct((B, NF * 9), jnp.float32),
        ),
        mesh=mesh,
        compiler_params=pltpu.CompilerParams(needs_layout_passes=False),
        scratch_types=[
            pltpu.VMEM((VTX_W,), jnp.float32),
            pltpu.VMEM((IDX_PER_W,), jnp.int32),
            pltpu.VMEM((CHUNK_OUT,), jnp.int32),
            pltpu.VMEM((CHUNK_OUT,), jnp.float32),
            pltpu.SemaphoreType.DMA,
        ],
    )(vx, fa)


def kernel(vertices, faces):
    vx = vertices.reshape(B, VTX_W).astype(jnp.float32)
    fa = faces.reshape(B, NF * 3).astype(jnp.int32)
    codes_flat, recon_flat = _sc_call(vx, fa)

    codes = codes_flat.reshape(B, NF, 3, 3)
    recon = recon_flat.reshape(B, NF, 3, 3)
    pad = jnp.full((B, 1), PAD, jnp.int32)
    input_ids_full = jnp.concatenate([pad, codes_flat, pad], axis=1)
    attention_mask_full = jnp.ones((B, NF * 9 + 2), jnp.float32)
    return (input_ids_full, attention_mask_full, codes, codes, recon)

# --- scband reference (transcript-rebuilt; emitter-appended) ---
"""Pipeline reference for scband-mesh-tokenizer-4080218931671 (READ-ONLY COPY).

The authoritative reference and input builder live on the scoring server;
editing this copy changes nothing except your own understanding.
"""

import jax, jax.numpy as jnp
import numpy as np

PAD_ID = -1
NUM_DISCRETE = 128
LO, HI = -1.0, 1.0


def discretize(t):
    t = (t - LO) / (HI - LO)
    t = t * NUM_DISCRETE
    t = t - 0.5
    return jnp.clip(jnp.round(t).astype(jnp.int64), 0, NUM_DISCRETE - 1)


def undiscretize(t):
    t = t.astype(jnp.float32)
    t = t + 0.5
    t = t / NUM_DISCRETE
    return t * (HI - LO) + LO


def setup_inputs(seed: int = 0):
    key = jax.random.key(seed)
    k1, k2 = jax.random.split(key)
    B, NV, NF = 16, 8192, 16384
    vertices = jax.random.uniform(k1, (B, NV, 3), dtype=jnp.float32)
    faces = jax.random.randint(k2, (B, NF, 3), 0, NV).astype(jnp.int64)
    return {"vertices": vertices, "faces": faces}


def reference(vertices, faces):
    B, NV, C = vertices.shape
    _, NF, _ = faces.shape
    # tokenize
    face_mask = jnp.all(faces != PAD_ID, axis=-1)  # [B, NF]
    face_without_pad = jnp.where(face_mask[:, :, None], faces, 0)
    # gather: face_coords[b, nf, v, c] = vertices[b, faces[b, nf, v], c]
    face_coords = jax.vmap(lambda v, f: v[f])(vertices, face_without_pad)  # [B, NF, 3, C]
    discrete_face_coords = discretize(face_coords)
    discrete_padded_coords = jnp.where(face_mask[:, :, None, None], discrete_face_coords, PAD_ID)
    input_ids = discrete_padded_coords.reshape(B, -1)
    attention_mask = (input_ids != PAD_ID).astype(jnp.float32)
    place_holder = jnp.ones_like(input_ids[:, :1])
    input_ids_full = jnp.concatenate((place_holder * PAD_ID, input_ids, place_holder * PAD_ID), axis=1)
    attention_mask_full = jnp.concatenate((place_holder.astype(jnp.float32), place_holder.astype(jnp.float32), attention_mask), axis=1)
    codes = discrete_padded_coords.astype(jnp.int64)
    # detokenize(codes)
    ids = codes.reshape(B, -1)
    nf2 = ids.shape[1] // 9
    face_mask2 = jnp.all((ids != PAD_ID).reshape(B, nf2, 9), axis=-1)
    pred_face_coords = ids.reshape(B, -1, 9).reshape(B, -1, 3, 3)
    continuous_coors = undiscretize(pred_face_coords)
    recon_faces = jnp.where(face_mask2[:, :, None, None], continuous_coors, jnp.nan)
    return (input_ids_full.astype(jnp.int64), attention_mask_full, codes, discrete_face_coords, recon_faces)

if __name__ == "__main__":
    import jax
    _d = setup_inputs()
    print(jax.jit(kernel)(*tuple(_d.values())))

</pallas_src>

<mosaic_0001>
#map = affine_map<(d0, d1) -> (0, 0)>
module attributes {stable_mosaic.version = 14 : i64} {
  func.func @_sc_body(%arg0: i32, %arg1: i32, %arg2: memref<16x24576xf32, #tpu.memory_space<hbm>>, %arg3: memref<16x49152xi32, #tpu.memory_space<hbm>>, %arg4: memref<16x147456xi32, #tpu.memory_space<hbm>>, %arg5: memref<16x147456xf32, #tpu.memory_space<hbm>>, %arg6: memref<24576xf32, #tpu.memory_space<vmem>>, %arg7: memref<24576xi32, #tpu.memory_space<vmem>>, %arg8: memref<6144xi32, #tpu.memory_space<vmem>>, %arg9: memref<6144xf32, #tpu.memory_space<vmem>>, %arg10: memref<!tpu.dma_semaphore, #tpu.memory_space<semaphore_mem>>) attributes {dimension_semantics = [#tpu.dimension_semantics<core_parallel>, #tpu.dimension_semantics<subcore_parallel>], iteration_bounds = array<i64: 2, 16>, scalar_prefetch = 0 : i64, scratch_operands = 5 : i64, tpu.core_type = #tpu.core_type<sc_vector_subcore>, window_params = [{transform_indices = #map}, {transform_indices = #map}, {transform_indices = #map}, {transform_indices = #map}]} {
    %mul3A = arith.constant 2 : i32
    %mul3A_0 = arith.muli %arg1, %mul3A : i32
    %add3A = arith.addi %mul3A_0, %arg0 : i32
    %jit3A = arith.constant 2 : i32
    %div3A = arith.divsi %add3A, %jit3A : i32
    %sign3A = arith.constant 0 : i32
    %sign3A_1 = arith.cmpi sgt, %add3A, %sign3A : i32
    %sign3A_2 = arith.extui %sign3A_1 : i1 to i32
    %sign3A_3 = arith.constant 0 : i32
    %sign3A_4 = arith.cmpi slt, %add3A, %sign3A_3 : i32
    %sign3A_5 = arith.extui %sign3A_4 : i1 to i32
    %sign3A_6 = arith.subi %sign3A_2, %sign3A_5 : i32
    %sign3A_7 = arith.constant 0 : i32
    %sign3A_8 = arith.cmpi sgt, %jit3A, %sign3A_7 : i32
    %sign3A_9 = arith.extui %sign3A_8 : i1 to i32
    %sign3A_10 = arith.constant 0 : i32
    %sign3A_11 = arith.cmpi slt, %jit3A, %sign3A_10 : i32
    %sign3A_12 = arith.extui %sign3A_11 : i1 to i32
    %sign3A_13 = arith.subi %sign3A_9, %sign3A_12 : i32
    %ne3A = arith.cmpi ne, %sign3A_6, %sign3A_13 : i32
    %rem3A = arith.remsi %add3A, %jit3A : i32
    %ne3A_14 = arith.constant 0 : i32
    %ne3A_15 = arith.cmpi ne, %rem3A, %ne3A_14 : i32
    %and3A = arith.andi %ne3A, %ne3A_15 : i1
    %sub3A = arith.constant 1 : i32
    %sub3A_16 = arith.subi %div3A, %sub3A : i32
    %select_n3A = arith.select %and3A, %sub3A_16, %div3A : i32
    %jit3A_17 = arith.constant 2 : i32
    %eq3A = arith.constant 0 : i32
    %eq3A_18 = arith.cmpi eq, %jit3A_17, %eq3A : i32
    %jit3A_19 = arith.constant 1 : i32
    %select_n3A_20 = arith.select %eq3A_18, %jit3A_19, %jit3A_17 : i32
    %rem3A_21 = arith.remsi %add3A, %select_n3A_20 : i32
    %ne3A_22 = arith.constant 0 : i32
    %ne3A_23 = arith.cmpi ne, %rem3A_21, %ne3A_22 : i32
    %lt3A = arith.constant 0 : i32
    %lt3A_24 = arith.cmpi slt, %rem3A_21, %lt3A : i32
    %lt3A_25 = arith.constant 0 : i32
    %lt3A_26 = arith.cmpi slt, %select_n3A_20, %lt3A_25 : i32
    %ne3A_27 = arith.xori %lt3A_24, %lt3A_26 : i1
    %and3A_28 = arith.andi %ne3A_27, %ne3A_23 : i1
    %add3A_29 = arith.addi %rem3A_21, %select_n3A_20 : i32
    %select_n3A_30 = arith.select %and3A_28, %add3A_29, %rem3A_21 : i32
    "tpu.region"() ({
      %run_scoped3A = tpu.sem_alloc : memref<!tpu.dma_semaphore, #tpu.memory_space<semaphore_mem>>
      %dma_start3A = arith.constant 0 : i32
      %dma_start3A_152 = tpu.memref_slice %arg2[%select_n3A, %dma_start3A] : memref<16x24576xf32, #tpu.memory_space<hbm>> -> memref<1x24576xf32, #tpu.memory_space<hbm>>
      %dma_start3A_153 = tpu.memref_squeeze %dma_start3A_152 : memref<1x24576xf32, #tpu.memory_space<hbm>> -> memref<24576xf32, #tpu.memory_space<hbm>>
      %dma_start3A_154 = arith.constant 0 : i32
      %dma_start3A_155 = tpu.memref_slice %arg2[%select_n3A, %dma_start3A_154] : memref<16x24576xf32, #tpu.memory_space<hbm>> -> memref<1x24576xf32, #tpu.memory_space<hbm>>
      %dma_start3A_156 = tpu.memref_squeeze %dma_start3A_155 : memref<1x24576xf32, #tpu.memory_space<hbm>> -> memref<24576xf32, #tpu.memory_space<hbm>>
      tpu.enqueue_dma source(%dma_start3A_156 : memref<24576xf32, #tpu.memory_space<hbm>>) target(%arg6 : memref<24576xf32, #tpu.memory_space<vmem>>) target_semaphore(%run_scoped3A : memref<!tpu.dma_semaphore, #tpu.memory_space<semaphore_mem>>)
      %dma_wait3A = arith.constant 0 : i32
      %dma_wait3A_157 = tpu.memref_slice %arg2[%select_n3A, %dma_wait3A] : memref<16x24576xf32, #tpu.memory_space<hbm>> -> memref<1x24576xf32, #tpu.memory_space<hbm>>
      %dma_wait3A_158 = tpu.memref_squeeze %dma_wait3A_157 : memref<1x24576xf32, #tpu.memory_space<hbm>> -> memref<24576xf32, #tpu.memory_space<hbm>>
      %dma_wait3A_159 = arith.constant 0 : i32
      %dma_wait3A_160 = tpu.memref_slice %arg2[%select_n3A, %dma_wait3A_159] : memref<16x24576xf32, #tpu.memory_space<hbm>> -> memref<1x24576xf32, #tpu.memory_space<hbm>>
      %dma_wait3A_161 = tpu.memref_squeeze %dma_wait3A_160 : memref<1x24576xf32, #tpu.memory_space<hbm>> -> memref<24576xf32, #tpu.memory_space<hbm>>
      tpu.wait_dma2 semaphore(%run_scoped3A : memref<!tpu.dma_semaphore, #tpu.memory_space<semaphore_mem>>) src(%dma_wait3A_161 : memref<24576xf32, #tpu.memory_space<hbm>>) dst(%arg6 : memref<24576xf32, #tpu.memory_space<vmem>>)
      tpu.yield
    }) : () -> ()
    %mul3A_31 = arith.constant 24576 : i32
    %mul3A_32 = arith.muli %select_n3A_30, %mul3A_31 : i32
    "tpu.region"() ({
      %run_scoped3A = tpu.sem_alloc : memref<!tpu.dma_semaphore, #tpu.memory_space<semaphore_mem>>
      %dma_start3A = tpu.memref_slice %arg3[%select_n3A, %mul3A_32] : memref<16x49152xi32, #tpu.memory_space<hbm>> -> memref<1x24576xi32, #tpu.memory_space<hbm>>
      %dma_start3A_152 = tpu.memref_squeeze %dma_start3A : memref<1x24576xi32, #tpu.memory_space<hbm>> -> memref<24576xi32, #tpu.memory_space<hbm>>
      %dma_start3A_153 = tpu.memref_slice %arg3[%select_n3A, %mul3A_32] : memref<16x49152xi32, #tpu.memory_space<hbm>> -> memref<1x24576xi32, #tpu.memory_space<hbm>>
      %dma_start3A_154 = tpu.memref_squeeze %dma_start3A_153 : memref<1x24576xi32, #tpu.memory_space<hbm>> -> memref<24576xi32, #tpu.memory_space<hbm>>
      tpu.enqueue_dma source(%dma_start3A_154 : memref<24576xi32, #tpu.memory_space<hbm>>) target(%arg7 : memref<24576xi32, #tpu.memory_space<vmem>>) target_semaphore(%run_scoped3A : memref<!tpu.dma_semaphore, #tpu.memory_space<semaphore_mem>>)
      %dma_wait3A = tpu.memref_slice %arg3[%select_n3A, %mul3A_32] : memref<16x49152xi32, #tpu.memory_space<hbm>> -> memref<1x24576xi32, #tpu.memory_space<hbm>>
      %dma_wait3A_155 = tpu.memref_squeeze %dma_wait3A : memref<1x24576xi32, #tpu.memory_space<hbm>> -> memref<24576xi32, #tpu.memory_space<hbm>>
      %dma_wait3A_156 = tpu.memref_slice %arg3[%select_n3A, %mul3A_32] : memref<16x49152xi32, #tpu.memory_space<hbm>> -> memref<1x24576xi32, #tpu.memory_space<hbm>>
      %dma_wait3A_157 = tpu.memref_squeeze %dma_wait3A_156 : memref<1x24576xi32, #tpu.memory_space<hbm>> -> memref<24576xi32, #tpu.memory_space<hbm>>
      tpu.wait_dma2 semaphore(%run_scoped3A : memref<!tpu.dma_semaphore, #tpu.memory_space<semaphore_mem>>) src(%dma_wait3A_157 : memref<24576xi32, #tpu.memory_space<hbm>>) dst(%arg7 : memref<24576xi32, #tpu.memory_space<vmem>>)
      tpu.yield
    }) : () -> ()
    %scan3A = arith.constant 0 : i32
    %scan3A_33 = arith.constant 0 : i32
    %scan3A_34 = arith.constant 1536 : i32
    %scan3A_35 = arith.addi %scan3A_33, %scan3A_34 : i32
    %scan3A_36 = arith.constant 2 : i32
    %scan3A_37 = scf.for %scan3A_152 = %scan3A_33 to %scan3A_35 step %scan3A_36 iter_args(%scan3A_153 = %scan3A) -> (i32)  : i32 {
      %mul3A_154 = arith.constant 16 : i32
      %mul3A_155 = arith.muli %scan3A_152, %mul3A_154 : i32
      %get3A = arith.index_cast %mul3A_155 : i32 to index
      %get3A_156 = tpu.vector_load %arg6[%get3A] {strides = array<i32>} : memref<24576xf32, #tpu.memory_space<vmem>>, vector<16xf32>,
      %add3A_157 = arith.constant 1.000000e+00 : f32
      %add3A_158 = vector.broadcast %add3A_157 : f32 to vector<16xf32>
      %add3A_159 = arith.addf %get3A_156, %add3A_158 : vector<16xf32>
      %mul3A_160 = arith.constant 6.400000e+01 : f32
      %mul3A_161 = vector.broadcast %mul3A_160 : f32 to vector<16xf32>
      %mul3A_162 = arith.mulf %add3A_159, %mul3A_161 : vector<16xf32>
      %max3A = arith.constant -1.000000e+00 : f32
      %max3A_163 = vector.broadcast %max3A : f32 to vector<16xf32>
      %max3A_164 = arith.maximumf %mul3A_162, %max3A_163 : vector<16xf32>
      %min3A = arith.constant 1.638400e+04 : f32
      %min3A_165 = vector.broadcast %min3A : f32 to vector<16xf32>
      %min3A_166 = arith.minimumf %max3A_164, %min3A_165 : vector<16xf32>
      %convert_element_type3A = arith.fptosi %min3A_166 : vector<16xf32> to vector<16xi32>
      %convert_element_type3A_167 = arith.sitofp %convert_element_type3A : vector<16xi32> to vector<16xf32>
      %eq3A_168 = arith.cmpf oeq, %convert_element_type3A_167, %min3A_166 : vector<16xf32>
      %and3A_169 = arith.constant 1 : i32
      %and3A_170 = vector.broadcast %and3A_169 : i32 to vector<16xi32>
      %and3A_171 = arith.andi %convert_element_type3A, %and3A_170 : vector<16xi32>
      %eq3A_172 = arith.constant 1 : i32
      %eq3A_173 = vector.broadcast %eq3A_172 : i32 to vector<16xi32>
      %eq3A_174 = arith.cmpi eq, %and3A_171, %eq3A_173 : vector<16xi32>
      %and3A_175 = arith.andi %eq3A_168, %eq3A_174 : vector<16xi1>
      %sub3A_176 = arith.constant 1 : i32
      %sub3A_177 = vector.broadcast %sub3A_176 : i32 to vector<16xi32>
      %sub3A_178 = arith.subi %convert_element_type3A, %sub3A_177 : vector<16xi32>
      %select_n3A_179 = arith.select %and3A_175, %sub3A_178, %convert_element_type3A : vector<16xi1>, vector<16xi32>
      %max3A_180 = arith.constant 0 : i32
      %max3A_181 = vector.broadcast %max3A_180 : i32 to vector<16xi32>
      %max3A_182 = arith.maxsi %select_n3A_179, %max3A_181 : vector<16xi32>
      %min3A_183 = arith.constant 127 : i32
      %min3A_184 = vector.broadcast %min3A_183 : i32 to vector<16xi32>
      %min3A_185 = arith.minsi %max3A_182, %min3A_184 : vector<16xi32>
      %convert_element_type3A_186 = arith.sitofp %min3A_185 : vector<16xi32> to vector<16xf32>
      %mul3A_187 = arith.constant 16 : i32
      %mul3A_188 = arith.muli %scan3A_152, %mul3A_187 : i32
      %swap3A = arith.index_cast %mul3A_188 : i32 to index
      %swap3A_189 = tpu.vector_load %arg6[%swap3A] {strides = array<i32>} : memref<24576xf32, #tpu.memory_space<vmem>>, vector<16xf32>,
      tpu.vector_store %arg6[%swap3A], %convert_element_type3A_186 {strides = array<i32>} : memref<24576xf32, #tpu.memory_space<vmem>>, vector<16xf32>,
      %scan3A_190 = arith.constant 0 : i32
      %scan3A_191 = arith.constant 1 : i32
      %scan3A_192 = arith.addi %scan3A_152, %scan3A_191 : i32
      %mul3A_193 = arith.constant 16 : i32
      %mul3A_194 = arith.muli %scan3A_192, %mul3A_193 : i32
      %get3A_195 = arith.index_cast %mul3A_194 : i32 to index
      %get3A_196 = tpu.vector_load %arg6[%get3A_195] {strides = array<i32>} : memref<24576xf32, #tpu.memory_space<vmem>>, vector<16xf32>,
      %add3A_197 = arith.constant 1.000000e+00 : f32
      %add3A_198 = vector.broadcast %add3A_197 : f32 to vector<16xf32>
      %add3A_199 = arith.addf %get3A_196, %add3A_198 : vector<16xf32>
      %mul3A_200 = arith.constant 6.400000e+01 : f32
      %mul3A_201 = vector.broadcast %mul3A_200 : f32 to vector<16xf32>
      %mul3A_202 = arith.mulf %add3A_199, %mul3A_201 : vector<16xf32>
      %max3A_203 = arith.constant -1.000000e+00 : f32
      %max3A_204 = vector.broadcast %max3A_203 : f32 to vector<16xf32>
      %max3A_205 = arith.maximumf %mul3A_202, %max3A_204 : vector<16xf32>
      %min3A_206 = arith.constant 1.638400e+04 : f32
      %min3A_207 = vector.broadcast %min3A_206 : f32 to vector<16xf32>
      %min3A_208 = arith.minimumf %max3A_205, %min3A_207 : vector<16xf32>
      %convert_element_type3A_209 = arith.fptosi %min3A_208 : vector<16xf32> to vector<16xi32>
      %convert_element_type3A_210 = arith.sitofp %convert_element_type3A_209 : vector<16xi32> to vector<16xf32>
      %eq3A_211 = arith.cmpf oeq, %convert_element_type3A_210, %min3A_208 : vector<16xf32>
      %and3A_212 = arith.constant 1 : i32
      %and3A_213 = vector.broadcast %and3A_212 : i32 to vector<16xi32>
      %and3A_214 = arith.andi %convert_element_type3A_209, %and3A_213 : vector<16xi32>
      %eq3A_215 = arith.constant 1 : i32
      %eq3A_216 = vector.broadcast %eq3A_215 : i32 to vector<16xi32>
      %eq3A_217 = arith.cmpi eq, %and3A_214, %eq3A_216 : vector<16xi32>
      %and3A_218 = arith.andi %eq3A_211, %eq3A_217 : vector<16xi1>
      %sub3A_219 = arith.constant 1 : i32
      %sub3A_220 = vector.broadcast %sub3A_219 : i32 to vector<16xi32>
      %sub3A_221 = arith.subi %convert_element_type3A_209, %sub3A_220 : vector<16xi32>
      %select_n3A_222 = arith.select %and3A_218, %sub3A_221, %convert_element_type3A_209 : vector<16xi1>, vector<16xi32>
      %max3A_223 = arith.constant 0 : i32
      %max3A_224 = vector.broadcast %max3A_223 : i32 to vector<16xi32>
      %max3A_225 = arith.maxsi %select_n3A_222, %max3A_224 : vector<16xi32>
      %min3A_226 = arith.constant 127 : i32
      %min3A_227 = vector.broadcast %min3A_226 : i32 to vector<16xi32>
      %min3A_228 = arith.minsi %max3A_225, %min3A_227 : vector<16xi32>
      %convert_element_type3A_229 = arith.sitofp %min3A_228 : vector<16xi32> to vector<16xf32>
      %mul3A_230 = arith.constant 16 : i32
      %mul3A_231 = arith.muli %scan3A_192, %mul3A_230 : i32
      %swap3A_232 = arith.index_cast %mul3A_231 : i32 to index
      %swap3A_233 = tpu.vector_load %arg6[%swap3A_232] {strides = array<i32>} : memref<24576xf32, #tpu.memory_space<vmem>>, vector<16xf32>,
      tpu.vector_store %arg6[%swap3A_232], %convert_element_type3A_229 {strides = array<i32>} : memref<24576xf32, #tpu.memory_space<vmem>>, vector<16xf32>,
      %scan3A_234 = arith.constant 0 : i32
      scf.yield %scan3A_234 : i32
    }
    %scan3A_38 = arith.constant 1536 : i32
    %mul3A_39 = arith.constant 73728 : i32
    %mul3A_40 = arith.muli %select_n3A_30, %mul3A_39 : i32
    %iota3A = tpu.iota {dimensions = array<i32: 0>} : vector<16xi32>
    %mul3A_41 = arith.constant 3 : i32
    %mul3A_42 = vector.broadcast %mul3A_41 : i32 to vector<16xi32>
    %mul3A_43 = arith.muli %iota3A, %mul3A_42 : vector<16xi32>
    %scan3A_44 = arith.constant 0 : i32
    %scan3A_45 = arith.constant 0 : i32
    %scan3A_46 = arith.constant 128 : i32
    %scan3A_47 = arith.addi %scan3A_45, %scan3A_46 : i32
    %scan3A_48 = arith.constant 1 : i32
    %scan3A_49 = scf.for %scan3A_152 = %scan3A_45 to %scan3A_47 step %scan3A_48 iter_args(%scan3A_153 = %scan3A_44) -> (i32)  : i32 {
      %add3A_154 = arith.constant 0 : i32
      %add3A_155 = arith.addi %add3A_154, %scan3A_152 : i32
      %mul3A_156 = arith.constant 16 : i32
      %mul3A_157 = arith.muli %add3A_155, %mul3A_156 : i32
      %get3A = arith.index_cast %mul3A_157 : i32 to index
      %get3A_158 = tpu.vector_load %arg7[%get3A] {strides = array<i32>} : memref<24576xi32, #tpu.memory_space<vmem>>, vector<16xi32>,
      %mul3A_159 = arith.constant 3 : i32
      %mul3A_160 = vector.broadcast %mul3A_159 : i32 to vector<16xi32>
      %mul3A_161 = arith.muli %get3A_158, %mul3A_160 : vector<16xi32>
      %mul3A_162 = arith.constant 48 : i32
      %mul3A_163 = arith.muli %scan3A_152, %mul3A_162 : i32
      %add3A_164 = vector.broadcast %mul3A_163 : i32 to vector<16xi32>
      %add3A_165 = arith.addi %mul3A_43, %add3A_164 : vector<16xi32>
      %add3A_166 = arith.constant 0 : i32
      %add3A_167 = vector.broadcast %add3A_166 : i32 to vector<16xi32>
      %add3A_168 = arith.addi %mul3A_161, %add3A_167 : vector<16xi32>
      %gather3A = tpu.vector_load_idx %arg6[%add3A_168] : memref<24576xf32, #tpu.memory_space<vmem>>[vector<16xi32>], vector<16xf32>,
      %add3A_169 = arith.constant 0 : i32
      %add3A_170 = vector.broadcast %add3A_169 : i32 to vector<16xi32>
      %add3A_171 = arith.addi %add3A_165, %add3A_170 : vector<16xi32>
      %convert_element_type3A = arith.fptosi %gather3A : vector<16xf32> to vector<16xi32>
      tpu.vector_store_idx %arg8[%add3A_171], %convert_element_type3A : memref<6144xi32, #tpu.memory_space<vmem>>[vector<16xi32>], vector<16xi32>,
      %mul3A_172 = arith.constant 1.562500e-02 : f32
      %mul3A_173 = vector.broadcast %mul3A_172 : f32 to vector<16xf32>
      %mul3A_174 = arith.mulf %gather3A, %mul3A_173 : vector<16xf32>
      %add3A_175 = arith.constant -0.9921875 : f32
      %add3A_176 = vector.broadcast %add3A_175 : f32 to vector<16xf32>
      %add3A_177 = arith.addf %mul3A_174, %add3A_176 : vector<16xf32>
      %add3A_178 = arith.constant 0 : i32
      %add3A_179 = vector.broadcast %add3A_178 : i32 to vector<16xi32>
      %add3A_180 = arith.addi %add3A_165, %add3A_179 : vector<16xi32>
      tpu.vector_store_idx %arg9[%add3A_180], %add3A_177 : memref<6144xf32, #tpu.memory_space<vmem>>[vector<16xi32>], vector<16xf32>,
      %add3A_181 = arith.constant 1 : i32
      %add3A_182 = vector.broadcast %add3A_181 : i32 to vector<16xi32>
      %add3A_183 = arith.addi %mul3A_161, %add3A_182 : vector<16xi32>
      %gather3A_184 = tpu.vector_load_idx %arg6[%add3A_183] : memref<24576xf32, #tpu.memory_space<vmem>>[vector<16xi32>], vector<16xf32>,
      %add3A_185 = arith.constant 1 : i32
      %add3A_186 = vector.broadcast %add3A_185 : i32 to vector<16xi32>
      %add3A_187 = arith.addi %add3A_165, %add3A_186 : vector<16xi32>
      %convert_element_type3A_188 = arith.fptosi %gather3A_184 : vector<16xf32> to vector<16xi32>
      tpu.vector_store_idx %arg8[%add3A_187], %convert_element_type3A_188 : memref<6144xi32, #tpu.memory_space<vmem>>[vector<16xi32>], vector<16xi32>,
      %mul3A_189 = arith.constant 1.562500e-02 : f32
      %mul3A_190 = vector.broadcast %mul3A_189 : f32 to vector<16xf32>
      %mul3A_191 = arith.mulf %gather3A_184, %mul3A_190 : vector<16xf32>
      %add3A_192 = arith.constant -0.9921875 : f32
      %add3A_193 = vector.broadcast %add3A_192 : f32 to vector<16xf32>
      %add3A_194 = arith.addf %mul3A_191, %add3A_193 : vector<16xf32>
      %add3A_195 = arith.constant 1 : i32
      %add3A_196 = vector.broadcast %add3A_195 : i32 to vector<16xi32>
      %add3A_197 = arith.addi %add3A_165, %add3A_196 : vector<16xi32>
      tpu.vector_store_idx %arg9[%add3A_197], %add3A_194 : memref<6144xf32, #tpu.memory_space<vmem>>[vector<16xi32>], vector<16xf32>,
      %add3A_198 = arith.constant 2 : i32
      %add3A_199 = vector.broadcast %add3A_198 : i32 to vector<16xi32>
      %add3A_200 = arith.addi %mul3A_161, %add3A_199 : vector<16xi32>
      %gather3A_201 = tpu.vector_load_idx %arg6[%add3A_200] : memref<24576xf32, #tpu.memory_space<vmem>>[vector<16xi32>], vector<16xf32>,
      %add3A_202 = arith.constant 2 : i32
      %add3A_203 = vector.broadcast %add3A_202 : i32 to vector<16xi32>
      %add3A_204 = arith.addi %add3A_165, %add3A_203 : vector<16xi32>
      %convert_element_type3A_205 = arith.fptosi %gather3A_201 : vector<16xf32> to vector<16xi32>
      tpu.vector_store_idx %arg8[%add3A_204], %convert_element_type3A_205 : memref<6144xi32, #tpu.memory_space<vmem>>[vector<16xi32>], vector<16xi32>,
      %mul3A_206 = arith.constant 1.562500e-02 : f32
      %mul3A_207 = vector.broadcast %mul3A_206 : f32 to vector<16xf32>
      %mul3A_208 = arith.mulf %gather3A_201, %mul3A_207 : vector<16xf32>
      %add3A_209 = arith.constant -0.9921875 : f32
      %add3A_210 = vector.broadcast %add3A_209 : f32 to vector<16xf32>
      %add3A_211 = arith.addf %mul3A_208, %add3A_210 : vector<16xf32>
      %add3A_212 = arith.constant 2 : i32
      %add3A_213 = vector.broadcast %add3A_212 : i32 to vector<16xi32>
      %add3A_214 = arith.addi %add3A_165, %add3A_213 : vector<16xi32>
      tpu.vector_store_idx %arg9[%add3A_214], %add3A_211 : memref<6144xf32, #tpu.memory_space<vmem>>[vector<16xi32>], vector<16xf32>,
      %scan3A_215 = arith.constant 0 : i32
      scf.yield %scan3A_215 : i32
    }
    %scan3A_50 = arith.constant 128 : i32
    %add3A_51 = arith.constant 0 : i32
    %add3A_52 = arith.addi %mul3A_40, %add3A_51 : i32
    "tpu.region"() ({
      %run_scoped3A = tpu.sem_alloc : memref<!tpu.dma_semaphore, #tpu.memory_space<semaphore_mem>>
      %dma_start3A = tpu.memref_slice %arg4[%select_n3A, %add3A_52] : memref<16x147456xi32, #tpu.memory_space<hbm>> -> memref<1x6144xi32, #tpu.memory_space<hbm>>
      %dma_start3A_152 = tpu.memref_squeeze %dma_start3A : memref<1x6144xi32, #tpu.memory_space<hbm>> -> memref<6144xi32, #tpu.memory_space<hbm>>
      %dma_start3A_153 = tpu.memref_slice %arg4[%select_n3A, %add3A_52] : memref<16x147456xi32, #tpu.memory_space<hbm>> -> memref<1x6144xi32, #tpu.memory_space<hbm>>
      %dma_start3A_154 = tpu.memref_squeeze %dma_start3A_153 : memref<1x6144xi32, #tpu.memory_space<hbm>> -> memref<6144xi32, #tpu.memory_space<hbm>>
      tpu.enqueue_dma source(%arg8 : memref<6144xi32, #tpu.memory_space<vmem>>) target(%dma_start3A_154 : memref<6144xi32, #tpu.memory_space<hbm>>) target_semaphore(%run_scoped3A : memref<!tpu.dma_semaphore, #tpu.memory_space<semaphore_mem>>)
      %dma_wait3A = tpu.memref_slice %arg4[%select_n3A, %add3A_52] : memref<16x147456xi32, #tpu.memory_space<hbm>> -> memref<1x6144xi32, #tpu.memory_space<hbm>>
      %dma_wait3A_155 = tpu.memref_squeeze %dma_wait3A : memref<1x6144xi32, #tpu.memory_space<hbm>> -> memref<6144xi32, #tpu.memory_space<hbm>>
      %dma_wait3A_156 = tpu.memref_slice %arg4[%select_n3A, %add3A_52] : memref<16x147456xi32, #tpu.memory_space<hbm>> -> memref<1x6144xi32, #tpu.memory_space<hbm>>
      %dma_wait3A_157 = tpu.memref_squeeze %dma_wait3A_156 : memref<1x6144xi32, #tpu.memory_space<hbm>> -> memref<6144xi32, #tpu.memory_space<hbm>>
      tpu.wait_dma2 semaphore(%run_scoped3A : memref<!tpu.dma_semaphore, #tpu.memory_space<semaphore_mem>>) src(%arg8 : memref<6144xi32, #tpu.memory_space<vmem>>) dst(%dma_wait3A_157 : memref<6144xi32, #tpu.memory_space<hbm>>)
      tpu.yield
    }) : () -> ()
    "tpu.region"() ({
      %run_scoped3A = tpu.sem_alloc : memref<!tpu.dma_semaphore, #tpu.memory_space<semaphore_mem>>
      %dma_start3A = tpu.memref_slice %arg5[%select_n3A, %add3A_52] : memref<16x147456xf32, #tpu.memory_space<hbm>> -> memref<1x6144xf32, #tpu.memory_space<hbm>>
      %dma_start3A_152 = tpu.memref_squeeze %dma_start3A : memref<1x6144xf32, #tpu.memory_space<hbm>> -> memref<6144xf32, #tpu.memory_space<hbm>>
      %dma_start3A_153 = tpu.memref_slice %arg5[%select_n3A, %add3A_52] : memref<16x147456xf32, #tpu.memory_space<hbm>> -> memref<1x6144xf32, #tpu.memory_space<hbm>>
      %dma_start3A_154 = tpu.memref_squeeze %dma_start3A_153 : memref<1x6144xf32, #tpu.memory_space<hbm>> -> memref<6144xf32, #tpu.memory_space<hbm>>
      tpu.enqueue_dma source(%arg9 : memref<6144xf32, #tpu.memory_space<vmem>>) target(%dma_start3A_154 : memref<6144xf32, #tpu.memory_space<hbm>>) target_semaphore(%run_scoped3A : memref<!tpu.dma_semaphore, #tpu.memory_space<semaphore_mem>>)
      %dma_wait3A = tpu.memref_slice %arg5[%select_n3A, %add3A_52] : memref<16x147456xf32, #tpu.memory_space<hbm>> -> memref<1x6144xf32, #tpu.memory_space<hbm>>
      %dma_wait3A_155 = tpu.memref_squeeze %dma_wait3A : memref<1x6144xf32, #tpu.memory_space<hbm>> -> memref<6144xf32, #tpu.memory_space<hbm>>
      %dma_wait3A_156 = tpu.memref_slice %arg5[%select_n3A, %add3A_52] : memref<16x147456xf32, #tpu.memory_space<hbm>> -> memref<1x6144xf32, #tpu.memory_space<hbm>>
      %dma_wait3A_157 = tpu.memref_squeeze %dma_wait3A_156 : memref<1x6144xf32, #tpu.memory_space<hbm>> -> memref<6144xf32, #tpu.memory_space<hbm>>
      tpu.wait_dma2 semaphore(%run_scoped3A : memref<!tpu.dma_semaphore, #tpu.memory_space<semaphore_mem>>) src(%arg9 : memref<6144xf32, #tpu.memory_space<vmem>>) dst(%dma_wait3A_157 : memref<6144xf32, #tpu.memory_space<hbm>>)
      tpu.yield
    }) : () -> ()
    %scan3A_53 = arith.constant 0 : i32
    %scan3A_54 = arith.constant 0 : i32
    %scan3A_55 = arith.constant 128 : i32
    %scan3A_56 = arith.addi %scan3A_54, %scan3A_55 : i32
    %scan3A_57 = arith.constant 1 : i32
    %scan3A_58 = scf.for %scan3A_152 = %scan3A_54 to %scan3A_56 step %scan3A_57 iter_args(%scan3A_153 = %scan3A_53) -> (i32)  : i32 {
      %add3A_154 = arith.constant 128 : i32
      %add3A_155 = arith.addi %add3A_154, %scan3A_152 : i32
      %mul3A_156 = arith.constant 16 : i32
      %mul3A_157 = arith.muli %add3A_155, %mul3A_156 : i32
      %get3A = arith.index_cast %mul3A_157 : i32 to index
      %get3A_158 = tpu.vector_load %arg7[%get3A] {strides = array<i32>} : memref<24576xi32, #tpu.memory_space<vmem>>, vector<16xi32>,
      %mul3A_159 = arith.constant 3 : i32
      %mul3A_160 = vector.broadcast %mul3A_159 : i32 to vector<16xi32>
      %mul3A_161 = arith.muli %get3A_158, %mul3A_160 : vector<16xi32>
      %mul3A_162 = arith.constant 48 : i32
      %mul3A_163 = arith.muli %scan3A_152, %mul3A_162 : i32
      %add3A_164 = vector.broadcast %mul3A_163 : i32 to vector<16xi32>
      %add3A_165 = arith.addi %mul3A_43, %add3A_164 : vector<16xi32>
      %add3A_166 = arith.constant 0 : i32
      %add3A_167 = vector.broadcast %add3A_166 : i32 to vector<16xi32>
      %add3A_168 = arith.addi %mul3A_161, %add3A_167 : vector<16xi32>
      %gather3A = tpu.vector_load_idx %arg6[%add3A_168] : memref<24576xf32, #tpu.memory_space<vmem>>[vector<16xi32>], vector<16xf32>,
      %add3A_169 = arith.constant 0 : i32
      %add3A_170 = vector.broadcast %add3A_169 : i32 to vector<16xi32>
      %add3A_171 = arith.addi %add3A_165, %add3A_170 : vector<16xi32>
      %convert_element_type3A = arith.fptosi %gather3A : vector<16xf32> to vector<16xi32>
      tpu.vector_store_idx %arg8[%add3A_171], %convert_element_type3A : memref<6144xi32, #tpu.memory_space<vmem>>[vector<16xi32>], vector<16xi32>,
      %mul3A_172 = arith.constant 1.562500e-02 : f32
      %mul3A_173 = vector.broadcast %mul3A_172 : f32 to vector<16xf32>
      %mul3A_174 = arith.mulf %gather3A, %mul3A_173 : vector<16xf32>
      %add3A_175 = arith.constant -0.9921875 : f32
      %add3A_176 = vector.broadcast %add3A_175 : f32 to vector<16xf32>
      %add3A_177 = arith.addf %mul3A_174, %add3A_176 : vector<16xf32>
      %add3A_178 = arith.constant 0 : i32
      %add3A_179 = vector.broadcast %add3A_178 : i32 to vector<16xi32>
      %add3A_180 = arith.addi %add3A_165, %add3A_179 : vector<16xi32>
      tpu.vector_store_idx %arg9[%add3A_180], %add3A_177 : memref<6144xf32, #tpu.memory_space<vmem>>[vector<16xi32>], vector<16xf32>,
      %add3A_181 = arith.constant 1 : i32
      %add3A_182 = vector.broadcast %add3A_181 : i32 to vector<16xi32>
      %add3A_183 = arith.addi %mul3A_161, %add3A_182 : vector<16xi32>
      %gather3A_184 = tpu.vector_load_idx %arg6[%add3A_183] : memref<24576xf32, #tpu.memory_space<vmem>>[vector<16xi32>], vector<16xf32>,
      %add3A_185 = arith.constant 1 : i32
      %add3A_186 = vector.broadcast %add3A_185 : i32 to vector<16xi32>
      %add3A_187 = arith.addi %add3A_165, %add3A_186 : vector<16xi32>
      %convert_element_type3A_188 = arith.fptosi %gather3A_184 : vector<16xf32> to vector<16xi32>
      tpu.vector_store_idx %arg8[%add3A_187], %convert_element_type3A_188 : memref<6144xi32, #tpu.memory_space<vmem>>[vector<16xi32>], vector<16xi32>,
      %mul3A_189 = arith.constant 1.562500e-02 : f32
      %mul3A_190 = vector.broadcast %mul3A_189 : f32 to vector<16xf32>
      %mul3A_191 = arith.mulf %gather3A_184, %mul3A_190 : vector<16xf32>
      %add3A_192 = arith.constant -0.9921875 : f32
      %add3A_193 = vector.broadcast %add3A_192 : f32 to vector<16xf32>
      %add3A_194 = arith.addf %mul3A_191, %add3A_193 : vector<16xf32>
      %add3A_195 = arith.constant 1 : i32
      %add3A_196 = vector.broadcast %add3A_195 : i32 to vector<16xi32>
      %add3A_197 = arith.addi %add3A_165, %add3A_196 : vector<16xi32>
      tpu.vector_store_idx %arg9[%add3A_197], %add3A_194 : memref<6144xf32, #tpu.memory_space<vmem>>[vector<16xi32>], vector<16xf32>,
      %add3A_198 = arith.constant 2 : i32
      %add3A_199 = vector.broadcast %add3A_198 : i32 to vector<16xi32>
      %add3A_200 = arith.addi %mul3A_161, %add3A_199 : vector<16xi32>
      %gather3A_201 = tpu.vector_load_idx %arg6[%add3A_200] : memref<24576xf32, #tpu.memory_space<vmem>>[vector<16xi32>], vector<16xf32>,
      %add3A_202 = arith.constant 2 : i32
      %add3A_203 = vector.broadcast %add3A_202 : i32 to vector<16xi32>
      %add3A_204 = arith.addi %add3A_165, %add3A_203 : vector<16xi32>
      %convert_element_type3A_205 = arith.fptosi %gather3A_201 : vector<16xf32> to vector<16xi32>
      tpu.vector_store_idx %arg8[%add3A_204], %convert_element_type3A_205 : memref<6144xi32, #tpu.memory_space<vmem>>[vector<16xi32>], vector<16xi32>,
      %mul3A_206 = arith.constant 1.562500e-02 : f32
      %mul3A_207 = vector.broadcast %mul3A_206 : f32 to vector<16xf32>
      %mul3A_208 = arith.mulf %gather3A_201, %mul3A_207 : vector<16xf32>
      %add3A_209 = arith.constant -0.9921875 : f32
      %add3A_210 = vector.broadcast %add3A_209 : f32 to vector<16xf32>
      %add3A_211 = arith.addf %mul3A_208, %add3A_210 : vector<16xf32>
      %add3A_212 = arith.constant 2 : i32
      %add3A_213 = vector.broadcast %add3A_212 : i32 to vector<16xi32>
      %add3A_214 = arith.addi %add3A_165, %add3A_213 : vector<16xi32>
      tpu.vector_store_idx %arg9[%add3A_214], %add3A_211 : memref<6144xf32, #tpu.memory_space<vmem>>[vector<16xi32>], vector<16xf32>,
      %scan3A_215 = arith.constant 0 : i32
      scf.yield %scan3A_215 : i32
    }
    %scan3A_59 = arith.constant 128 : i32
    %add3A_60 = arith.constant 6144 : i32
    %add3A_61 = arith.addi %mul3A_40, %add3A_60 : i32
    "tpu.region"() ({
      %run_scoped3A = tpu.sem_alloc : memref<!tpu.dma_semaphore, #tpu.memory_space<semaphore_mem>>
      %dma_start3A = tpu.memref_slice %arg4[%select_n3A, %add3A_61] : memref<16x147456xi32, #tpu.memory_space<hbm>> -> memref<1x6144xi32, #tpu.memory_space<hbm>>
      %dma_start3A_152 = tpu.memref_squeeze %dma_start3A : memref<1x6144xi32, #tpu.memory_space<hbm>> -> memref<6144xi32, #tpu.memory_space<hbm>>
      %dma_start3A_153 = tpu.memref_slice %arg4[%select_n3A, %add3A_61] : memref<16x147456xi32, #tpu.memory_space<hbm>> -> memref<1x6144xi32, #tpu.memory_space<hbm>>
      %dma_start3A_154 = tpu.memref_squeeze %dma_start3A_153 : memref<1x6144xi32, #tpu.memory_space<hbm>> -> memref<6144xi32, #tpu.memory_space<hbm>>
      tpu.enqueue_dma source(%arg8 : memref<6144xi32, #tpu.memory_space<vmem>>) target(%dma_start3A_154 : memref<6144xi32, #tpu.memory_space<hbm>>) target_semaphore(%run_scoped3A : memref<!tpu.dma_semaphore, #tpu.memory_space<semaphore_mem>>)
      %dma_wait3A = tpu.memref_slice %arg4[%select_n3A, %add3A_61] : memref<16x147456xi32, #tpu.memory_space<hbm>> -> memref<1x6144xi32, #tpu.memory_space<hbm>>
      %dma_wait3A_155 = tpu.memref_squeeze %dma_wait3A : memref<1x6144xi32, #tpu.memory_space<hbm>> -> memref<6144xi32, #tpu.memory_space<hbm>>
      %dma_wait3A_156 = tpu.memref_slice %arg4[%select_n3A, %add3A_61] : memref<16x147456xi32, #tpu.memory_space<hbm>> -> memref<1x6144xi32, #tpu.memory_space<hbm>>
      %dma_wait3A_157 = tpu.memref_squeeze %dma_wait3A_156 : memref<1x6144xi32, #tpu.memory_space<hbm>> -> memref<6144xi32, #tpu.memory_space<hbm>>
      tpu.wait_dma2 semaphore(%run_scoped3A : memref<!tpu.dma_semaphore, #tpu.memory_space<semaphore_mem>>) src(%arg8 : memref<6144xi32, #tpu.memory_space<vmem>>) dst(%dma_wait3A_157 : memref<6144xi32, #tpu.memory_space<hbm>>)
      tpu.yield
    }) : () -> ()
    "tpu.region"() ({
      %run_scoped3A = tpu.sem_alloc : memref<!tpu.dma_semaphore, #tpu.memory_space<semaphore_mem>>
      %dma_start3A = tpu.memref_slice %arg5[%select_n3A, %add3A_61] : memref<16x147456xf32, #tpu.memory_space<hbm>> -> memref<1x6144xf32, #tpu.memory_space<hbm>>
      %dma_start3A_152 = tpu.memref_squeeze %dma_start3A : memref<1x6144xf32, #tpu.memory_space<hbm>> -> memref<6144xf32, #tpu.memory_space<hbm>>
      %dma_start3A_153 = tpu.memref_slice %arg5[%select_n3A, %add3A_61] : memref<16x147456xf32, #tpu.memory_space<hbm>> -> memref<1x6144xf32, #tpu.memory_space<hbm>>
      %dma_start3A_154 = tpu.memref_squeeze %dma_start3A_153 : memref<1x6144xf32, #tpu.memory_space<hbm>> -> memref<6144xf32, #tpu.memory_space<hbm>>
      tpu.enqueue_dma source(%arg9 : memref<6144xf32, #tpu.memory_space<vmem>>) target(%dma_start3A_154 : memref<6144xf32, #tpu.memory_space<hbm>>) target_semaphore(%run_scoped3A : memref<!tpu.dma_semaphore, #tpu.memory_space<semaphore_mem>>)
      %dma_wait3A = tpu.memref_slice %arg5[%select_n3A, %add3A_61] : memref<16x147456xf32, #tpu.memory_space<hbm>> -> memref<1x6144xf32, #tpu.memory_space<hbm>>
      %dma_wait3A_155 = tpu.memref_squeeze %dma_wait3A : memref<1x6144xf32, #tpu.memory_space<hbm>> -> memref<6144xf32, #tpu.memory_space<hbm>>
      %dma_wait3A_156 = tpu.memref_slice %arg5[%select_n3A, %add3A_61] : memref<16x147456xf32, #tpu.memory_space<hbm>> -> memref<1x6144xf32, #tpu.memory_space<hbm>>
      %dma_wait3A_157 = tpu.memref_squeeze %dma_wait3A_156 : memref<1x6144xf32, #tpu.memory_space<hbm>> -> memref<6144xf32, #tpu.memory_space<hbm>>
      tpu.wait_dma2 semaphore(%run_scoped3A : memref<!tpu.dma_semaphore, #tpu.memory_space<semaphore_mem>>) src(%arg9 : memref<6144xf32, #tpu.memory_space<vmem>>) dst(%dma_wait3A_157 : memref<6144xf32, #tpu.memory_space<hbm>>)
      tpu.yield
    }) : () -> ()
    %scan3A_62 = arith.constant 0 : i32
    %scan3A_63 = arith.constant 0 : i32
    %scan3A_64 = arith.constant 128 : i32
    %scan3A_65 = arith.addi %scan3A_63, %scan3A_64 : i32
    %scan3A_66 = arith.constant 1 : i32
    %scan3A_67 = scf.for %scan3A_152 = %scan3A_63 to %scan3A_65 step %scan3A_66 iter_args(%scan3A_153 = %scan3A_62) -> (i32)  : i32 {
      %add3A_154 = arith.constant 256 : i32
      %add3A_155 = arith.addi %add3A_154, %scan3A_152 : i32
      %mul3A_156 = arith.constant 16 : i32
      %mul3A_157 = arith.muli %add3A_155, %mul3A_156 : i32
      %get3A = arith.index_cast %mul3A_157 : i32 to index
      %get3A_158 = tpu.vector_load %arg7[%get3A] {strides = array<i32>} : memref<24576xi32, #tpu.memory_space<vmem>>, vector<16xi32>,
      %mul3A_159 = arith.constant 3 : i32
      %mul3A_160 = vector.broadcast %mul3A_159 : i32 to vector<16xi32>
      %mul3A_161 = arith.muli %get3A_158, %mul3A_160 : vector<16xi32>
      %mul3A_162 = arith.constant 48 : i32
      %mul3A_163 = arith.muli %scan3A_152, %mul3A_162 : i32
      %add3A_164 = vector.broadcast %mul3A_163 : i32 to vector<16xi32>
      %add3A_165 = arith.addi %mul3A_43, %add3A_164 : vector<16xi32>
      %add3A_166 = arith.constant 0 : i32
      %add3A_167 = vector.broadcast %add3A_166 : i32 to vector<16xi32>
      %add3A_168 = arith.addi %mul3A_161, %add3A_167 : vector<16xi32>
      %gather3A = tpu.vector_load_idx %arg6[%add3A_168] : memref<24576xf32, #tpu.memory_space<vmem>>[vector<16xi32>], vector<16xf32>,
      %add3A_169 = arith.constant 0 : i32
      %add3A_170 = vector.broadcast %add3A_169 : i32 to vector<16xi32>
      %add3A_171 = arith.addi %add3A_165, %add3A_170 : vector<16xi32>
      %convert_element_type3A = arith.fptosi %gather3A : vector<16xf32> to vector<16xi32>
      tpu.vector_store_idx %arg8[%add3A_171], %convert_element_type3A : memref<6144xi32, #tpu.memory_space<vmem>>[vector<16xi32>], vector<16xi32>,
      %mul3A_172 = arith.constant 1.562500e-02 : f32
      %mul3A_173 = vector.broadcast %mul3A_172 : f32 to vector<16xf32>
      %mul3A_174 = arith.mulf %gather3A, %mul3A_173 : vector<16xf32>
      %add3A_175 = arith.constant -0.9921875 : f32
      %add3A_176 = vector.broadcast %add3A_175 : f32 to vector<16xf32>
      %add3A_177 = arith.addf %mul3A_174, %add3A_176 : vector<16xf32>
      %add3A_178 = arith.constant 0 : i32
      %add3A_179 = vector.broadcast %add3A_178 : i32 to vector<16xi32>
      %add3A_180 = arith.addi %add3A_165, %add3A_179 : vector<16xi32>
      tpu.vector_store_idx %arg9[%add3A_180], %add3A_177 : memref<6144xf32, #tpu.memory_space<vmem>>[vector<16xi32>], vector<16xf32>,
      %add3A_181 = arith.constant 1 : i32
      %add3A_182 = vector.broadcast %add3A_181 : i32 to vector<16xi32>
      %add3A_183 = arith.addi %mul3A_161, %add3A_182 : vector<16xi32>
      %gather3A_184 = tpu.vector_load_idx %arg6[%add3A_183] : memref<24576xf32, #tpu.memory_space<vmem>>[vector<16xi32>], vector<16xf32>,
      %add3A_185 = arith.constant 1 : i32
      %add3A_186 = vector.broadcast %add3A_185 : i32 to vector<16xi32>
      %add3A_187 = arith.addi %add3A_165, %add3A_186 : vector<16xi32>
      %convert_element_type3A_188 = arith.fptosi %gather3A_184 : vector<16xf32> to vector<16xi32>
      tpu.vector_store_idx %arg8[%add3A_187], %convert_element_type3A_188 : memref<6144xi32, #tpu.memory_space<vmem>>[vector<16xi32>], vector<16xi32>,
      %mul3A_189 = arith.constant 1.562500e-02 : f32
      %mul3A_190 = vector.broadcast %mul3A_189 : f32 to vector<16xf32>
      %mul3A_191 = arith.mulf %gather3A_184, %mul3A_190 : vector<16xf32>
      %add3A_192 = arith.constant -0.9921875 : f32
      %add3A_193 = vector.broadcast %add3A_192 : f32 to vector<16xf32>
      %add3A_194 = arith.addf %mul3A_191, %add3A_193 : vector<16xf32>
      %add3A_195 = arith.constant 1 : i32
      %add3A_196 = vector.broadcast %add3A_195 : i32 to vector<16xi32>
      %add3A_197 = arith.addi %add3A_165, %add3A_196 : vector<16xi32>
      tpu.vector_store_idx %arg9[%add3A_197], %add3A_194 : memref<6144xf32, #tpu.memory_space<vmem>>[vector<16xi32>], vector<16xf32>,
      %add3A_198 = arith.constant 2 : i32
      %add3A_199 = vector.broadcast %add3A_198 : i32 to vector<16xi32>
      %add3A_200 = arith.addi %mul3A_161, %add3A_199 : vector<16xi32>
      %gather3A_201 = tpu.vector_load_idx %arg6[%add3A_200] : memref<24576xf32, #tpu.memory_space<vmem>>[vector<16xi32>], vector<16xf32>,
      %add3A_202 = arith.constant 2 : i32
      %add3A_203 = vector.broadcast %add3A_202 : i32 to vector<16xi32>
      %add3A_204 = arith.addi %add3A_165, %add3A_203 : vector<16xi32>
      %convert_element_type3A_205 = arith.fptosi %gather3A_201 : vector<16xf32> to vector<16xi32>
      tpu.vector_store_idx %arg8[%add3A_204], %convert_element_type3A_205 : memref<6144xi32, #tpu.memory_space<vmem>>[vector<16xi32>], vector<16xi32>,
      %mul3A_206 = arith.constant 1.562500e-02 : f32
      %mul3A_207 = vector.broadcast %mul3A_206 : f32 to vector<16xf32>
      %mul3A_208 = arith.mulf %gather3A_201, %mul3A_207 : vector<16xf32>
      %add3A_209 = arith.constant -0.9921875 : f32
      %add3A_210 = vector.broadcast %add3A_209 : f32 to vector<16xf32>
      %add3A_211 = arith.addf %mul3A_208, %add3A_210 : vector<16xf32>
      %add3A_212 = arith.constant 2 : i32
      %add3A_213 = vector.broadcast %add3A_212 : i32 to vector<16xi32>
      %add3A_214 = arith.addi %add3A_165, %add3A_213 : vector<16xi32>
      tpu.vector_store_idx %arg9[%add3A_214], %add3A_211 : memref<6144xf32, #tpu.memory_space<vmem>>[vector<16xi32>], vector<16xf32>,
      %scan3A_215 = arith.constant 0 : i32
      scf.yield %scan3A_215 : i32
    }
    %scan3A_68 = arith.constant 128 : i32
    %add3A_69 = arith.constant 12288 : i32
    %add3A_70 = arith.addi %mul3A_40, %add3A_69 : i32
    "tpu.region"() ({
      %run_scoped3A = tpu.sem_alloc : memref<!tpu.dma_semaphore, #tpu.memory_space<semaphore_mem>>
      %dma_start3A = tpu.memref_slice %arg4[%select_n3A, %add3A_70] : memref<16x147456xi32, #tpu.memory_space<hbm>> -> memref<1x6144xi32, #tpu.memory_space<hbm>>
      %dma_start3A_152 = tpu.memref_squeeze %dma_start3A : memref<1x6144xi32, #tpu.memory_space<hbm>> -> memref<6144xi32, #tpu.memory_space<hbm>>
      %dma_start3A_153 = tpu.memref_slice %arg4[%select_n3A, %add3A_70] : memref<16x147456xi32, #tpu.memory_space<hbm>> -> memref<1x6144xi32, #tpu.memory_space<hbm>>
      %dma_start3A_154 = tpu.memref_squeeze %dma_start3A_153 : memref<1x6144xi32, #tpu.memory_space<hbm>> -> memref<6144xi32, #tpu.memory_space<hbm>>
      tpu.enqueue_dma source(%arg8 : memref<6144xi32, #tpu.memory_space<vmem>>) target(%dma_start3A_154 : memref<6144xi32, #tpu.memory_space<hbm>>) target_semaphore(%run_scoped3A : memref<!tpu.dma_semaphore, #tpu.memory_space<semaphore_mem>>)
      %dma_wait3A = tpu.memref_slice %arg4[%select_n3A, %add3A_70] : memref<16x147456xi32, #tpu.memory_space<hbm>> -> memref<1x6144xi32, #tpu.memory_space<hbm>>
      %dma_wait3A_155 = tpu.memref_squeeze %dma_wait3A : memref<1x6144xi32, #tpu.memory_space<hbm>> -> memref<6144xi32, #tpu.memory_space<hbm>>
      %dma_wait3A_156 = tpu.memref_slice %arg4[%select_n3A, %add3A_70] : memref<16x147456xi32, #tpu.memory_space<hbm>> -> memref<1x6144xi32, #tpu.memory_space<hbm>>
      %dma_wait3A_157 = tpu.memref_squeeze %dma_wait3A_156 : memref<1x6144xi32, #tpu.memory_space<hbm>> -> memref<6144xi32, #tpu.memory_space<hbm>>
      tpu.wait_dma2 semaphore(%run_scoped3A : memref<!tpu.dma_semaphore, #tpu.memory_space<semaphore_mem>>) src(%arg8 : memref<6144xi32, #tpu.memory_space<vmem>>) dst(%dma_wait3A_157 : memref<6144xi32, #tpu.memory_space<hbm>>)
      tpu.yield
    }) : () -> ()
    "tpu.region"() ({
      %run_scoped3A = tpu.sem_alloc : memref<!tpu.dma_semaphore, #tpu.memory_space<semaphore_mem>>
      %dma_start3A = tpu.memref_slice %arg5[%select_n3A, %add3A_70] : memref<16x147456xf32, #tpu.memory_space<hbm>> -> memref<1x6144xf32, #tpu.memory_space<hbm>>
      %dma_start3A_152 = tpu.memref_squeeze %dma_start3A : memref<1x6144xf32, #tpu.memory_space<hbm>> -> memref<6144xf32, #tpu.memory_space<hbm>>
      %dma_start3A_153 = tpu.memref_slice %arg5[%select_n3A, %add3A_70] : memref<16x147456xf32, #tpu.memory_space<hbm>> -> memref<1x6144xf32, #tpu.memory_space<hbm>>
      %dma_start3A_154 = tpu.memref_squeeze %dma_start3A_153 : memref<1x6144xf32, #tpu.memory_space<hbm>> -> memref<6144xf32, #tpu.memory_space<hbm>>
      tpu.enqueue_dma source(%arg9 : memref<6144xf32, #tpu.memory_space<vmem>>) target(%dma_start3A_154 : memref<6144xf32, #tpu.memory_space<hbm>>) target_semaphore(%run_scoped3A : memref<!tpu.dma_semaphore, #tpu.memory_space<semaphore_mem>>)
      %dma_wait3A = tpu.memref_slice %arg5[%select_n3A, %add3A_70] : memref<16x147456xf32, #tpu.memory_space<hbm>> -> memref<1x6144xf32, #tpu.memory_space<hbm>>
      %dma_wait3A_155 = tpu.memref_squeeze %dma_wait3A : memref<1x6144xf32, #tpu.memory_space<hbm>> -> memref<6144xf32, #tpu.memory_space<hbm>>
      %dma_wait3A_156 = tpu.memref_slice %arg5[%select_n3A, %add3A_70] : memref<16x147456xf32, #tpu.memory_space<hbm>> -> memref<1x6144xf32, #tpu.memory_space<hbm>>
      %dma_wait3A_157 = tpu.memref_squeeze %dma_wait3A_156 : memref<1x6144xf32, #tpu.memory_space<hbm>> -> memref<6144xf32, #tpu.memory_space<hbm>>
      tpu.wait_dma2 semaphore(%run_scoped3A : memref<!tpu.dma_semaphore, #tpu.memory_space<semaphore_mem>>) src(%arg9 : memref<6144xf32, #tpu.memory_space<vmem>>) dst(%dma_wait3A_157 : memref<6144xf32, #tpu.memory_space<hbm>>)
      tpu.yield
    }) : () -> ()
    %scan3A_71 = arith.constant 0 : i32
    %scan3A_72 = arith.constant 0 : i32
    %scan3A_73 = arith.constant 128 : i32
    %scan3A_74 = arith.addi %scan3A_72, %scan3A_73 : i32
    %scan3A_75 = arith.constant 1 : i32
    %scan3A_76 = scf.for %scan3A_152 = %scan3A_72 to %scan3A_74 step %scan3A_75 iter_args(%scan3A_153 = %scan3A_71) -> (i32)  : i32 {
      %add3A_154 = arith.constant 384 : i32
      %add3A_155 = arith.addi %add3A_154, %scan3A_152 : i32
      %mul3A_156 = arith.constant 16 : i32
      %mul3A_157 = arith.muli %add3A_155, %mul3A_156 : i32
      %get3A = arith.index_cast %mul3A_157 : i32 to index
      %get3A_158 = tpu.vector_load %arg7[%get3A] {strides = array<i32>} : memref<24576xi32, #tpu.memory_space<vmem>>, vector<16xi32>,
      %mul3A_159 = arith.constant 3 : i32
      %mul3A_160 = vector.broadcast %mul3A_159 : i32 to vector<16xi32>
      %mul3A_161 = arith.muli %get3A_158, %mul3A_160 : vector<16xi32>
      %mul3A_162 = arith.constant 48 : i32
      %mul3A_163 = arith.muli %scan3A_152, %mul3A_162 : i32
      %add3A_164 = vector.broadcast %mul3A_163 : i32 to vector<16xi32>
      %add3A_165 = arith.addi %mul3A_43, %add3A_164 : vector<16xi32>
      %add3A_166 = arith.constant 0 : i32
      %add3A_167 = vector.broadcast %add3A_166 : i32 to vector<16xi32>
      %add3A_168 = arith.addi %mul3A_161, %add3A_167 : vector<16xi32>
      %gather3A = tpu.vector_load_idx %arg6[%add3A_168] : memref<24576xf32, #tpu.memory_space<vmem>>[vector<16xi32>], vector<16xf32>,
      %add3A_169 = arith.constant 0 : i32
      %add3A_170 = vector.broadcast %add3A_169 : i32 to vector<16xi32>
      %add3A_171 = arith.addi %add3A_165, %add3A_170 : vector<16xi32>
      %convert_element_type3A = arith.fptosi %gather3A : vector<16xf32> to vector<16xi32>
      tpu.vector_store_idx %arg8[%add3A_171], %convert_element_type3A : memref<6144xi32, #tpu.memory_space<vmem>>[vector<16xi32>], vector<16xi32>,
      %mul3A_172 = arith.constant 1.562500e-02 : f32
      %mul3A_173 = vector.broadcast %mul3A_172 : f32 to vector<16xf32>
      %mul3A_174 = arith.mulf %gather3A, %mul3A_173 : vector<16xf32>
      %add3A_175 = arith.constant -0.9921875 : f32
      %add3A_176 = vector.broadcast %add3A_175 : f32 to vector<16xf32>
      %add3A_177 = arith.addf %mul3A_174, %add3A_176 : vector<16xf32>
      %add3A_178 = arith.constant 0 : i32
      %add3A_179 = vector.broadcast %add3A_178 : i32 to vector<16xi32>
      %add3A_180 = arith.addi %add3A_165, %add3A_179 : vector<16xi32>
      tpu.vector_store_idx %arg9[%add3A_180], %add3A_177 : memref<6144xf32, #tpu.memory_space<vmem>>[vector<16xi32>], vector<16xf32>,
      %add3A_181 = arith.constant 1 : i32
      %add3A_182 = vector.broadcast %add3A_181 : i32 to vector<16xi32>
      %add3A_183 = arith.addi %mul3A_161, %add3A_182 : vector<16xi32>
      %gather3A_184 = tpu.vector_load_idx %arg6[%add3A_183] : memref<24576xf32, #tpu.memory_space<vmem>>[vector<16xi32>], vector<16xf32>,
      %add3A_185 = arith.constant 1 : i32
      %add3A_186 = vector.broadcast %add3A_185 : i32 to vector<16xi32>
      %add3A_187 = arith.addi %add3A_165, %add3A_186 : vector<16xi32>
      %convert_element_type3A_188 = arith.fptosi %gather3A_184 : vector<16xf32> to vector<16xi32>
      tpu.vector_store_idx %arg8[%add3A_187], %convert_element_type3A_188 : memref<6144xi32, #tpu.memory_space<vmem>>[vector<16xi32>], vector<16xi32>,
      %mul3A_189 = arith.constant 1.562500e-02 : f32
      %mul3A_190 = vector.broadcast %mul3A_189 : f32 to vector<16xf32>
      %mul3A_191 = arith.mulf %gather3A_184, %mul3A_190 : vector<16xf32>
      %add3A_192 = arith.constant -0.9921875 : f32
      %add3A_193 = vector.broadcast %add3A_192 : f32 to vector<16xf32>
      %add3A_194 = arith.addf %mul3A_191, %add3A_193 : vector<16xf32>
      %add3A_195 = arith.constant 1 : i32
      %add3A_196 = vector.broadcast %add3A_195 : i32 to vector<16xi32>
      %add3A_197 = arith.addi %add3A_165, %add3A_196 : vector<16xi32>
      tpu.vector_store_idx %arg9[%add3A_197], %add3A_194 : memref<6144xf32, #tpu.memory_space<vmem>>[vector<16xi32>], vector<16xf32>,
      %add3A_198 = arith.constant 2 : i32
      %add3A_199 = vector.broadcast %add3A_198 : i32 to vector<16xi32>
      %add3A_200 = arith.addi %mul3A_161, %add3A_199 : vector<16xi32>
      %gather3A_201 = tpu.vector_load_idx %arg6[%add3A_200] : memref<24576xf32, #tpu.memory_space<vmem>>[vector<16xi32>], vector<16xf32>,
      %add3A_202 = arith.constant 2 : i32
      %add3A_203 = vector.broadcast %add3A_202 : i32 to vector<16xi32>
      %add3A_204 = arith.addi %add3A_165, %add3A_203 : vector<16xi32>
      %convert_element_type3A_205 = arith.fptosi %gather3A_201 : vector<16xf32> to vector<16xi32>
      tpu.vector_store_idx %arg8[%add3A_204], %convert_element_type3A_205 : memref<6144xi32, #tpu.memory_space<vmem>>[vector<16xi32>], vector<16xi32>,
      %mul3A_206 = arith.constant 1.562500e-02 : f32
      %mul3A_207 = vector.broadcast %mul3A_206 : f32 to vector<16xf32>
      %mul3A_208 = arith.mulf %gather3A_201, %mul3A_207 : vector<16xf32>
      %add3A_209 = arith.constant -0.9921875 : f32
      %add3A_210 = vector.broadcast %add3A_209 : f32 to vector<16xf32>
      %add3A_211 = arith.addf %mul3A_208, %add3A_210 : vector<16xf32>
      %add3A_212 = arith.constant 2 : i32
      %add3A_213 = vector.broadcast %add3A_212 : i32 to vector<16xi32>
      %add3A_214 = arith.addi %add3A_165, %add3A_213 : vector<16xi32>
      tpu.vector_store_idx %arg9[%add3A_214], %add3A_211 : memref<6144xf32, #tpu.memory_space<vmem>>[vector<16xi32>], vector<16xf32>,
      %scan3A_215 = arith.constant 0 : i32
      scf.yield %scan3A_215 : i32
    }
    %scan3A_77 = arith.constant 128 : i32
    %add3A_78 = arith.constant 18432 : i32
    %add3A_79 = arith.addi %mul3A_40, %add3A_78 : i32
    "tpu.region"() ({
      %run_scoped3A = tpu.sem_alloc : memref<!tpu.dma_semaphore, #tpu.memory_space<semaphore_mem>>
      %dma_start3A = tpu.memref_slice %arg4[%select_n3A, %add3A_79] : memref<16x147456xi32, #tpu.memory_space<hbm>> -> memref<1x6144xi32, #tpu.memory_space<hbm>>
      %dma_start3A_152 = tpu.memref_squeeze %dma_start3A : memref<1x6144xi32, #tpu.memory_space<hbm>> -> memref<6144xi32, #tpu.memory_space<hbm>>
      %dma_start3A_153 = tpu.memref_slice %arg4[%select_n3A, %add3A_79] : memref<16x147456xi32, #tpu.memory_space<hbm>> -> memref<1x6144xi32, #tpu.memory_space<hbm>>
      %dma_start3A_154 = tpu.memref_squeeze %dma_start3A_153 : memref<1x6144xi32, #tpu.memory_space<hbm>> -> memref<6144xi32, #tpu.memory_space<hbm>>
      tpu.enqueue_dma source(%arg8 : memref<6144xi32, #tpu.memory_space<vmem>>) target(%dma_start3A_154 : memref<6144xi32, #tpu.memory_space<hbm>>) target_semaphore(%run_scoped3A : memref<!tpu.dma_semaphore, #tpu.memory_space<semaphore_mem>>)
      %dma_wait3A = tpu.memref_slice %arg4[%select_n3A, %add3A_79] : memref<16x147456xi32, #tpu.memory_space<hbm>> -> memref<1x6144xi32, #tpu.memory_space<hbm>>
      %dma_wait3A_155 = tpu.memref_squeeze %dma_wait3A : memref<1x6144xi32, #tpu.memory_space<hbm>> -> memref<6144xi32, #tpu.memory_space<hbm>>
      %dma_wait3A_156 = tpu.memref_slice %arg4[%select_n3A, %add3A_79] : memref<16x147456xi32, #tpu.memory_space<hbm>> -> memref<1x6144xi32, #tpu.memory_space<hbm>>
      %dma_wait3A_157 = tpu.memref_squeeze %dma_wait3A_156 : memref<1x6144xi32, #tpu.memory_space<hbm>> -> memref<6144xi32, #tpu.memory_space<hbm>>
      tpu.wait_dma2 semaphore(%run_scoped3A : memref<!tpu.dma_semaphore, #tpu.memory_space<semaphore_mem>>) src(%arg8 : memref<6144xi32, #tpu.memory_space<vmem>>) dst(%dma_wait3A_157 : memref<6144xi32, #tpu.memory_space<hbm>>)
      tpu.yield
    }) : () -> ()
    "tpu.region"() ({
      %run_scoped3A = tpu.sem_alloc : memref<!tpu.dma_semaphore, #tpu.memory_space<semaphore_mem>>
      %dma_start3A = tpu.memref_slice %arg5[%select_n3A, %add3A_79] : memref<16x147456xf32, #tpu.memory_space<hbm>> -> memref<1x6144xf32, #tpu.memory_space<hbm>>
      %dma_start3A_152 = tpu.memref_squeeze %dma_start3A : memref<1x6144xf32, #tpu.memory_space<hbm>> -> memref<6144xf32, #tpu.memory_space<hbm>>
      %dma_start3A_153 = tpu.memref_slice %arg5[%select_n3A, %add3A_79] : memref<16x147456xf32, #tpu.memory_space<hbm>> -> memref<1x6144xf32, #tpu.memory_space<hbm>>
      %dma_start3A_154 = tpu.memref_squeeze %dma_start3A_153 : memref<1x6144xf32, #tpu.memory_space<hbm>> -> memref<6144xf32, #tpu.memory_space<hbm>>
      tpu.enqueue_dma source(%arg9 : memref<6144xf32, #tpu.memory_space<vmem>>) target(%dma_start3A_154 : memref<6144xf32, #tpu.memory_space<hbm>>) target_semaphore(%run_scoped3A : memref<!tpu.dma_semaphore, #tpu.memory_space<semaphore_mem>>)
      %dma_wait3A = tpu.memref_slice %arg5[%select_n3A, %add3A_79] : memref<16x147456xf32, #tpu.memory_space<hbm>> -> memref<1x6144xf32, #tpu.memory_space<hbm>>
      %dma_wait3A_155 = tpu.memref_squeeze %dma_wait3A : memref<1x6144xf32, #tpu.memory_space<hbm>> -> memref<6144xf32, #tpu.memory_space<hbm>>
      %dma_wait3A_156 = tpu.memref_slice %arg5[%select_n3A, %add3A_79] : memref<16x147456xf32, #tpu.memory_space<hbm>> -> memref<1x6144xf32, #tpu.memory_space<hbm>>
      %dma_wait3A_157 = tpu.memref_squeeze %dma_wait3A_156 : memref<1x6144xf32, #tpu.memory_space<hbm>> -> memref<6144xf32, #tpu.memory_space<hbm>>
      tpu.wait_dma2 semaphore(%run_scoped3A : memref<!tpu.dma_semaphore, #tpu.memory_space<semaphore_mem>>) src(%arg9 : memref<6144xf32, #tpu.memory_space<vmem>>) dst(%dma_wait3A_157 : memref<6144xf32, #tpu.memory_space<hbm>>)
      tpu.yield
    }) : () -> ()
    %scan3A_80 = arith.constant 0 : i32
    %scan3A_81 = arith.constant 0 : i32
    %scan3A_82 = arith.constant 128 : i32
    %scan3A_83 = arith.addi %scan3A_81, %scan3A_82 : i32
    %scan3A_84 = arith.constant 1 : i32
    %scan3A_85 = scf.for %scan3A_152 = %scan3A_81 to %scan3A_83 step %scan3A_84 iter_args(%scan3A_153 = %scan3A_80) -> (i32)  : i32 {
      %add3A_154 = arith.constant 512 : i32
      %add3A_155 = arith.addi %add3A_154, %scan3A_152 : i32
      %mul3A_156 = arith.constant 16 : i32
      %mul3A_157 = arith.muli %add3A_155, %mul3A_156 : i32
      %get3A = arith.index_cast %mul3A_157 : i32 to index
      %get3A_158 = tpu.vector_load %arg7[%get3A] {strides = array<i32>} : memref<24576xi32, #tpu.memory_space<vmem>>, vector<16xi32>,
      %mul3A_159 = arith.constant 3 : i32
      %mul3A_160 = vector.broadcast %mul3A_159 : i32 to vector<16xi32>
      %mul3A_161 = arith.muli %get3A_158, %mul3A_160 : vector<16xi32>
      %mul3A_162 = arith.constant 48 : i32
      %mul3A_163 = arith.muli %scan3A_152, %mul3A_162 : i32
      %add3A_164 = vector.broadcast %mul3A_163 : i32 to vector<16xi32>
      %add3A_165 = arith.addi %mul3A_43, %add3A_164 : vector<16xi32>
      %add3A_166 = arith.constant 0 : i32
      %add3A_167 = vector.broadcast %add3A_166 : i32 to vector<16xi32>
      %add3A_168 = arith.addi %mul3A_161, %add3A_167 : vector<16xi32>
      %gather3A = tpu.vector_load_idx %arg6[%add3A_168] : memref<24576xf32, #tpu.memory_space<vmem>>[vector<16xi32>], vector<16xf32>,
      %add3A_169 = arith.constant 0 : i32
      %add3A_170 = vector.broadcast %add3A_169 : i32 to vector<16xi32>
      %add3A_171 = arith.addi %add3A_165, %add3A_170 : vector<16xi32>
      %convert_element_type3A = arith.fptosi %gather3A : vector<16xf32> to vector<16xi32>
      tpu.vector_store_idx %arg8[%add3A_171], %convert_element_type3A : memref<6144xi32, #tpu.memory_space<vmem>>[vector<16xi32>], vector<16xi32>,
      %mul3A_172 = arith.constant 1.562500e-02 : f32
      %mul3A_173 = vector.broadcast %mul3A_172 : f32 to vector<16xf32>
      %mul3A_174 = arith.mulf %gather3A, %mul3A_173 : vector<16xf32>
      %add3A_175 = arith.constant -0.9921875 : f32
      %add3A_176 = vector.broadcast %add3A_175 : f32 to vector<16xf32>
      %add3A_177 = arith.addf %mul3A_174, %add3A_176 : vector<16xf32>
      %add3A_178 = arith.constant 0 : i32
      %add3A_179 = vector.broadcast %add3A_178 : i32 to vector<16xi32>
      %add3A_180 = arith.addi %add3A_165, %add3A_179 : vector<16xi32>
      tpu.vector_store_idx %arg9[%add3A_180], %add3A_177 : memref<6144xf32, #tpu.memory_space<vmem>>[vector<16xi32>], vector<16xf32>,
      %add3A_181 = arith.constant 1 : i32
      %add3A_182 = vector.broadcast %add3A_181 : i32 to vector<16xi32>
      %add3A_183 = arith.addi %mul3A_161, %add3A_182 : vector<16xi32>
      %gather3A_184 = tpu.vector_load_idx %arg6[%add3A_183] : memref<24576xf32, #tpu.memory_space<vmem>>[vector<16xi32>], vector<16xf32>,
      %add3A_185 = arith.constant 1 : i32
      %add3A_186 = vector.broadcast %add3A_185 : i32 to vector<16xi32>
      %add3A_187 = arith.addi %add3A_165, %add3A_186 : vector<16xi32>
      %convert_element_type3A_188 = arith.fptosi %gather3A_184 : vector<16xf32> to vector<16xi32>
      tpu.vector_store_idx %arg8[%add3A_187], %convert_element_type3A_188 : memref<6144xi32, #tpu.memory_space<vmem>>[vector<16xi32>], vector<16xi32>,
      %mul3A_189 = arith.constant 1.562500e-02 : f32
      %mul3A_190 = vector.broadcast %mul3A_189 : f32 to vector<16xf32>
      %mul3A_191 = arith.mulf %gather3A_184, %mul3A_190 : vector<16xf32>
      %add3A_192 = arith.constant -0.9921875 : f32
      %add3A_193 = vector.broadcast %add3A_192 : f32 to vector<16xf32>
      %add3A_194 = arith.addf %mul3A_191, %add3A_193 : vector<16xf32>
      %add3A_195 = arith.constant 1 : i32
      %add3A_196 = vector.broadcast %add3A_195 : i32 to vector<16xi32>
      %add3A_197 = arith.addi %add3A_165, %add3A_196 : vector<16xi32>
      tpu.vector_store_idx %arg9[%add3A_197], %add3A_194 : memref<6144xf32, #tpu.memory_space<vmem>>[vector<16xi32>], vector<16xf32>,
      %add3A_198 = arith.constant 2 : i32
      %add3A_199 = vector.broadcast %add3A_198 : i32 to vector<16xi32>
      %add3A_200 = arith.addi %mul3A_161, %add3A_199 : vector<16xi32>
      %gather3A_201 = tpu.vector_load_idx %arg6[%add3A_200] : memref<24576xf32, #tpu.memory_space<vmem>>[vector<16xi32>], vector<16xf32>,
      %add3A_202 = arith.constant 2 : i32
      %add3A_203 = vector.broadcast %add3A_202 : i32 to vector<16xi32>
      %add3A_204 = arith.addi %add3A_165, %add3A_203 : vector<16xi32>
      %convert_element_type3A_205 = arith.fptosi %gather3A_201 : vector<16xf32> to vector<16xi32>
      tpu.vector_store_idx %arg8[%add3A_204], %convert_element_type3A_205 : memref<6144xi32, #tpu.memory_space<vmem>>[vector<16xi32>], vector<16xi32>,
      %mul3A_206 = arith.constant 1.562500e-02 : f32
      %mul3A_207 = vector.broadcast %mul3A_206 : f32 to vector<16xf32>
      %mul3A_208 = arith.mulf %gather3A_201, %mul3A_207 : vector<16xf32>
      %add3A_209 = arith.constant -0.9921875 : f32
      %add3A_210 = vector.broadcast %add3A_209 : f32 to vector<16xf32>
      %add3A_211 = arith.addf %mul3A_208, %add3A_210 : vector<16xf32>
      %add3A_212 = arith.constant 2 : i32
      %add3A_213 = vector.broadcast %add3A_212 : i32 to vector<16xi32>
      %add3A_214 = arith.addi %add3A_165, %add3A_213 : vector<16xi32>
      tpu.vector_store_idx %arg9[%add3A_214], %add3A_211 : memref<6144xf32, #tpu.memory_space<vmem>>[vector<16xi32>], vector<16xf32>,
      %scan3A_215 = arith.constant 0 : i32
      scf.yield %scan3A_215 : i32
    }
    %scan3A_86 = arith.constant 128 : i32
    %add3A_87 = arith.constant 24576 : i32
    %add3A_88 = arith.addi %mul3A_40, %add3A_87 : i32
    "tpu.region"() ({
      %run_scoped3A = tpu.sem_alloc : memref<!tpu.dma_semaphore, #tpu.memory_space<semaphore_mem>>
      %dma_start3A = tpu.memref_slice %arg4[%select_n3A, %add3A_88] : memref<16x147456xi32, #tpu.memory_space<hbm>> -> memref<1x6144xi32, #tpu.memory_space<hbm>>
      %dma_start3A_152 = tpu.memref_squeeze %dma_start3A : memref<1x6144xi32, #tpu.memory_space<hbm>> -> memref<6144xi32, #tpu.memory_space<hbm>>
      %dma_start3A_153 = tpu.memref_slice %arg4[%select_n3A, %add3A_88] : memref<16x147456xi32, #tpu.memory_space<hbm>> -> memref<1x6144xi32, #tpu.memory_space<hbm>>
      %dma_start3A_154 = tpu.memref_squeeze %dma_start3A_153 : memref<1x6144xi32, #tpu.memory_space<hbm>> -> memref<6144xi32, #tpu.memory_space<hbm>>
      tpu.enqueue_dma source(%arg8 : memref<6144xi32, #tpu.memory_space<vmem>>) target(%dma_start3A_154 : memref<6144xi32, #tpu.memory_space<hbm>>) target_semaphore(%run_scoped3A : memref<!tpu.dma_semaphore, #tpu.memory_space<semaphore_mem>>)
      %dma_wait3A = tpu.memref_slice %arg4[%select_n3A, %add3A_88] : memref<16x147456xi32, #tpu.memory_space<hbm>> -> memref<1x6144xi32, #tpu.memory_space<hbm>>
      %dma_wait3A_155 = tpu.memref_squeeze %dma_wait3A : memref<1x6144xi32, #tpu.memory_space<hbm>> -> memref<6144xi32, #tpu.memory_space<hbm>>
      %dma_wait3A_156 = tpu.memref_slice %arg4[%select_n3A, %add3A_88] : memref<16x147456xi32, #tpu.memory_space<hbm>> -> memref<1x6144xi32, #tpu.memory_space<hbm>>
      %dma_wait3A_157 = tpu.memref_squeeze %dma_wait3A_156 : memref<1x6144xi32, #tpu.memory_space<hbm>> -> memref<6144xi32, #tpu.memory_space<hbm>>
      tpu.wait_dma2 semaphore(%run_scoped3A : memref<!tpu.dma_semaphore, #tpu.memory_space<semaphore_mem>>) src(%arg8 : memref<6144xi32, #tpu.memory_space<vmem>>) dst(%dma_wait3A_157 : memref<6144xi32, #tpu.memory_space<hbm>>)
      tpu.yield
    }) : () -> ()
    "tpu.region"() ({
      %run_scoped3A = tpu.sem_alloc : memref<!tpu.dma_semaphore, #tpu.memory_space<semaphore_mem>>
      %dma_start3A = tpu.memref_slice %arg5[%select_n3A, %add3A_88] : memref<16x147456xf32, #tpu.memory_space<hbm>> -> memref<1x6144xf32, #tpu.memory_space<hbm>>
      %dma_start3A_152 = tpu.memref_squeeze %dma_start3A : memref<1x6144xf32, #tpu.memory_space<hbm>> -> memref<6144xf32, #tpu.memory_space<hbm>>
      %dma_start3A_153 = tpu.memref_slice %arg5[%select_n3A, %add3A_88] : memref<16x147456xf32, #tpu.memory_space<hbm>> -> memref<1x6144xf32, #tpu.memory_space<hbm>>
      %dma_start3A_154 = tpu.memref_squeeze %dma_start3A_153 : memref<1x6144xf32, #tpu.memory_space<hbm>> -> memref<6144xf32, #tpu.memory_space<hbm>>
      tpu.enqueue_dma source(%arg9 : memref<6144xf32, #tpu.memory_space<vmem>>) target(%dma_start3A_154 : memref<6144xf32, #tpu.memory_space<hbm>>) target_semaphore(%run_scoped3A : memref<!tpu.dma_semaphore, #tpu.memory_space<semaphore_mem>>)
      %dma_wait3A = tpu.memref_slice %arg5[%select_n3A, %add3A_88] : memref<16x147456xf32, #tpu.memory_space<hbm>> -> memref<1x6144xf32, #tpu.memory_space<hbm>>
      %dma_wait3A_155 = tpu.memref_squeeze %dma_wait3A : memref<1x6144xf32, #tpu.memory_space<hbm>> -> memref<6144xf32, #tpu.memory_space<hbm>>
      %dma_wait3A_156 = tpu.memref_slice %arg5[%select_n3A, %add3A_88] : memref<16x147456xf32, #tpu.memory_space<hbm>> -> memref<1x6144xf32, #tpu.memory_space<hbm>>
      %dma_wait3A_157 = tpu.memref_squeeze %dma_wait3A_156 : memref<1x6144xf32, #tpu.memory_space<hbm>> -> memref<6144xf32, #tpu.memory_space<hbm>>
      tpu.wait_dma2 semaphore(%run_scoped3A : memref<!tpu.dma_semaphore, #tpu.memory_space<semaphore_mem>>) src(%arg9 : memref<6144xf32, #tpu.memory_space<vmem>>) dst(%dma_wait3A_157 : memref<6144xf32, #tpu.memory_space<hbm>>)
      tpu.yield
    }) : () -> ()
    %scan3A_89 = arith.constant 0 : i32
    %scan3A_90 = arith.constant 0 : i32
    %scan3A_91 = arith.constant 128 : i32
    %scan3A_92 = arith.addi %scan3A_90, %scan3A_91 : i32
    %scan3A_93 = arith.constant 1 : i32
    %scan3A_94 = scf.for %scan3A_152 = %scan3A_90 to %scan3A_92 step %scan3A_93 iter_args(%scan3A_153 = %scan3A_89) -> (i32)  : i32 {
      %add3A_154 = arith.constant 640 : i32
      %add3A_155 = arith.addi %add3A_154, %scan3A_152 : i32
      %mul3A_156 = arith.constant 16 : i32
      %mul3A_157 = arith.muli %add3A_155, %mul3A_156 : i32
      %get3A = arith.index_cast %mul3A_157 : i32 to index
      %get3A_158 = tpu.vector_load %arg7[%get3A] {strides = array<i32>} : memref<24576xi32, #tpu.memory_space<vmem>>, vector<16xi32>,
      %mul3A_159 = arith.constant 3 : i32
      %mul3A_160 = vector.broadcast %mul3A_159 : i32 to vector<16xi32>
      %mul3A_161 = arith.muli %get3A_158, %mul3A_160 : vector<16xi32>
      %mul3A_162 = arith.constant 48 : i32
      %mul3A_163 = arith.muli %scan3A_152, %mul3A_162 : i32
      %add3A_164 = vector.broadcast %mul3A_163 : i32 to vector<16xi32>
      %add3A_165 = arith.addi %mul3A_43, %add3A_164 : vector<16xi32>
      %add3A_166 = arith.constant 0 : i32
      %add3A_167 = vector.broadcast %add3A_166 : i32 to vector<16xi32>
      %add3A_168 = arith.addi %mul3A_161, %add3A_167 : vector<16xi32>
      %gather3A = tpu.vector_load_idx %arg6[%add3A_168] : memref<24576xf32, #tpu.memory_space<vmem>>[vector<16xi32>], vector<16xf32>,
      %add3A_169 = arith.constant 0 : i32
      %add3A_170 = vector.broadcast %add3A_169 : i32 to vector<16xi32>
      %add3A_171 = arith.addi %add3A_165, %add3A_170 : vector<16xi32>
      %convert_element_type3A = arith.fptosi %gather3A : vector<16xf32> to vector<16xi32>
      tpu.vector_store_idx %arg8[%add3A_171], %convert_element_type3A : memref<6144xi32, #tpu.memory_space<vmem>>[vector<16xi32>], vector<16xi32>,
      %mul3A_172 = arith.constant 1.562500e-02 : f32
      %mul3A_173 = vector.broadcast %mul3A_172 : f32 to vector<16xf32>
      %mul3A_174 = arith.mulf %gather3A, %mul3A_173 : vector<16xf32>
      %add3A_175 = arith.constant -0.9921875 : f32
      %add3A_176 = vector.broadcast %add3A_175 : f32 to vector<16xf32>
      %add3A_177 = arith.addf %mul3A_174, %add3A_176 : vector<16xf32>
      %add3A_178 = arith.constant 0 : i32
      %add3A_179 = vector.broadcast %add3A_178 : i32 to vector<16xi32>
      %add3A_180 = arith.addi %add3A_165, %add3A_179 : vector<16xi32>
      tpu.vector_store_idx %arg9[%add3A_180], %add3A_177 : memref<6144xf32, #tpu.memory_space<vmem>>[vector<16xi32>], vector<16xf32>,
      %add3A_181 = arith.constant 1 : i32
      %add3A_182 = vector.broadcast %add3A_181 : i32 to vector<16xi32>
      %add3A_183 = arith.addi %mul3A_161, %add3A_182 : vector<16xi32>
      %gather3A_184 = tpu.vector_load_idx %arg6[%add3A_183] : memref<24576xf32, #tpu.memory_space<vmem>>[vector<16xi32>], vector<16xf32>,
      %add3A_185 = arith.constant 1 : i32
      %add3A_186 = vector.broadcast %add3A_185 : i32 to vector<16xi32>
      %add3A_187 = arith.addi %add3A_165, %add3A_186 : vector<16xi32>
      %convert_element_type3A_188 = arith.fptosi %gather3A_184 : vector<16xf32> to vector<16xi32>
      tpu.vector_store_idx %arg8[%add3A_187], %convert_element_type3A_188 : memref<6144xi32, #tpu.memory_space<vmem>>[vector<16xi32>], vector<16xi32>,
      %mul3A_189 = arith.constant 1.562500e-02 : f32
      %mul3A_190 = vector.broadcast %mul3A_189 : f32 to vector<16xf32>
      %mul3A_191 = arith.mulf %gather3A_184, %mul3A_190 : vector<16xf32>
      %add3A_192 = arith.constant -0.9921875 : f32
      %add3A_193 = vector.broadcast %add3A_192 : f32 to vector<16xf32>
      %add3A_194 = arith.addf %mul3A_191, %add3A_193 : vector<16xf32>
      %add3A_195 = arith.constant 1 : i32
      %add3A_196 = vector.broadcast %add3A_195 : i32 to vector<16xi32>
      %add3A_197 = arith.addi %add3A_165, %add3A_196 : vector<16xi32>
      tpu.vector_store_idx %arg9[%add3A_197], %add3A_194 : memref<6144xf32, #tpu.memory_space<vmem>>[vector<16xi32>], vector<16xf32>,
      %add3A_198 = arith.constant 2 : i32
      %add3A_199 = vector.broadcast %add3A_198 : i32 to vector<16xi32>
      %add3A_200 = arith.addi %mul3A_161, %add3A_199 : vector<16xi32>
      %gather3A_201 = tpu.vector_load_idx %arg6[%add3A_200] : memref<24576xf32, #tpu.memory_space<vmem>>[vector<16xi32>], vector<16xf32>,
      %add3A_202 = arith.constant 2 : i32
      %add3A_203 = vector.broadcast %add3A_202 : i32 to vector<16xi32>
      %add3A_204 = arith.addi %add3A_165, %add3A_203 : vector<16xi32>
      %convert_element_type3A_205 = arith.fptosi %gather3A_201 : vector<16xf32> to vector<16xi32>
      tpu.vector_store_idx %arg8[%add3A_204], %convert_element_type3A_205 : memref<6144xi32, #tpu.memory_space<vmem>>[vector<16xi32>], vector<16xi32>,
      %mul3A_206 = arith.constant 1.562500e-02 : f32
      %mul3A_207 = vector.broadcast %mul3A_206 : f32 to vector<16xf32>
      %mul3A_208 = arith.mulf %gather3A_201, %mul3A_207 : vector<16xf32>
      %add3A_209 = arith.constant -0.9921875 : f32
      %add3A_210 = vector.broadcast %add3A_209 : f32 to vector<16xf32>
      %add3A_211 = arith.addf %mul3A_208, %add3A_210 : vector<16xf32>
      %add3A_212 = arith.constant 2 : i32
      %add3A_213 = vector.broadcast %add3A_212 : i32 to vector<16xi32>
      %add3A_214 = arith.addi %add3A_165, %add3A_213 : vector<16xi32>
      tpu.vector_store_idx %arg9[%add3A_214], %add3A_211 : memref<6144xf32, #tpu.memory_space<vmem>>[vector<16xi32>], vector<16xf32>,
      %scan3A_215 = arith.constant 0 : i32
      scf.yield %scan3A_215 : i32
    }
    %scan3A_95 = arith.constant 128 : i32
    %add3A_96 = arith.constant 30720 : i32
    %add3A_97 = arith.addi %mul3A_40, %add3A_96 : i32
    "tpu.region"() ({
      %run_scoped3A = tpu.sem_alloc : memref<!tpu.dma_semaphore, #tpu.memory_space<semaphore_mem>>
      %dma_start3A = tpu.memref_slice %arg4[%select_n3A, %add3A_97] : memref<16x147456xi32, #tpu.memory_space<hbm>> -> memref<1x6144xi32, #tpu.memory_space<hbm>>
      %dma_start3A_152 = tpu.memref_squeeze %dma_start3A : memref<1x6144xi32, #tpu.memory_space<hbm>> -> memref<6144xi32, #tpu.memory_space<hbm>>
      %dma_start3A_153 = tpu.memref_slice %arg4[%select_n3A, %add3A_97] : memref<16x147456xi32, #tpu.memory_space<hbm>> -> memref<1x6144xi32, #tpu.memory_space<hbm>>
      %dma_start3A_154 = tpu.memref_squeeze %dma_start3A_153 : memref<1x6144xi32, #tpu.memory_space<hbm>> -> memref<6144xi32, #tpu.memory_space<hbm>>
      tpu.enqueue_dma source(%arg8 : memref<6144xi32, #tpu.memory_space<vmem>>) target(%dma_start3A_154 : memref<6144xi32, #tpu.memory_space<hbm>>) target_semaphore(%run_scoped3A : memref<!tpu.dma_semaphore, #tpu.memory_space<semaphore_mem>>)
      %dma_wait3A = tpu.memref_slice %arg4[%select_n3A, %add3A_97] : memref<16x147456xi32, #tpu.memory_space<hbm>> -> memref<1x6144xi32, #tpu.memory_space<hbm>>
      %dma_wait3A_155 = tpu.memref_squeeze %dma_wait3A : memref<1x6144xi32, #tpu.memory_space<hbm>> -> memref<6144xi32, #tpu.memory_space<hbm>>
      %dma_wait3A_156 = tpu.memref_slice %arg4[%select_n3A, %add3A_97] : memref<16x147456xi32, #tpu.memory_space<hbm>> -> memref<1x6144xi32, #tpu.memory_space<hbm>>
      %dma_wait3A_157 = tpu.memref_squeeze %dma_wait3A_156 : memref<1x6144xi32, #tpu.memory_space<hbm>> -> memref<6144xi32, #tpu.memory_space<hbm>>
      tpu.wait_dma2 semaphore(%run_scoped3A : memref<!tpu.dma_semaphore, #tpu.memory_space<semaphore_mem>>) src(%arg8 : memref<6144xi32, #tpu.memory_space<vmem>>) dst(%dma_wait3A_157 : memref<6144xi32, #tpu.memory_space<hbm>>)
      tpu.yield
    }) : () -> ()
    "tpu.region"() ({
      %run_scoped3A = tpu.sem_alloc : memref<!tpu.dma_semaphore, #tpu.memory_space<semaphore_mem>>
      %dma_start3A = tpu.memref_slice %arg5[%select_n3A, %add3A_97] : memref<16x147456xf32, #tpu.memory_space<hbm>> -> memref<1x6144xf32, #tpu.memory_space<hbm>>
      %dma_start3A_152 = tpu.memref_squeeze %dma_start3A : memref<1x6144xf32, #tpu.memory_space<hbm>> -> memref<6144xf32, #tpu.memory_space<hbm>>
      %dma_start3A_153 = tpu.memref_slice %arg5[%select_n3A, %add3A_97] : memref<16x147456xf32, #tpu.memory_space<hbm>> -> memref<1x6144xf32, #tpu.memory_space<hbm>>
      %dma_start3A_154 = tpu.memref_squeeze %dma_start3A_153 : memref<1x6144xf32, #tpu.memory_space<hbm>> -> memref<6144xf32, #tpu.memory_space<hbm>>
      tpu.enqueue_dma source(%arg9 : memref<6144xf32, #tpu.memory_space<vmem>>) target(%dma_start3A_154 : memref<6144xf32, #tpu.memory_space<hbm>>) target_semaphore(%run_scoped3A : memref<!tpu.dma_semaphore, #tpu.memory_space<semaphore_mem>>)
      %dma_wait3A = tpu.memref_slice %arg5[%select_n3A, %add3A_97] : memref<16x147456xf32, #tpu.memory_space<hbm>> -> memref<1x6144xf32, #tpu.memory_space<hbm>>
      %dma_wait3A_155 = tpu.memref_squeeze %dma_wait3A : memref<1x6144xf32, #tpu.memory_space<hbm>> -> memref<6144xf32, #tpu.memory_space<hbm>>
      %dma_wait3A_156 = tpu.memref_slice %arg5[%select_n3A, %add3A_97] : memref<16x147456xf32, #tpu.memory_space<hbm>> -> memref<1x6144xf32, #tpu.memory_space<hbm>>
      %dma_wait3A_157 = tpu.memref_squeeze %dma_wait3A_156 : memref<1x6144xf32, #tpu.memory_space<hbm>> -> memref<6144xf32, #tpu.memory_space<hbm>>
      tpu.wait_dma2 semaphore(%run_scoped3A : memref<!tpu.dma_semaphore, #tpu.memory_space<semaphore_mem>>) src(%arg9 : memref<6144xf32, #tpu.memory_space<vmem>>) dst(%dma_wait3A_157 : memref<6144xf32, #tpu.memory_space<hbm>>)
      tpu.yield
    }) : () -> ()
    %scan3A_98 = arith.constant 0 : i32
    %scan3A_99 = arith.constant 0 : i32
    %scan3A_100 = arith.constant 128 : i32
    %scan3A_101 = arith.addi %scan3A_99, %scan3A_100 : i32
    %scan3A_102 = arith.constant 1 : i32
    %scan3A_103 = scf.for %scan3A_152 = %scan3A_99 to %scan3A_101 step %scan3A_102 iter_args(%scan3A_153 = %scan3A_98) -> (i32)  : i32 {
      %add3A_154 = arith.constant 768 : i32
      %add3A_155 = arith.addi %add3A_154, %scan3A_152 : i32
      %mul3A_156 = arith.constant 16 : i32
      %mul3A_157 = arith.muli %add3A_155, %mul3A_156 : i32
      %get3A = arith.index_cast %mul3A_157 : i32 to index
      %get3A_158 = tpu.vector_load %arg7[%get3A] {strides = array<i32>} : memref<24576xi32, #tpu.memory_space<vmem>>, vector<16xi32>,
      %mul3A_159 = arith.constant 3 : i32
      %mul3A_160 = vector.broadcast %mul3A_159 : i32 to vector<16xi32>
      %mul3A_161 = arith.muli %get3A_158, %mul3A_160 : vector<16xi32>
      %mul3A_162 = arith.constant 48 : i32
      %mul3A_163 = arith.muli %scan3A_152, %mul3A_162 : i32
      %add3A_164 = vector.broadcast %mul3A_163 : i32 to vector<16xi32>
      %add3A_165 = arith.addi %mul3A_43, %add3A_164 : vector<16xi32>
      %add3A_166 = arith.constant 0 : i32
      %add3A_167 = vector.broadcast %add3A_166 : i32 to vector<16xi32>
      %add3A_168 = arith.addi %mul3A_161, %add3A_167 : vector<16xi32>
      %gather3A = tpu.vector_load_idx %arg6[%add3A_168] : memref<24576xf32, #tpu.memory_space<vmem>>[vector<16xi32>], vector<16xf32>,
      %add3A_169 = arith.constant 0 : i32
      %add3A_170 = vector.broadcast %add3A_169 : i32 to vector<16xi32>
      %add3A_171 = arith.addi %add3A_165, %add3A_170 : vector<16xi32>
      %convert_element_type3A = arith.fptosi %gather3A : vector<16xf32> to vector<16xi32>
      tpu.vector_store_idx %arg8[%add3A_171], %convert_element_type3A : memref<6144xi32, #tpu.memory_space<vmem>>[vector<16xi32>], vector<16xi32>,
      %mul3A_172 = arith.constant 1.562500e-02 : f32
      %mul3A_173 = vector.broadcast %mul3A_172 : f32 to vector<16xf32>
      %mul3A_174 = arith.mulf %gather3A, %mul3A_173 : vector<16xf32>
      %add3A_175 = arith.constant -0.9921875 : f32
      %add3A_176 = vector.broadcast %add3A_175 : f32 to vector<16xf32>
      %add3A_177 = arith.addf %mul3A_174, %add3A_176 : vector<16xf32>
      %add3A_178 = arith.constant 0 : i32
      %add3A_179 = vector.broadcast %add3A_178 : i32 to vector<16xi32>
      %add3A_180 = arith.addi %add3A_165, %add3A_179 : vector<16xi32>
      tpu.vector_store_idx %arg9[%add3A_180], %add3A_177 : memref<6144xf32, #tpu.memory_space<vmem>>[vector<16xi32>], vector<16xf32>,
      %add3A_181 = arith.constant 1 : i32
      %add3A_182 = vector.broadcast %add3A_181 : i32 to vector<16xi32>
      %add3A_183 = arith.addi %mul3A_161, %add3A_182 : vector<16xi32>
      %gather3A_184 = tpu.vector_load_idx %arg6[%add3A_183] : memref<24576xf32, #tpu.memory_space<vmem>>[vector<16xi32>], vector<16xf32>,
      %add3A_185 = arith.constant 1 : i32
      %add3A_186 = vector.broadcast %add3A_185 : i32 to vector<16xi32>
      %add3A_187 = arith.addi %add3A_165, %add3A_186 : vector<16xi32>
      %convert_element_type3A_188 = arith.fptosi %gather3A_184 : vector<16xf32> to vector<16xi32>
      tpu.vector_store_idx %arg8[%add3A_187], %convert_element_type3A_188 : memref<6144xi32, #tpu.memory_space<vmem>>[vector<16xi32>], vector<16xi32>,
      %mul3A_189 = arith.constant 1.562500e-02 : f32
      %mul3A_190 = vector.broadcast %mul3A_189 : f32 to vector<16xf32>
      %mul3A_191 = arith.mulf %gather3A_184, %mul3A_190 : vector<16xf32>
      %add3A_192 = arith.constant -0.9921875 : f32
      %add3A_193 = vector.broadcast %add3A_192 : f32 to vector<16xf32>
      %add3A_194 = arith.addf %mul3A_191, %add3A_193 : vector<16xf32>
      %add3A_195 = arith.constant 1 : i32
      %add3A_196 = vector.broadcast %add3A_195 : i32 to vector<16xi32>
      %add3A_197 = arith.addi %add3A_165, %add3A_196 : vector<16xi32>
      tpu.vector_store_idx %arg9[%add3A_197], %add3A_194 : memref<6144xf32, #tpu.memory_space<vmem>>[vector<16xi32>], vector<16xf32>,
      %add3A_198 = arith.constant 2 : i32
      %add3A_199 = vector.broadcast %add3A_198 : i32 to vector<16xi32>
      %add3A_200 = arith.addi %mul3A_161, %add3A_199 : vector<16xi32>
      %gather3A_201 = tpu.vector_load_idx %arg6[%add3A_200] : memref<24576xf32, #tpu.memory_space<vmem>>[vector<16xi32>], vector<16xf32>,
      %add3A_202 = arith.constant 2 : i32
      %add3A_203 = vector.broadcast %add3A_202 : i32 to vector<16xi32>
      %add3A_204 = arith.addi %add3A_165, %add3A_203 : vector<16xi32>
      %convert_element_type3A_205 = arith.fptosi %gather3A_201 : vector<16xf32> to vector<16xi32>
      tpu.vector_store_idx %arg8[%add3A_204], %convert_element_type3A_205 : memref<6144xi32, #tpu.memory_space<vmem>>[vector<16xi32>], vector<16xi32>,
      %mul3A_206 = arith.constant 1.562500e-02 : f32
      %mul3A_207 = vector.broadcast %mul3A_206 : f32 to vector<16xf32>
      %mul3A_208 = arith.mulf %gather3A_201, %mul3A_207 : vector<16xf32>
      %add3A_209 = arith.constant -0.9921875 : f32
      %add3A_210 = vector.broadcast %add3A_209 : f32 to vector<16xf32>
      %add3A_211 = arith.addf %mul3A_208, %add3A_210 : vector<16xf32>
      %add3A_212 = arith.constant 2 : i32
      %add3A_213 = vector.broadcast %add3A_212 : i32 to vector<16xi32>
      %add3A_214 = arith.addi %add3A_165, %add3A_213 : vector<16xi32>
      tpu.vector_store_idx %arg9[%add3A_214], %add3A_211 : memref<6144xf32, #tpu.memory_space<vmem>>[vector<16xi32>], vector<16xf32>,
      %scan3A_215 = arith.constant 0 : i32
      scf.yield %scan3A_215 : i32
    }
    %scan3A_104 = arith.constant 128 : i32
    %add3A_105 = arith.constant 36864 : i32
    %add3A_106 = arith.addi %mul3A_40, %add3A_105 : i32
    "tpu.region"() ({
      %run_scoped3A = tpu.sem_alloc : memref<!tpu.dma_semaphore, #tpu.memory_space<semaphore_mem>>
      %dma_start3A = tpu.memref_slice %arg4[%select_n3A, %add3A_106] : memref<16x147456xi32, #tpu.memory_space<hbm>> -> memref<1x6144xi32, #tpu.memory_space<hbm>>
      %dma_start3A_152 = tpu.memref_squeeze %dma_start3A : memref<1x6144xi32, #tpu.memory_space<hbm>> -> memref<6144xi32, #tpu.memory_space<hbm>>
      %dma_start3A_153 = tpu.memref_slice %arg4[%select_n3A, %add3A_106] : memref<16x147456xi32, #tpu.memory_space<hbm>> -> memref<1x6144xi32, #tpu.memory_space<hbm>>
      %dma_start3A_154 = tpu.memref_squeeze %dma_start3A_153 : memref<1x6144xi32, #tpu.memory_space<hbm>> -> memref<6144xi32, #tpu.memory_space<hbm>>
      tpu.enqueue_dma source(%arg8 : memref<6144xi32, #tpu.memory_space<vmem>>) target(%dma_start3A_154 : memref<6144xi32, #tpu.memory_space<hbm>>) target_semaphore(%run_scoped3A : memref<!tpu.dma_semaphore, #tpu.memory_space<semaphore_mem>>)
      %dma_wait3A = tpu.memref_slice %arg4[%select_n3A, %add3A_106] : memref<16x147456xi32, #tpu.memory_space<hbm>> -> memref<1x6144xi32, #tpu.memory_space<hbm>>
      %dma_wait3A_155 = tpu.memref_squeeze %dma_wait3A : memref<1x6144xi32, #tpu.memory_space<hbm>> -> memref<6144xi32, #tpu.memory_space<hbm>>
      %dma_wait3A_156 = tpu.memref_slice %arg4[%select_n3A, %add3A_106] : memref<16x147456xi32, #tpu.memory_space<hbm>> -> memref<1x6144xi32, #tpu.memory_space<hbm>>
      %dma_wait3A_157 = tpu.memref_squeeze %dma_wait3A_156 : memref<1x6144xi32, #tpu.memory_space<hbm>> -> memref<6144xi32, #tpu.memory_space<hbm>>
      tpu.wait_dma2 semaphore(%run_scoped3A : memref<!tpu.dma_semaphore, #tpu.memory_space<semaphore_mem>>) src(%arg8 : memref<6144xi32, #tpu.memory_space<vmem>>) dst(%dma_wait3A_157 : memref<6144xi32, #tpu.memory_space<hbm>>)
      tpu.yield
    }) : () -> ()
    "tpu.region"() ({
      %run_scoped3A = tpu.sem_alloc : memref<!tpu.dma_semaphore, #tpu.memory_space<semaphore_mem>>
      %dma_start3A = tpu.memref_slice %arg5[%select_n3A, %add3A_106] : memref<16x147456xf32, #tpu.memory_space<hbm>> -> memref<1x6144xf32, #tpu.memory_space<hbm>>
      %dma_start3A_152 = tpu.memref_squeeze %dma_start3A : memref<1x6144xf32, #tpu.memory_space<hbm>> -> memref<6144xf32, #tpu.memory_space<hbm>>
      %dma_start3A_153 = tpu.memref_slice %arg5[%select_n3A, %add3A_106] : memref<16x147456xf32, #tpu.memory_space<hbm>> -> memref<1x6144xf32, #tpu.memory_space<hbm>>
      %dma_start3A_154 = tpu.memref_squeeze %dma_start3A_153 : memref<1x6144xf32, #tpu.memory_space<hbm>> -> memref<6144xf32, #tpu.memory_space<hbm>>
      tpu.enqueue_dma source(%arg9 : memref<6144xf32, #tpu.memory_space<vmem>>) target(%dma_start3A_154 : memref<6144xf32, #tpu.memory_space<hbm>>) target_semaphore(%run_scoped3A : memref<!tpu.dma_semaphore, #tpu.memory_space<semaphore_mem>>)
      %dma_wait3A = tpu.memref_slice %arg5[%select_n3A, %add3A_106] : memref<16x147456xf32, #tpu.memory_space<hbm>> -> memref<1x6144xf32, #tpu.memory_space<hbm>>
      %dma_wait3A_155 = tpu.memref_squeeze %dma_wait3A : memref<1x6144xf32, #tpu.memory_space<hbm>> -> memref<6144xf32, #tpu.memory_space<hbm>>
      %dma_wait3A_156 = tpu.memref_slice %arg5[%select_n3A, %add3A_106] : memref<16x147456xf32, #tpu.memory_space<hbm>> -> memref<1x6144xf32, #tpu.memory_space<hbm>>
      %dma_wait3A_157 = tpu.memref_squeeze %dma_wait3A_156 : memref<1x6144xf32, #tpu.memory_space<hbm>> -> memref<6144xf32, #tpu.memory_space<hbm>>
      tpu.wait_dma2 semaphore(%run_scoped3A : memref<!tpu.dma_semaphore, #tpu.memory_space<semaphore_mem>>) src(%arg9 : memref<6144xf32, #tpu.memory_space<vmem>>) dst(%dma_wait3A_157 : memref<6144xf32, #tpu.memory_space<hbm>>)
      tpu.yield
    }) : () -> ()
    %scan3A_107 = arith.constant 0 : i32
    %scan3A_108 = arith.constant 0 : i32
    %scan3A_109 = arith.constant 128 : i32
    %scan3A_110 = arith.addi %scan3A_108, %scan3A_109 : i32
    %scan3A_111 = arith.constant 1 : i32
    %scan3A_112 = scf.for %scan3A_152 = %scan3A_108 to %scan3A_110 step %scan3A_111 iter_args(%scan3A_153 = %scan3A_107) -> (i32)  : i32 {
      %add3A_154 = arith.constant 896 : i32
      %add3A_155 = arith.addi %add3A_154, %scan3A_152 : i32
      %mul3A_156 = arith.constant 16 : i32
      %mul3A_157 = arith.muli %add3A_155, %mul3A_156 : i32
      %get3A = arith.index_cast %mul3A_157 : i32 to index
      %get3A_158 = tpu.vector_load %arg7[%get3A] {strides = array<i32>} : memref<24576xi32, #tpu.memory_space<vmem>>, vector<16xi32>,
      %mul3A_159 = arith.constant 3 : i32
      %mul3A_160 = vector.broadcast %mul3A_159 : i32 to vector<16xi32>
      %mul3A_161 = arith.muli %get3A_158, %mul3A_160 : vector<16xi32>
      %mul3A_162 = arith.constant 48 : i32
      %mul3A_163 = arith.muli %scan3A_152, %mul3A_162 : i32
      %add3A_164 = vector.broadcast %mul3A_163 : i32 to vector<16xi32>
      %add3A_165 = arith.addi %mul3A_43, %add3A_164 : vector<16xi32>
      %add3A_166 = arith.constant 0 : i32
      %add3A_167 = vector.broadcast %add3A_166 : i32 to vector<16xi32>
      %add3A_168 = arith.addi %mul3A_161, %add3A_167 : vector<16xi32>
      %gather3A = tpu.vector_load_idx %arg6[%add3A_168] : memref<24576xf32, #tpu.memory_space<vmem>>[vector<16xi32>], vector<16xf32>,
      %add3A_169 = arith.constant 0 : i32
      %add3A_170 = vector.broadcast %add3A_169 : i32 to vector<16xi32>
      %add3A_171 = arith.addi %add3A_165, %add3A_170 : vector<16xi32>
      %convert_element_type3A = arith.fptosi %gather3A : vector<16xf32> to vector<16xi32>
      tpu.vector_store_idx %arg8[%add3A_171], %convert_element_type3A : memref<6144xi32, #tpu.memory_space<vmem>>[vector<16xi32>], vector<16xi32>,
      %mul3A_172 = arith.constant 1.562500e-02 : f32
      %mul3A_173 = vector.broadcast %mul3A_172 : f32 to vector<16xf32>
      %mul3A_174 = arith.mulf %gather3A, %mul3A_173 : vector<16xf32>
      %add3A_175 = arith.constant -0.9921875 : f32
      %add3A_176 = vector.broadcast %add3A_175 : f32 to vector<16xf32>
      %add3A_177 = arith.addf %mul3A_174, %add3A_176 : vector<16xf32>
      %add3A_178 = arith.constant 0 : i32
      %add3A_179 = vector.broadcast %add3A_178 : i32 to vector<16xi32>
      %add3A_180 = arith.addi %add3A_165, %add3A_179 : vector<16xi32>
      tpu.vector_store_idx %arg9[%add3A_180], %add3A_177 : memref<6144xf32, #tpu.memory_space<vmem>>[vector<16xi32>], vector<16xf32>,
      %add3A_181 = arith.constant 1 : i32
      %add3A_182 = vector.broadcast %add3A_181 : i32 to vector<16xi32>
      %add3A_183 = arith.addi %mul3A_161, %add3A_182 : vector<16xi32>
      %gather3A_184 = tpu.vector_load_idx %arg6[%add3A_183] : memref<24576xf32, #tpu.memory_space<vmem>>[vector<16xi32>], vector<16xf32>,
      %add3A_185 = arith.constant 1 : i32
      %add3A_186 = vector.broadcast %add3A_185 : i32 to vector<16xi32>
      %add3A_187 = arith.addi %add3A_165, %add3A_186 : vector<16xi32>
      %convert_element_type3A_188 = arith.fptosi %gather3A_184 : vector<16xf32> to vector<16xi32>
      tpu.vector_store_idx %arg8[%add3A_187], %convert_element_type3A_188 : memref<6144xi32, #tpu.memory_space<vmem>>[vector<16xi32>], vector<16xi32>,
      %mul3A_189 = arith.constant 1.562500e-02 : f32
      %mul3A_190 = vector.broadcast %mul3A_189 : f32 to vector<16xf32>
      %mul3A_191 = arith.mulf %gather3A_184, %mul3A_190 : vector<16xf32>
      %add3A_192 = arith.constant -0.9921875 : f32
      %add3A_193 = vector.broadcast %add3A_192 : f32 to vector<16xf32>
      %add3A_194 = arith.addf %mul3A_191, %add3A_193 : vector<16xf32>
      %add3A_195 = arith.constant 1 : i32
      %add3A_196 = vector.broadcast %add3A_195 : i32 to vector<16xi32>
      %add3A_197 = arith.addi %add3A_165, %add3A_196 : vector<16xi32>
      tpu.vector_store_idx %arg9[%add3A_197], %add3A_194 : memref<6144xf32, #tpu.memory_space<vmem>>[vector<16xi32>], vector<16xf32>,
      %add3A_198 = arith.constant 2 : i32
      %add3A_199 = vector.broadcast %add3A_198 : i32 to vector<16xi32>
      %add3A_200 = arith.addi %mul3A_161, %add3A_199 : vector<16xi32>
      %gather3A_201 = tpu.vector_load_idx %arg6[%add3A_200] : memref<24576xf32, #tpu.memory_space<vmem>>[vector<16xi32>], vector<16xf32>,
      %add3A_202 = arith.constant 2 : i32
      %add3A_203 = vector.broadcast %add3A_202 : i32 to vector<16xi32>
      %add3A_204 = arith.addi %add3A_165, %add3A_203 : vector<16xi32>
      %convert_element_type3A_205 = arith.fptosi %gather3A_201 : vector<16xf32> to vector<16xi32>
      tpu.vector_store_idx %arg8[%add3A_204], %convert_element_type3A_205 : memref<6144xi32, #tpu.memory_space<vmem>>[vector<16xi32>], vector<16xi32>,
      %mul3A_206 = arith.constant 1.562500e-02 : f32
      %mul3A_207 = vector.broadcast %mul3A_206 : f32 to vector<16xf32>
      %mul3A_208 = arith.mulf %gather3A_201, %mul3A_207 : vector<16xf32>
      %add3A_209 = arith.constant -0.9921875 : f32
      %add3A_210 = vector.broadcast %add3A_209 : f32 to vector<16xf32>
      %add3A_211 = arith.addf %mul3A_208, %add3A_210 : vector<16xf32>
      %add3A_212 = arith.constant 2 : i32
      %add3A_213 = vector.broadcast %add3A_212 : i32 to vector<16xi32>
      %add3A_214 = arith.addi %add3A_165, %add3A_213 : vector<16xi32>
      tpu.vector_store_idx %arg9[%add3A_214], %add3A_211 : memref<6144xf32, #tpu.memory_space<vmem>>[vector<16xi32>], vector<16xf32>,
      %scan3A_215 = arith.constant 0 : i32
      scf.yield %scan3A_215 : i32
    }
    %scan3A_113 = arith.constant 128 : i32
    %add3A_114 = arith.constant 43008 : i32
    %add3A_115 = arith.addi %mul3A_40, %add3A_114 : i32
    "tpu.region"() ({
      %run_scoped3A = tpu.sem_alloc : memref<!tpu.dma_semaphore, #tpu.memory_space<semaphore_mem>>
      %dma_start3A = tpu.memref_slice %arg4[%select_n3A, %add3A_115] : memref<16x147456xi32, #tpu.memory_space<hbm>> -> memref<1x6144xi32, #tpu.memory_space<hbm>>
      %dma_start3A_152 = tpu.memref_squeeze %dma_start3A : memref<1x6144xi32, #tpu.memory_space<hbm>> -> memref<6144xi32, #tpu.memory_space<hbm>>
      %dma_start3A_153 = tpu.memref_slice %arg4[%select_n3A, %add3A_115] : memref<16x147456xi32, #tpu.memory_space<hbm>> -> memref<1x6144xi32, #tpu.memory_space<hbm>>
      %dma_start3A_154 = tpu.memref_squeeze %dma_start3A_153 : memref<1x6144xi32, #tpu.memory_space<hbm>> -> memref<6144xi32, #tpu.memory_space<hbm>>
      tpu.enqueue_dma source(%arg8 : memref<6144xi32, #tpu.memory_space<vmem>>) target(%dma_start3A_154 : memref<6144xi32, #tpu.memory_space<hbm>>) target_semaphore(%run_scoped3A : memref<!tpu.dma_semaphore, #tpu.memory_space<semaphore_mem>>)
      %dma_wait3A = tpu.memref_slice %arg4[%select_n3A, %add3A_115] : memref<16x147456xi32, #tpu.memory_space<hbm>> -> memref<1x6144xi32, #tpu.memory_space<hbm>>
      %dma_wait3A_155 = tpu.memref_squeeze %dma_wait3A : memref<1x6144xi32, #tpu.memory_space<hbm>> -> memref<6144xi32, #tpu.memory_space<hbm>>
      %dma_wait3A_156 = tpu.memref_slice %arg4[%select_n3A, %add3A_115] : memref<16x147456xi32, #tpu.memory_space<hbm>> -> memref<1x6144xi32, #tpu.memory_space<hbm>>
      %dma_wait3A_157 = tpu.memref_squeeze %dma_wait3A_156 : memref<1x6144xi32, #tpu.memory_space<hbm>> -> memref<6144xi32, #tpu.memory_space<hbm>>
      tpu.wait_dma2 semaphore(%run_scoped3A : memref<!tpu.dma_semaphore, #tpu.memory_space<semaphore_mem>>) src(%arg8 : memref<6144xi32, #tpu.memory_space<vmem>>) dst(%dma_wait3A_157 : memref<6144xi32, #tpu.memory_space<hbm>>)
      tpu.yield
    }) : () -> ()
    "tpu.region"() ({
      %run_scoped3A = tpu.sem_alloc : memref<!tpu.dma_semaphore, #tpu.memory_space<semaphore_mem>>
      %dma_start3A = tpu.memref_slice %arg5[%select_n3A, %add3A_115] : memref<16x147456xf32, #tpu.memory_space<hbm>> -> memref<1x6144xf32, #tpu.memory_space<hbm>>
      %dma_start3A_152 = tpu.memref_squeeze %dma_start3A : memref<1x6144xf32, #tpu.memory_space<hbm>> -> memref<6144xf32, #tpu.memory_space<hbm>>
      %dma_start3A_153 = tpu.memref_slice %arg5[%select_n3A, %add3A_115] : memref<16x147456xf32, #tpu.memory_space<hbm>> -> memref<1x6144xf32, #tpu.memory_space<hbm>>
      %dma_start3A_154 = tpu.memref_squeeze %dma_start3A_153 : memref<1x6144xf32, #tpu.memory_space<hbm>> -> memref<6144xf32, #tpu.memory_space<hbm>>
      tpu.enqueue_dma source(%arg9 : memref<6144xf32, #tpu.memory_space<vmem>>) target(%dma_start3A_154 : memref<6144xf32, #tpu.memory_space<hbm>>) target_semaphore(%run_scoped3A : memref<!tpu.dma_semaphore, #tpu.memory_space<semaphore_mem>>)
      %dma_wait3A = tpu.memref_slice %arg5[%select_n3A, %add3A_115] : memref<16x147456xf32, #tpu.memory_space<hbm>> -> memref<1x6144xf32, #tpu.memory_space<hbm>>
      %dma_wait3A_155 = tpu.memref_squeeze %dma_wait3A : memref<1x6144xf32, #tpu.memory_space<hbm>> -> memref<6144xf32, #tpu.memory_space<hbm>>
      %dma_wait3A_156 = tpu.memref_slice %arg5[%select_n3A, %add3A_115] : memref<16x147456xf32, #tpu.memory_space<hbm>> -> memref<1x6144xf32, #tpu.memory_space<hbm>>
      %dma_wait3A_157 = tpu.memref_squeeze %dma_wait3A_156 : memref<1x6144xf32, #tpu.memory_space<hbm>> -> memref<6144xf32, #tpu.memory_space<hbm>>
      tpu.wait_dma2 semaphore(%run_scoped3A : memref<!tpu.dma_semaphore, #tpu.memory_space<semaphore_mem>>) src(%arg9 : memref<6144xf32, #tpu.memory_space<vmem>>) dst(%dma_wait3A_157 : memref<6144xf32, #tpu.memory_space<hbm>>)
      tpu.yield
    }) : () -> ()
    %scan3A_116 = arith.constant 0 : i32
    %scan3A_117 = arith.constant 0 : i32
    %scan3A_118 = arith.constant 128 : i32
    %scan3A_119 = arith.addi %scan3A_117, %scan3A_118 : i32
    %scan3A_120 = arith.constant 1 : i32
    %scan3A_121 = scf.for %scan3A_152 = %scan3A_117 to %scan3A_119 step %scan3A_120 iter_args(%scan3A_153 = %scan3A_116) -> (i32)  : i32 {
      %add3A_154 = arith.constant 1024 : i32
      %add3A_155 = arith.addi %add3A_154, %scan3A_152 : i32
      %mul3A_156 = arith.constant 16 : i32
      %mul3A_157 = arith.muli %add3A_155, %mul3A_156 : i32
      %get3A = arith.index_cast %mul3A_157 : i32 to index
      %get3A_158 = tpu.vector_load %arg7[%get3A] {strides = array<i32>} : memref<24576xi32, #tpu.memory_space<vmem>>, vector<16xi32>,
      %mul3A_159 = arith.constant 3 : i32
      %mul3A_160 = vector.broadcast %mul3A_159 : i32 to vector<16xi32>
      %mul3A_161 = arith.muli %get3A_158, %mul3A_160 : vector<16xi32>
      %mul3A_162 = arith.constant 48 : i32
      %mul3A_163 = arith.muli %scan3A_152, %mul3A_162 : i32
      %add3A_164 = vector.broadcast %mul3A_163 : i32 to vector<16xi32>
      %add3A_165 = arith.addi %mul3A_43, %add3A_164 : vector<16xi32>
      %add3A_166 = arith.constant 0 : i32
      %add3A_167 = vector.broadcast %add3A_166 : i32 to vector<16xi32>
      %add3A_168 = arith.addi %mul3A_161, %add3A_167 : vector<16xi32>
      %gather3A = tpu.vector_load_idx %arg6[%add3A_168] : memref<24576xf32, #tpu.memory_space<vmem>>[vector<16xi32>], vector<16xf32>,
      %add3A_169 = arith.constant 0 : i32
      %add3A_170 = vector.broadcast %add3A_169 : i32 to vector<16xi32>
      %add3A_171 = arith.addi %add3A_165, %add3A_170 : vector<16xi32>
      %convert_element_type3A = arith.fptosi %gather3A : vector<16xf32> to vector<16xi32>
      tpu.vector_store_idx %arg8[%add3A_171], %convert_element_type3A : memref<6144xi32, #tpu.memory_space<vmem>>[vector<16xi32>], vector<16xi32>,
      %mul3A_172 = arith.constant 1.562500e-02 : f32
      %mul3A_173 = vector.broadcast %mul3A_172 : f32 to vector<16xf32>
      %mul3A_174 = arith.mulf %gather3A, %mul3A_173 : vector<16xf32>
      %add3A_175 = arith.constant -0.9921875 : f32
      %add3A_176 = vector.broadcast %add3A_175 : f32 to vector<16xf32>
      %add3A_177 = arith.addf %mul3A_174, %add3A_176 : vector<16xf32>
      %add3A_178 = arith.constant 0 : i32
      %add3A_179 = vector.broadcast %add3A_178 : i32 to vector<16xi32>
      %add3A_180 = arith.addi %add3A_165, %add3A_179 : vector<16xi32>
      tpu.vector_store_idx %arg9[%add3A_180], %add3A_177 : memref<6144xf32, #tpu.memory_space<vmem>>[vector<16xi32>], vector<16xf32>,
      %add3A_181 = arith.constant 1 : i32
      %add3A_182 = vector.broadcast %add3A_181 : i32 to vector<16xi32>
      %add3A_183 = arith.addi %mul3A_161, %add3A_182 : vector<16xi32>
      %gather3A_184 = tpu.vector_load_idx %arg6[%add3A_183] : memref<24576xf32, #tpu.memory_space<vmem>>[vector<16xi32>], vector<16xf32>,
      %add3A_185 = arith.constant 1 : i32
      %add3A_186 = vector.broadcast %add3A_185 : i32 to vector<16xi32>
      %add3A_187 = arith.addi %add3A_165, %add3A_186 : vector<16xi32>
      %convert_element_type3A_188 = arith.fptosi %gather3A_184 : vector<16xf32> to vector<16xi32>
      tpu.vector_store_idx %arg8[%add3A_187], %convert_element_type3A_188 : memref<6144xi32, #tpu.memory_space<vmem>>[vector<16xi32>], vector<16xi32>,
      %mul3A_189 = arith.constant 1.562500e-02 : f32
      %mul3A_190 = vector.broadcast %mul3A_189 : f32 to vector<16xf32>
      %mul3A_191 = arith.mulf %gather3A_184, %mul3A_190 : vector<16xf32>
      %add3A_192 = arith.constant -0.9921875 : f32
      %add3A_193 = vector.broadcast %add3A_192 : f32 to vector<16xf32>
      %add3A_194 = arith.addf %mul3A_191, %add3A_193 : vector<16xf32>
      %add3A_195 = arith.constant 1 : i32
      %add3A_196 = vector.broadcast %add3A_195 : i32 to vector<16xi32>
      %add3A_197 = arith.addi %add3A_165, %add3A_196 : vector<16xi32>
      tpu.vector_store_idx %arg9[%add3A_197], %add3A_194 : memref<6144xf32, #tpu.memory_space<vmem>>[vector<16xi32>], vector<16xf32>,
      %add3A_198 = arith.constant 2 : i32
      %add3A_199 = vector.broadcast %add3A_198 : i32 to vector<16xi32>
      %add3A_200 = arith.addi %mul3A_161, %add3A_199 : vector<16xi32>
      %gather3A_201 = tpu.vector_load_idx %arg6[%add3A_200] : memref<24576xf32, #tpu.memory_space<vmem>>[vector<16xi32>], vector<16xf32>,
      %add3A_202 = arith.constant 2 : i32
      %add3A_203 = vector.broadcast %add3A_202 : i32 to vector<16xi32>
      %add3A_204 = arith.addi %add3A_165, %add3A_203 : vector<16xi32>
      %convert_element_type3A_205 = arith.fptosi %gather3A_201 : vector<16xf32> to vector<16xi32>
      tpu.vector_store_idx %arg8[%add3A_204], %convert_element_type3A_205 : memref<6144xi32, #tpu.memory_space<vmem>>[vector<16xi32>], vector<16xi32>,
      %mul3A_206 = arith.constant 1.562500e-02 : f32
      %mul3A_207 = vector.broadcast %mul3A_206 : f32 to vector<16xf32>
      %mul3A_208 = arith.mulf %gather3A_201, %mul3A_207 : vector<16xf32>
      %add3A_209 = arith.constant -0.9921875 : f32
      %add3A_210 = vector.broadcast %add3A_209 : f32 to vector<16xf32>
      %add3A_211 = arith.addf %mul3A_208, %add3A_210 : vector<16xf32>
      %add3A_212 = arith.constant 2 : i32
      %add3A_213 = vector.broadcast %add3A_212 : i32 to vector<16xi32>
      %add3A_214 = arith.addi %add3A_165, %add3A_213 : vector<16xi32>
      tpu.vector_store_idx %arg9[%add3A_214], %add3A_211 : memref<6144xf32, #tpu.memory_space<vmem>>[vector<16xi32>], vector<16xf32>,
      %scan3A_215 = arith.constant 0 : i32
      scf.yield %scan3A_215 : i32
    }
    %scan3A_122 = arith.constant 128 : i32
    %add3A_123 = arith.constant 49152 : i32
    %add3A_124 = arith.addi %mul3A_40, %add3A_123 : i32
    "tpu.region"() ({
      %run_scoped3A = tpu.sem_alloc : memref<!tpu.dma_semaphore, #tpu.memory_space<semaphore_mem>>
      %dma_start3A = tpu.memref_slice %arg4[%select_n3A, %add3A_124] : memref<16x147456xi32, #tpu.memory_space<hbm>> -> memref<1x6144xi32, #tpu.memory_space<hbm>>
      %dma_start3A_152 = tpu.memref_squeeze %dma_start3A : memref<1x6144xi32, #tpu.memory_space<hbm>> -> memref<6144xi32, #tpu.memory_space<hbm>>
      %dma_start3A_153 = tpu.memref_slice %arg4[%select_n3A, %add3A_124] : memref<16x147456xi32, #tpu.memory_space<hbm>> -> memref<1x6144xi32, #tpu.memory_space<hbm>>
      %dma_start3A_154 = tpu.memref_squeeze %dma_start3A_153 : memref<1x6144xi32, #tpu.memory_space<hbm>> -> memref<6144xi32, #tpu.memory_space<hbm>>
      tpu.enqueue_dma source(%arg8 : memref<6144xi32, #tpu.memory_space<vmem>>) target(%dma_start3A_154 : memref<6144xi32, #tpu.memory_space<hbm>>) target_semaphore(%run_scoped3A : memref<!tpu.dma_semaphore, #tpu.memory_space<semaphore_mem>>)
      %dma_wait3A = tpu.memref_slice %arg4[%select_n3A, %add3A_124] : memref<16x147456xi32, #tpu.memory_space<hbm>> -> memref<1x6144xi32, #tpu.memory_space<hbm>>
      %dma_wait3A_155 = tpu.memref_squeeze %dma_wait3A : memref<1x6144xi32, #tpu.memory_space<hbm>> -> memref<6144xi32, #tpu.memory_space<hbm>>
      %dma_wait3A_156 = tpu.memref_slice %arg4[%select_n3A, %add3A_124] : memref<16x147456xi32, #tpu.memory_space<hbm>> -> memref<1x6144xi32, #tpu.memory_space<hbm>>
      %dma_wait3A_157 = tpu.memref_squeeze %dma_wait3A_156 : memref<1x6144xi32, #tpu.memory_space<hbm>> -> memref<6144xi32, #tpu.memory_space<hbm>>
      tpu.wait_dma2 semaphore(%run_scoped3A : memref<!tpu.dma_semaphore, #tpu.memory_space<semaphore_mem>>) src(%arg8 : memref<6144xi32, #tpu.memory_space<vmem>>) dst(%dma_wait3A_157 : memref<6144xi32, #tpu.memory_space<hbm>>)
      tpu.yield
    }) : () -> ()
    "tpu.region"() ({
      %run_scoped3A = tpu.sem_alloc : memref<!tpu.dma_semaphore, #tpu.memory_space<semaphore_mem>>
      %dma_start3A = tpu.memref_slice %arg5[%select_n3A, %add3A_124] : memref<16x147456xf32, #tpu.memory_space<hbm>> -> memref<1x6144xf32, #tpu.memory_space<hbm>>
      %dma_start3A_152 = tpu.memref_squeeze %dma_start3A : memref<1x6144xf32, #tpu.memory_space<hbm>> -> memref<6144xf32, #tpu.memory_space<hbm>>
      %dma_start3A_153 = tpu.memref_slice %arg5[%select_n3A, %add3A_124] : memref<16x147456xf32, #tpu.memory_space<hbm>> -> memref<1x6144xf32, #tpu.memory_space<hbm>>
      %dma_start3A_154 = tpu.memref_squeeze %dma_start3A_153 : memref<1x6144xf32, #tpu.memory_space<hbm>> -> memref<6144xf32, #tpu.memory_space<hbm>>
      tpu.enqueue_dma source(%arg9 : memref<6144xf32, #tpu.memory_space<vmem>>) target(%dma_start3A_154 : memref<6144xf32, #tpu.memory_space<hbm>>) target_semaphore(%run_scoped3A : memref<!tpu.dma_semaphore, #tpu.memory_space<semaphore_mem>>)
      %dma_wait3A = tpu.memref_slice %arg5[%select_n3A, %add3A_124] : memref<16x147456xf32, #tpu.memory_space<hbm>> -> memref<1x6144xf32, #tpu.memory_space<hbm>>
      %dma_wait3A_155 = tpu.memref_squeeze %dma_wait3A : memref<1x6144xf32, #tpu.memory_space<hbm>> -> memref<6144xf32, #tpu.memory_space<hbm>>
      %dma_wait3A_156 = tpu.memref_slice %arg5[%select_n3A, %add3A_124] : memref<16x147456xf32, #tpu.memory_space<hbm>> -> memref<1x6144xf32, #tpu.memory_space<hbm>>
      %dma_wait3A_157 = tpu.memref_squeeze %dma_wait3A_156 : memref<1x6144xf32, #tpu.memory_space<hbm>> -> memref<6144xf32, #tpu.memory_space<hbm>>
      tpu.wait_dma2 semaphore(%run_scoped3A : memref<!tpu.dma_semaphore, #tpu.memory_space<semaphore_mem>>) src(%arg9 : memref<6144xf32, #tpu.memory_space<vmem>>) dst(%dma_wait3A_157 : memref<6144xf32, #tpu.memory_space<hbm>>)
      tpu.yield
    }) : () -> ()
    %scan3A_125 = arith.constant 0 : i32
    %scan3A_126 = arith.constant 0 : i32
    %scan3A_127 = arith.constant 128 : i32
    %scan3A_128 = arith.addi %scan3A_126, %scan3A_127 : i32
    %scan3A_129 = arith.constant 1 : i32
    %scan3A_130 = scf.for %scan3A_152 = %scan3A_126 to %scan3A_128 step %scan3A_129 iter_args(%scan3A_153 = %scan3A_125) -> (i32)  : i32 {
      %add3A_154 = arith.constant 1152 : i32
      %add3A_155 = arith.addi %add3A_154, %scan3A_152 : i32
      %mul3A_156 = arith.constant 16 : i32
      %mul3A_157 = arith.muli %add3A_155, %mul3A_156 : i32
      %get3A = arith.index_cast %mul3A_157 : i32 to index
      %get3A_158 = tpu.vector_load %arg7[%get3A] {strides = array<i32>} : memref<24576xi32, #tpu.memory_space<vmem>>, vector<16xi32>,
      %mul3A_159 = arith.constant 3 : i32
      %mul3A_160 = vector.broadcast %mul3A_159 : i32 to vector<16xi32>
      %mul3A_161 = arith.muli %get3A_158, %mul3A_160 : vector<16xi32>
      %mul3A_162 = arith.constant 48 : i32
      %mul3A_163 = arith.muli %scan3A_152, %mul3A_162 : i32
      %add3A_164 = vector.broadcast %mul3A_163 : i32 to vector<16xi32>
      %add3A_165 = arith.addi %mul3A_43, %add3A_164 : vector<16xi32>
      %add3A_166 = arith.constant 0 : i32
      %add3A_167 = vector.broadcast %add3A_166 : i32 to vector<16xi32>
      %add3A_168 = arith.addi %mul3A_161, %add3A_167 : vector<16xi32>
      %gather3A = tpu.vector_load_idx %arg6[%add3A_168] : memref<24576xf32, #tpu.memory_space<vmem>>[vector<16xi32>], vector<16xf32>,
      %add3A_169 = arith.constant 0 : i32
      %add3A_170 = vector.broadcast %add3A_169 : i32 to vector<16xi32>
      %add3A_171 = arith.addi %add3A_165, %add3A_170 : vector<16xi32>
      %convert_element_type3A = arith.fptosi %gather3A : vector<16xf32> to vector<16xi32>
      tpu.vector_store_idx %arg8[%add3A_171], %convert_element_type3A : memref<6144xi32, #tpu.memory_space<vmem>>[vector<16xi32>], vector<16xi32>,
      %mul3A_172 = arith.constant 1.562500e-02 : f32
      %mul3A_173 = vector.broadcast %mul3A_172 : f32 to vector<16xf32>
      %mul3A_174 = arith.mulf %gather3A, %mul3A_173 : vector<16xf32>
      %add3A_175 = arith.constant -0.9921875 : f32
      %add3A_176 = vector.broadcast %add3A_175 : f32 to vector<16xf32>
      %add3A_177 = arith.addf %mul3A_174, %add3A_176 : vector<16xf32>
      %add3A_178 = arith.constant 0 : i32
      %add3A_179 = vector.broadcast %add3A_178 : i32 to vector<16xi32>
      %add3A_180 = arith.addi %add3A_165, %add3A_179 : vector<16xi32>
      tpu.vector_store_idx %arg9[%add3A_180], %add3A_177 : memref<6144xf32, #tpu.memory_space<vmem>>[vector<16xi32>], vector<16xf32>,
      %add3A_181 = arith.constant 1 : i32
      %add3A_182 = vector.broadcast %add3A_181 : i32 to vector<16xi32>
      %add3A_183 = arith.addi %mul3A_161, %add3A_182 : vector<16xi32>
      %gather3A_184 = tpu.vector_load_idx %arg6[%add3A_183] : memref<24576xf32, #tpu.memory_space<vmem>>[vector<16xi32>], vector<16xf32>,
      %add3A_185 = arith.constant 1 : i32
      %add3A_186 = vector.broadcast %add3A_185 : i32 to vector<16xi32>
      %add3A_187 = arith.addi %add3A_165, %add3A_186 : vector<16xi32>
      %convert_element_type3A_188 = arith.fptosi %gather3A_184 : vector<16xf32> to vector<16xi32>
      tpu.vector_store_idx %arg8[%add3A_187], %convert_element_type3A_188 : memref<6144xi32, #tpu.memory_space<vmem>>[vector<16xi32>], vector<16xi32>,
      %mul3A_189 = arith.constant 1.562500e-02 : f32
      %mul3A_190 = vector.broadcast %mul3A_189 : f32 to vector<16xf32>
      %mul3A_191 = arith.mulf %gather3A_184, %mul3A_190 : vector<16xf32>
      %add3A_192 = arith.constant -0.9921875 : f32
      %add3A_193 = vector.broadcast %add3A_192 : f32 to vector<16xf32>
      %add3A_194 = arith.addf %mul3A_191, %add3A_193 : vector<16xf32>
      %add3A_195 = arith.constant 1 : i32
      %add3A_196 = vector.broadcast %add3A_195 : i32 to vector<16xi32>
      %add3A_197 = arith.addi %add3A_165, %add3A_196 : vector<16xi32>
      tpu.vector_store_idx %arg9[%add3A_197], %add3A_194 : memref<6144xf32, #tpu.memory_space<vmem>>[vector<16xi32>], vector<16xf32>,
      %add3A_198 = arith.constant 2 : i32
      %add3A_199 = vector.broadcast %add3A_198 : i32 to vector<16xi32>
      %add3A_200 = arith.addi %mul3A_161, %add3A_199 : vector<16xi32>
      %gather3A_201 = tpu.vector_load_idx %arg6[%add3A_200] : memref<24576xf32, #tpu.memory_space<vmem>>[vector<16xi32>], vector<16xf32>,
      %add3A_202 = arith.constant 2 : i32
      %add3A_203 = vector.broadcast %add3A_202 : i32 to vector<16xi32>
      %add3A_204 = arith.addi %add3A_165, %add3A_203 : vector<16xi32>
      %convert_element_type3A_205 = arith.fptosi %gather3A_201 : vector<16xf32> to vector<16xi32>
      tpu.vector_store_idx %arg8[%add3A_204], %convert_element_type3A_205 : memref<6144xi32, #tpu.memory_space<vmem>>[vector<16xi32>], vector<16xi32>,
      %mul3A_206 = arith.constant 1.562500e-02 : f32
      %mul3A_207 = vector.broadcast %mul3A_206 : f32 to vector<16xf32>
      %mul3A_208 = arith.mulf %gather3A_201, %mul3A_207 : vector<16xf32>
      %add3A_209 = arith.constant -0.9921875 : f32
      %add3A_210 = vector.broadcast %add3A_209 : f32 to vector<16xf32>
      %add3A_211 = arith.addf %mul3A_208, %add3A_210 : vector<16xf32>
      %add3A_212 = arith.constant 2 : i32
      %add3A_213 = vector.broadcast %add3A_212 : i32 to vector<16xi32>
      %add3A_214 = arith.addi %add3A_165, %add3A_213 : vector<16xi32>
      tpu.vector_store_idx %arg9[%add3A_214], %add3A_211 : memref<6144xf32, #tpu.memory_space<vmem>>[vector<16xi32>], vector<16xf32>,
      %scan3A_215 = arith.constant 0 : i32
      scf.yield %scan3A_215 : i32
    }
    %scan3A_131 = arith.constant 128 : i32
    %add3A_132 = arith.constant 55296 : i32
    %add3A_133 = arith.addi %mul3A_40, %add3A_132 : i32
    "tpu.region"() ({
      %run_scoped3A = tpu.sem_alloc : memref<!tpu.dma_semaphore, #tpu.memory_space<semaphore_mem>>
      %dma_start3A = tpu.memref_slice %arg4[%select_n3A, %add3A_133] : memref<16x147456xi32, #tpu.memory_space<hbm>> -> memref<1x6144xi32, #tpu.memory_space<hbm>>
      %dma_start3A_152 = tpu.memref_squeeze %dma_start3A : memref<1x6144xi32, #tpu.memory_space<hbm>> -> memref<6144xi32, #tpu.memory_space<hbm>>
      %dma_start3A_153 = tpu.memref_slice %arg4[%select_n3A, %add3A_133] : memref<16x147456xi32, #tpu.memory_space<hbm>> -> memref<1x6144xi32, #tpu.memory_space<hbm>>
      %dma_start3A_154 = tpu.memref_squeeze %dma_start3A_153 : memref<1x6144xi32, #tpu.memory_space<hbm>> -> memref<6144xi32, #tpu.memory_space<hbm>>
      tpu.enqueue_dma source(%arg8 : memref<6144xi32, #tpu.memory_space<vmem>>) target(%dma_start3A_154 : memref<6144xi32, #tpu.memory_space<hbm>>) target_semaphore(%run_scoped3A : memref<!tpu.dma_semaphore, #tpu.memory_space<semaphore_mem>>)
      %dma_wait3A = tpu.memref_slice %arg4[%select_n3A, %add3A_133] : memref<16x147456xi32, #tpu.memory_space<hbm>> -> memref<1x6144xi32, #tpu.memory_space<hbm>>
      %dma_wait3A_155 = tpu.memref_squeeze %dma_wait3A : memref<1x6144xi32, #tpu.memory_space<hbm>> -> memref<6144xi32, #tpu.memory_space<hbm>>
      %dma_wait3A_156 = tpu.memref_slice %arg4[%select_n3A, %add3A_133] : memref<16x147456xi32, #tpu.memory_space<hbm>> -> memref<1x6144xi32, #tpu.memory_space<hbm>>
      %dma_wait3A_157 = tpu.memref_squeeze %dma_wait3A_156 : memref<1x6144xi32, #tpu.memory_space<hbm>> -> memref<6144xi32, #tpu.memory_space<hbm>>
      tpu.wait_dma2 semaphore(%run_scoped3A : memref<!tpu.dma_semaphore, #tpu.memory_space<semaphore_mem>>) src(%arg8 : memref<6144xi32, #tpu.memory_space<vmem>>) dst(%dma_wait3A_157 : memref<6144xi32, #tpu.memory_space<hbm>>)
      tpu.yield
    }) : () -> ()
    "tpu.region"() ({
      %run_scoped3A = tpu.sem_alloc : memref<!tpu.dma_semaphore, #tpu.memory_space<semaphore_mem>>
      %dma_start3A = tpu.memref_slice %arg5[%select_n3A, %add3A_133] : memref<16x147456xf32, #tpu.memory_space<hbm>> -> memref<1x6144xf32, #tpu.memory_space<hbm>>
      %dma_start3A_152 = tpu.memref_squeeze %dma_start3A : memref<1x6144xf32, #tpu.memory_space<hbm>> -> memref<6144xf32, #tpu.memory_space<hbm>>
      %dma_start3A_153 = tpu.memref_slice %arg5[%select_n3A, %add3A_133] : memref<16x147456xf32, #tpu.memory_space<hbm>> -> memref<1x6144xf32, #tpu.memory_space<hbm>>
      %dma_start3A_154 = tpu.memref_squeeze %dma_start3A_153 : memref<1x6144xf32, #tpu.memory_space<hbm>> -> memref<6144xf32, #tpu.memory_space<hbm>>
      tpu.enqueue_dma source(%arg9 : memref<6144xf32, #tpu.memory_space<vmem>>) target(%dma_start3A_154 : memref<6144xf32, #tpu.memory_space<hbm>>) target_semaphore(%run_scoped3A : memref<!tpu.dma_semaphore, #tpu.memory_space<semaphore_mem>>)
      %dma_wait3A = tpu.memref_slice %arg5[%select_n3A, %add3A_133] : memref<16x147456xf32, #tpu.memory_space<hbm>> -> memref<1x6144xf32, #tpu.memory_space<hbm>>
      %dma_wait3A_155 = tpu.memref_squeeze %dma_wait3A : memref<1x6144xf32, #tpu.memory_space<hbm>> -> memref<6144xf32, #tpu.memory_space<hbm>>
      %dma_wait3A_156 = tpu.memref_slice %arg5[%select_n3A, %add3A_133] : memref<16x147456xf32, #tpu.memory_space<hbm>> -> memref<1x6144xf32, #tpu.memory_space<hbm>>
      %dma_wait3A_157 = tpu.memref_squeeze %dma_wait3A_156 : memref<1x6144xf32, #tpu.memory_space<hbm>> -> memref<6144xf32, #tpu.memory_space<hbm>>
      tpu.wait_dma2 semaphore(%run_scoped3A : memref<!tpu.dma_semaphore, #tpu.memory_space<semaphore_mem>>) src(%arg9 : memref<6144xf32, #tpu.memory_space<vmem>>) dst(%dma_wait3A_157 : memref<6144xf32, #tpu.memory_space<hbm>>)
      tpu.yield
    }) : () -> ()
    %scan3A_134 = arith.constant 0 : i32
    %scan3A_135 = arith.constant 0 : i32
    %scan3A_136 = arith.constant 128 : i32
    %scan3A_137 = arith.addi %scan3A_135, %scan3A_136 : i32
    %scan3A_138 = arith.constant 1 : i32
    %scan3A_139 = scf.for %scan3A_152 = %scan3A_135 to %scan3A_137 step %scan3A_138 iter_args(%scan3A_153 = %scan3A_134) -> (i32)  : i32 {
      %add3A_154 = arith.constant 1280 : i32
      %add3A_155 = arith.addi %add3A_154, %scan3A_152 : i32
      %mul3A_156 = arith.constant 16 : i32
      %mul3A_157 = arith.muli %add3A_155, %mul3A_156 : i32
      %get3A = arith.index_cast %mul3A_157 : i32 to index
      %get3A_158 = tpu.vector_load %arg7[%get3A] {strides = array<i32>} : memref<24576xi32, #tpu.memory_space<vmem>>, vector<16xi32>,
      %mul3A_159 = arith.constant 3 : i32
      %mul3A_160 = vector.broadcast %mul3A_159 : i32 to vector<16xi32>
      %mul3A_161 = arith.muli %get3A_158, %mul3A_160 : vector<16xi32>
      %mul3A_162 = arith.constant 48 : i32
      %mul3A_163 = arith.muli %scan3A_152, %mul3A_162 : i32
      %add3A_164 = vector.broadcast %mul3A_163 : i32 to vector<16xi32>
      %add3A_165 = arith.addi %mul3A_43, %add3A_164 : vector<16xi32>
      %add3A_166 = arith.constant 0 : i32
      %add3A_167 = vector.broadcast %add3A_166 : i32 to vector<16xi32>
      %add3A_168 = arith.addi %mul3A_161, %add3A_167 : vector<16xi32>
      %gather3A = tpu.vector_load_idx %arg6[%add3A_168] : memref<24576xf32, #tpu.memory_space<vmem>>[vector<16xi32>], vector<16xf32>,
      %add3A_169 = arith.constant 0 : i32
      %add3A_170 = vector.broadcast %add3A_169 : i32 to vector<16xi32>
      %add3A_171 = arith.addi %add3A_165, %add3A_170 : vector<16xi32>
      %convert_element_type3A = arith.fptosi %gather3A : vector<16xf32> to vector<16xi32>
      tpu.vector_store_idx %arg8[%add3A_171], %convert_element_type3A : memref<6144xi32, #tpu.memory_space<vmem>>[vector<16xi32>], vector<16xi32>,
      %mul3A_172 = arith.constant 1.562500e-02 : f32
      %mul3A_173 = vector.broadcast %mul3A_172 : f32 to vector<16xf32>
      %mul3A_174 = arith.mulf %gather3A, %mul3A_173 : vector<16xf32>
      %add3A_175 = arith.constant -0.9921875 : f32
      %add3A_176 = vector.broadcast %add3A_175 : f32 to vector<16xf32>
      %add3A_177 = arith.addf %mul3A_174, %add3A_176 : vector<16xf32>
      %add3A_178 = arith.constant 0 : i32
      %add3A_179 = vector.broadcast %add3A_178 : i32 to vector<16xi32>
      %add3A_180 = arith.addi %add3A_165, %add3A_179 : vector<16xi32>
      tpu.vector_store_idx %arg9[%add3A_180], %add3A_177 : memref<6144xf32, #tpu.memory_space<vmem>>[vector<16xi32>], vector<16xf32>,
      %add3A_181 = arith.constant 1 : i32
      %add3A_182 = vector.broadcast %add3A_181 : i32 to vector<16xi32>
      %add3A_183 = arith.addi %mul3A_161, %add3A_182 : vector<16xi32>
      %gather3A_184 = tpu.vector_load_idx %arg6[%add3A_183] : memref<24576xf32, #tpu.memory_space<vmem>>[vector<16xi32>], vector<16xf32>,
      %add3A_185 = arith.constant 1 : i32
      %add3A_186 = vector.broadcast %add3A_185 : i32 to vector<16xi32>
      %add3A_187 = arith.addi %add3A_165, %add3A_186 : vector<16xi32>
      %convert_element_type3A_188 = arith.fptosi %gather3A_184 : vector<16xf32> to vector<16xi32>
      tpu.vector_store_idx %arg8[%add3A_187], %convert_element_type3A_188 : memref<6144xi32, #tpu.memory_space<vmem>>[vector<16xi32>], vector<16xi32>,
      %mul3A_189 = arith.constant 1.562500e-02 : f32
      %mul3A_190 = vector.broadcast %mul3A_189 : f32 to vector<16xf32>
      %mul3A_191 = arith.mulf %gather3A_184, %mul3A_190 : vector<16xf32>
      %add3A_192 = arith.constant -0.9921875 : f32
      %add3A_193 = vector.broadcast %add3A_192 : f32 to vector<16xf32>
      %add3A_194 = arith.addf %mul3A_191, %add3A_193 : vector<16xf32>
      %add3A_195 = arith.constant 1 : i32
      %add3A_196 = vector.broadcast %add3A_195 : i32 to vector<16xi32>
      %add3A_197 = arith.addi %add3A_165, %add3A_196 : vector<16xi32>
      tpu.vector_store_idx %arg9[%add3A_197], %add3A_194 : memref<6144xf32, #tpu.memory_space<vmem>>[vector<16xi32>], vector<16xf32>,
      %add3A_198 = arith.constant 2 : i32
      %add3A_199 = vector.broadcast %add3A_198 : i32 to vector<16xi32>
      %add3A_200 = arith.addi %mul3A_161, %add3A_199 : vector<16xi32>
      %gather3A_201 = tpu.vector_load_idx %arg6[%add3A_200] : memref<24576xf32, #tpu.memory_space<vmem>>[vector<16xi32>], vector<16xf32>,
      %add3A_202 = arith.constant 2 : i32
      %add3A_203 = vector.broadcast %add3A_202 : i32 to vector<16xi32>
      %add3A_204 = arith.addi %add3A_165, %add3A_203 : vector<16xi32>
      %convert_element_type3A_205 = arith.fptosi %gather3A_201 : vector<16xf32> to vector<16xi32>
      tpu.vector_store_idx %arg8[%add3A_204], %convert_element_type3A_205 : memref<6144xi32, #tpu.memory_space<vmem>>[vector<16xi32>], vector<16xi32>,
      %mul3A_206 = arith.constant 1.562500e-02 : f32
      %mul3A_207 = vector.broadcast %mul3A_206 : f32 to vector<16xf32>
      %mul3A_208 = arith.mulf %gather3A_201, %mul3A_207 : vector<16xf32>
      %add3A_209 = arith.constant -0.9921875 : f32
      %add3A_210 = vector.broadcast %add3A_209 : f32 to vector<16xf32>
      %add3A_211 = arith.addf %mul3A_208, %add3A_210 : vector<16xf32>
      %add3A_212 = arith.constant 2 : i32
      %add3A_213 = vector.broadcast %add3A_212 : i32 to vector<16xi32>
      %add3A_214 = arith.addi %add3A_165, %add3A_213 : vector<16xi32>
      tpu.vector_store_idx %arg9[%add3A_214], %add3A_211 : memref<6144xf32, #tpu.memory_space<vmem>>[vector<16xi32>], vector<16xf32>,
      %scan3A_215 = arith.constant 0 : i32
      scf.yield %scan3A_215 : i32
    }
    %scan3A_140 = arith.constant 128 : i32
    %add3A_141 = arith.constant 61440 : i32
    %add3A_142 = arith.addi %mul3A_40, %add3A_141 : i32
    "tpu.region"() ({
      %run_scoped3A = tpu.sem_alloc : memref<!tpu.dma_semaphore, #tpu.memory_space<semaphore_mem>>
      %dma_start3A = tpu.memref_slice %arg4[%select_n3A, %add3A_142] : memref<16x147456xi32, #tpu.memory_space<hbm>> -> memref<1x6144xi32, #tpu.memory_space<hbm>>
      %dma_start3A_152 = tpu.memref_squeeze %dma_start3A : memref<1x6144xi32, #tpu.memory_space<hbm>> -> memref<6144xi32, #tpu.memory_space<hbm>>
      %dma_start3A_153 = tpu.memref_slice %arg4[%select_n3A, %add3A_142] : memref<16x147456xi32, #tpu.memory_space<hbm>> -> memref<1x6144xi32, #tpu.memory_space<hbm>>
      %dma_start3A_154 = tpu.memref_squeeze %dma_start3A_153 : memref<1x6144xi32, #tpu.memory_space<hbm>> -> memref<6144xi32, #tpu.memory_space<hbm>>
      tpu.enqueue_dma source(%arg8 : memref<6144xi32, #tpu.memory_space<vmem>>) target(%dma_start3A_154 : memref<6144xi32, #tpu.memory_space<hbm>>) target_semaphore(%run_scoped3A : memref<!tpu.dma_semaphore, #tpu.memory_space<semaphore_mem>>)
      %dma_wait3A = tpu.memref_slice %arg4[%select_n3A, %add3A_142] : memref<16x147456xi32, #tpu.memory_space<hbm>> -> memref<1x6144xi32, #tpu.memory_space<hbm>>
      %dma_wait3A_155 = tpu.memref_squeeze %dma_wait3A : memref<1x6144xi32, #tpu.memory_space<hbm>> -> memref<6144xi32, #tpu.memory_space<hbm>>
      %dma_wait3A_156 = tpu.memref_slice %arg4[%select_n3A, %add3A_142] : memref<16x147456xi32, #tpu.memory_space<hbm>> -> memref<1x6144xi32, #tpu.memory_space<hbm>>
      %dma_wait3A_157 = tpu.memref_squeeze %dma_wait3A_156 : memref<1x6144xi32, #tpu.memory_space<hbm>> -> memref<6144xi32, #tpu.memory_space<hbm>>
      tpu.wait_dma2 semaphore(%run_scoped3A : memref<!tpu.dma_semaphore, #tpu.memory_space<semaphore_mem>>) src(%arg8 : memref<6144xi32, #tpu.memory_space<vmem>>) dst(%dma_wait3A_157 : memref<6144xi32, #tpu.memory_space<hbm>>)
      tpu.yield
    }) : () -> ()
    "tpu.region"() ({
      %run_scoped3A = tpu.sem_alloc : memref<!tpu.dma_semaphore, #tpu.memory_space<semaphore_mem>>
      %dma_start3A = tpu.memref_slice %arg5[%select_n3A, %add3A_142] : memref<16x147456xf32, #tpu.memory_space<hbm>> -> memref<1x6144xf32, #tpu.memory_space<hbm>>
      %dma_start3A_152 = tpu.memref_squeeze %dma_start3A : memref<1x6144xf32, #tpu.memory_space<hbm>> -> memref<6144xf32, #tpu.memory_space<hbm>>
      %dma_start3A_153 = tpu.memref_slice %arg5[%select_n3A, %add3A_142] : memref<16x147456xf32, #tpu.memory_space<hbm>> -> memref<1x6144xf32, #tpu.memory_space<hbm>>
      %dma_start3A_154 = tpu.memref_squeeze %dma_start3A_153 : memref<1x6144xf32, #tpu.memory_space<hbm>> -> memref<6144xf32, #tpu.memory_space<hbm>>
      tpu.enqueue_dma source(%arg9 : memref<6144xf32, #tpu.memory_space<vmem>>) target(%dma_start3A_154 : memref<6144xf32, #tpu.memory_space<hbm>>) target_semaphore(%run_scoped3A : memref<!tpu.dma_semaphore, #tpu.memory_space<semaphore_mem>>)
      %dma_wait3A = tpu.memref_slice %arg5[%select_n3A, %add3A_142] : memref<16x147456xf32, #tpu.memory_space<hbm>> -> memref<1x6144xf32, #tpu.memory_space<hbm>>
      %dma_wait3A_155 = tpu.memref_squeeze %dma_wait3A : memref<1x6144xf32, #tpu.memory_space<hbm>> -> memref<6144xf32, #tpu.memory_space<hbm>>
      %dma_wait3A_156 = tpu.memref_slice %arg5[%select_n3A, %add3A_142] : memref<16x147456xf32, #tpu.memory_space<hbm>> -> memref<1x6144xf32, #tpu.memory_space<hbm>>
      %dma_wait3A_157 = tpu.memref_squeeze %dma_wait3A_156 : memref<1x6144xf32, #tpu.memory_space<hbm>> -> memref<6144xf32, #tpu.memory_space<hbm>>
      tpu.wait_dma2 semaphore(%run_scoped3A : memref<!tpu.dma_semaphore, #tpu.memory_space<semaphore_mem>>) src(%arg9 : memref<6144xf32, #tpu.memory_space<vmem>>) dst(%dma_wait3A_157 : memref<6144xf32, #tpu.memory_space<hbm>>)
      tpu.yield
    }) : () -> ()
    %scan3A_143 = arith.constant 0 : i32
    %scan3A_144 = arith.constant 0 : i32
    %scan3A_145 = arith.constant 128 : i32
    %scan3A_146 = arith.addi %scan3A_144, %scan3A_145 : i32
    %scan3A_147 = arith.constant 1 : i32
    %scan3A_148 = scf.for %scan3A_152 = %scan3A_144 to %scan3A_146 step %scan3A_147 iter_args(%scan3A_153 = %scan3A_143) -> (i32)  : i32 {
      %add3A_154 = arith.constant 1408 : i32
      %add3A_155 = arith.addi %add3A_154, %scan3A_152 : i32
      %mul3A_156 = arith.constant 16 : i32
      %mul3A_157 = arith.muli %add3A_155, %mul3A_156 : i32
      %get3A = arith.index_cast %mul3A_157 : i32 to index
      %get3A_158 = tpu.vector_load %arg7[%get3A] {strides = array<i32>} : memref<24576xi32, #tpu.memory_space<vmem>>, vector<16xi32>,
      %mul3A_159 = arith.constant 3 : i32
      %mul3A_160 = vector.broadcast %mul3A_159 : i32 to vector<16xi32>
      %mul3A_161 = arith.muli %get3A_158, %mul3A_160 : vector<16xi32>
      %mul3A_162 = arith.constant 48 : i32
      %mul3A_163 = arith.muli %scan3A_152, %mul3A_162 : i32
      %add3A_164 = vector.broadcast %mul3A_163 : i32 to vector<16xi32>
      %add3A_165 = arith.addi %mul3A_43, %add3A_164 : vector<16xi32>
      %add3A_166 = arith.constant 0 : i32
      %add3A_167 = vector.broadcast %add3A_166 : i32 to vector<16xi32>
      %add3A_168 = arith.addi %mul3A_161, %add3A_167 : vector<16xi32>
      %gather3A = tpu.vector_load_idx %arg6[%add3A_168] : memref<24576xf32, #tpu.memory_space<vmem>>[vector<16xi32>], vector<16xf32>,
      %add3A_169 = arith.constant 0 : i32
      %add3A_170 = vector.broadcast %add3A_169 : i32 to vector<16xi32>
      %add3A_171 = arith.addi %add3A_165, %add3A_170 : vector<16xi32>
      %convert_element_type3A = arith.fptosi %gather3A : vector<16xf32> to vector<16xi32>
      tpu.vector_store_idx %arg8[%add3A_171], %convert_element_type3A : memref<6144xi32, #tpu.memory_space<vmem>>[vector<16xi32>], vector<16xi32>,
      %mul3A_172 = arith.constant 1.562500e-02 : f32
      %mul3A_173 = vector.broadcast %mul3A_172 : f32 to vector<16xf32>
      %mul3A_174 = arith.mulf %gather3A, %mul3A_173 : vector<16xf32>
      %add3A_175 = arith.constant -0.9921875 : f32
      %add3A_176 = vector.broadcast %add3A_175 : f32 to vector<16xf32>
      %add3A_177 = arith.addf %mul3A_174, %add3A_176 : vector<16xf32>
      %add3A_178 = arith.constant 0 : i32
      %add3A_179 = vector.broadcast %add3A_178 : i32 to vector<16xi32>
      %add3A_180 = arith.addi %add3A_165, %add3A_179 : vector<16xi32>
      tpu.vector_store_idx %arg9[%add3A_180], %add3A_177 : memref<6144xf32, #tpu.memory_space<vmem>>[vector<16xi32>], vector<16xf32>,
      %add3A_181 = arith.constant 1 : i32
      %add3A_182 = vector.broadcast %add3A_181 : i32 to vector<16xi32>
      %add3A_183 = arith.addi %mul3A_161, %add3A_182 : vector<16xi32>
      %gather3A_184 = tpu.vector_load_idx %arg6[%add3A_183] : memref<24576xf32, #tpu.memory_space<vmem>>[vector<16xi32>], vector<16xf32>,
      %add3A_185 = arith.constant 1 : i32
      %add3A_186 = vector.broadcast %add3A_185 : i32 to vector<16xi32>
      %add3A_187 = arith.addi %add3A_165, %add3A_186 : vector<16xi32>
      %convert_element_type3A_188 = arith.fptosi %gather3A_184 : vector<16xf32> to vector<16xi32>
      tpu.vector_store_idx %arg8[%add3A_187], %convert_element_type3A_188 : memref<6144xi32, #tpu.memory_space<vmem>>[vector<16xi32>], vector<16xi32>,
      %mul3A_189 = arith.constant 1.562500e-02 : f32
      %mul3A_190 = vector.broadcast %mul3A_189 : f32 to vector<16xf32>
      %mul3A_191 = arith.mulf %gather3A_184, %mul3A_190 : vector<16xf32>
      %add3A_192 = arith.constant -0.9921875 : f32
      %add3A_193 = vector.broadcast %add3A_192 : f32 to vector<16xf32>
      %add3A_194 = arith.addf %mul3A_191, %add3A_193 : vector<16xf32>
      %add3A_195 = arith.constant 1 : i32
      %add3A_196 = vector.broadcast %add3A_195 : i32 to vector<16xi32>
      %add3A_197 = arith.addi %add3A_165, %add3A_196 : vector<16xi32>
      tpu.vector_store_idx %arg9[%add3A_197], %add3A_194 : memref<6144xf32, #tpu.memory_space<vmem>>[vector<16xi32>], vector<16xf32>,
      %add3A_198 = arith.constant 2 : i32
      %add3A_199 = vector.broadcast %add3A_198 : i32 to vector<16xi32>
      %add3A_200 = arith.addi %mul3A_161, %add3A_199 : vector<16xi32>
      %gather3A_201 = tpu.vector_load_idx %arg6[%add3A_200] : memref<24576xf32, #tpu.memory_space<vmem>>[vector<16xi32>], vector<16xf32>,
      %add3A_202 = arith.constant 2 : i32
      %add3A_203 = vector.broadcast %add3A_202 : i32 to vector<16xi32>
      %add3A_204 = arith.addi %add3A_165, %add3A_203 : vector<16xi32>
      %convert_element_type3A_205 = arith.fptosi %gather3A_201 : vector<16xf32> to vector<16xi32>
      tpu.vector_store_idx %arg8[%add3A_204], %convert_element_type3A_205 : memref<6144xi32, #tpu.memory_space<vmem>>[vector<16xi32>], vector<16xi32>,
      %mul3A_206 = arith.constant 1.562500e-02 : f32
      %mul3A_207 = vector.broadcast %mul3A_206 : f32 to vector<16xf32>
      %mul3A_208 = arith.mulf %gather3A_201, %mul3A_207 : vector<16xf32>
      %add3A_209 = arith.constant -0.9921875 : f32
      %add3A_210 = vector.broadcast %add3A_209 : f32 to vector<16xf32>
      %add3A_211 = arith.addf %mul3A_208, %add3A_210 : vector<16xf32>
      %add3A_212 = arith.constant 2 : i32
      %add3A_213 = vector.broadcast %add3A_212 : i32 to vector<16xi32>
      %add3A_214 = arith.addi %add3A_165, %add3A_213 : vector<16xi32>
      tpu.vector_store_idx %arg9[%add3A_214], %add3A_211 : memref<6144xf32, #tpu.memory_space<vmem>>[vector<16xi32>], vector<16xf32>,
      %scan3A_215 = arith.constant 0 : i32
      scf.yield %scan3A_215 : i32
    }
    %scan3A_149 = arith.constant 128 : i32
    %add3A_150 = arith.constant 67584 : i32
    %add3A_151 = arith.addi %mul3A_40, %add3A_150 : i32
    "tpu.region"() ({
      %run_scoped3A = tpu.sem_alloc : memref<!tpu.dma_semaphore, #tpu.memory_space<semaphore_mem>>
      %dma_start3A = tpu.memref_slice %arg4[%select_n3A, %add3A_151] : memref<16x147456xi32, #tpu.memory_space<hbm>> -> memref<1x6144xi32, #tpu.memory_space<hbm>>
      %dma_start3A_152 = tpu.memref_squeeze %dma_start3A : memref<1x6144xi32, #tpu.memory_space<hbm>> -> memref<6144xi32, #tpu.memory_space<hbm>>
      %dma_start3A_153 = tpu.memref_slice %arg4[%select_n3A, %add3A_151] : memref<16x147456xi32, #tpu.memory_space<hbm>> -> memref<1x6144xi32, #tpu.memory_space<hbm>>
      %dma_start3A_154 = tpu.memref_squeeze %dma_start3A_153 : memref<1x6144xi32, #tpu.memory_space<hbm>> -> memref<6144xi32, #tpu.memory_space<hbm>>
      tpu.enqueue_dma source(%arg8 : memref<6144xi32, #tpu.memory_space<vmem>>) target(%dma_start3A_154 : memref<6144xi32, #tpu.memory_space<hbm>>) target_semaphore(%run_scoped3A : memref<!tpu.dma_semaphore, #tpu.memory_space<semaphore_mem>>)
      %dma_wait3A = tpu.memref_slice %arg4[%select_n3A, %add3A_151] : memref<16x147456xi32, #tpu.memory_space<hbm>> -> memref<1x6144xi32, #tpu.memory_space<hbm>>
      %dma_wait3A_155 = tpu.memref_squeeze %dma_wait3A : memref<1x6144xi32, #tpu.memory_space<hbm>> -> memref<6144xi32, #tpu.memory_space<hbm>>
      %dma_wait3A_156 = tpu.memref_slice %arg4[%select_n3A, %add3A_151] : memref<16x147456xi32, #tpu.memory_space<hbm>> -> memref<1x6144xi32, #tpu.memory_space<hbm>>
      %dma_wait3A_157 = tpu.memref_squeeze %dma_wait3A_156 : memref<1x6144xi32, #tpu.memory_space<hbm>> -> memref<6144xi32, #tpu.memory_space<hbm>>
      tpu.wait_dma2 semaphore(%run_scoped3A : memref<!tpu.dma_semaphore, #tpu.memory_space<semaphore_mem>>) src(%arg8 : memref<6144xi32, #tpu.memory_space<vmem>>) dst(%dma_wait3A_157 : memref<6144xi32, #tpu.memory_space<hbm>>)
      tpu.yield
    }) : () -> ()
    "tpu.region"() ({
      %run_scoped3A = tpu.sem_alloc : memref<!tpu.dma_semaphore, #tpu.memory_space<semaphore_mem>>
      %dma_start3A = tpu.memref_slice %arg5[%select_n3A, %add3A_151] : memref<16x147456xf32, #tpu.memory_space<hbm>> -> memref<1x6144xf32, #tpu.memory_space<hbm>>
      %dma_start3A_152 = tpu.memref_squeeze %dma_start3A : memref<1x6144xf32, #tpu.memory_space<hbm>> -> memref<6144xf32, #tpu.memory_space<hbm>>
      %dma_start3A_153 = tpu.memref_slice %arg5[%select_n3A, %add3A_151] : memref<16x147456xf32, #tpu.memory_space<hbm>> -> memref<1x6144xf32, #tpu.memory_space<hbm>>
      %dma_start3A_154 = tpu.memref_squeeze %dma_start3A_153 : memref<1x6144xf32, #tpu.memory_space<hbm>> -> memref<6144xf32, #tpu.memory_space<hbm>>
      tpu.enqueue_dma source(%arg9 : memref<6144xf32, #tpu.memory_space<vmem>>) target(%dma_start3A_154 : memref<6144xf32, #tpu.memory_space<hbm>>) target_semaphore(%run_scoped3A : memref<!tpu.dma_semaphore, #tpu.memory_space<semaphore_mem>>)
      %dma_wait3A = tpu.memref_slice %arg5[%select_n3A, %add3A_151] : memref<16x147456xf32, #tpu.memory_space<hbm>> -> memref<1x6144xf32, #tpu.memory_space<hbm>>
      %dma_wait3A_155 = tpu.memref_squeeze %dma_wait3A : memref<1x6144xf32, #tpu.memory_space<hbm>> -> memref<6144xf32, #tpu.memory_space<hbm>>
      %dma_wait3A_156 = tpu.memref_slice %arg5[%select_n3A, %add3A_151] : memref<16x147456xf32, #tpu.memory_space<hbm>> -> memref<1x6144xf32, #tpu.memory_space<hbm>>
      %dma_wait3A_157 = tpu.memref_squeeze %dma_wait3A_156 : memref<1x6144xf32, #tpu.memory_space<hbm>> -> memref<6144xf32, #tpu.memory_space<hbm>>
      tpu.wait_dma2 semaphore(%run_scoped3A : memref<!tpu.dma_semaphore, #tpu.memory_space<semaphore_mem>>) src(%arg9 : memref<6144xf32, #tpu.memory_space<vmem>>) dst(%dma_wait3A_157 : memref<6144xf32, #tpu.memory_space<hbm>>)
      tpu.yield
    }) : () -> ()
    return
  }
}

</mosaic_0001>

<sc_bundles>
// kernel: _sc_call.3.cloned.1.call-start
scs
__scs_entry_jumppad:
0x0: {  	(pc) =	sbr.rel $0x88, $3  }
0x1: {  	(tag) =	ssettag $0x0;
	lr =	simm.s32 $0x1  }
0x2: {  	[smem:$0x3F9F] =	sst lr;
	_ =	strace $0xD0000000  }
0x3: {  	_ = 	snop  }
0x4: {  	_ = 	snop  }
0x5: {  	_ = 	snop  }
0x6: {  	_ = 	snop  }
0x7: {  	_ = 	snop  }
__scs_overlays_trampoline_lowered:
0x8: {  	[smem:$0x3FAE] =	sst s0  }
0x9: {  	[smem:$0x3FAF] =	sst s1  }
0xa: {  	[smem:$0x3FB0] =	sst s2  }
0xb: {  	[smem:$0x3FB1] =	sst s3  }
0xc: {  	[smem:$0x3FB2] =	sst s4  }
0xd: {  	[smem:$0x3FB3] =	sst s5  }
0xe: {  	[smem:$0x3FB4] =	sst s6  }
0xf: {  	[smem:$0x3FB5] =	sst s7  }
0x10: {  	[smem:$0x3FB6] =	sst s8  }
0x11: {  	[smem:$0x3FB7] =	sst s9;
	s0 =	simm.s32 @!p0 $0x0  }
0x12: {  	s1 =	sld [smem:$0x3F9D];
	s0 =	simm.s32 @p0 $0x1  }
0x13: {  	[smem:$0x3FB8] =	sst s0;
	s0 =	simm.s32 @!p1 $0x0  }
0x14: {  	s2 =	sld [smem:$0x3F9C];
	s0 =	simm.s32 @p1 $0x1  }
0x15: {  	[smem:$0x3FB9] =	sst s0;
	s0 =	simm.s32 @!p2 $0x0  }
0x16: {  	s3 =	sld [smem:$0x3FDB];
	s0 =	simm.s32 @p2 $0x1  }
0x17: {  	s4 =	simm.s32 $0x1BF5;
	[smem:$0x3FBB] =	sst s0  }
0x18: {  	s0 =	sld [smem:$0x3F9E];
	_ =	swait.ge [sflag:s4], $0x0  }
0x19: {  	s7 =	sld [smem:$0x3F9F]  }
0x1a: {  	s8 =	sadd.s32 $0xFFFFE003, lr  }
0x1b: {  	s9 =	sadd.s32 $0xFFFFFEF7, lr;
	s5 =	simm.s32 $0xFFFFFFFF;
	p2 =	slt.u32 s8, $0xFFFFF086  }
0x1c: {  	p1 =	slt.u32 s9, $0xF7A;
	s5 =	simm.s32 @!p2 $0x0  }
0x1d: {  	s5 =	simm.s32 @p1 $0x1;
	p0 =	seq.s32 s7, s2  }
0x1e: {  	s7 =	smul.u32 @!p0 $0xF7A, s2;
	p2 =	seq.s32 @!p0 s5, $0x0  }
0x1f: {  	s9 =	smul.u32 $0xF7A, s1;
	s8 =	simm.s32 @!p0 $0x1BF5;
	p2 =	por !p2, p0  }
0x20: {  	[sflag:s8] =	ssyncset.s32 @!p0 $0xFFFFF086;
	s6 =	sadd.s32 @!p0 s3, s7;
	s7 =	simm.s32 @!p0 $0x108  }
0x21: {  	s3 =	sadd.s32 s3, s9;
	s6 =	sadd.s32 @!p0 $0x88, s6;
	s7 =	simm.s32 @p2 $0x1082  }
0x22: {  	[simem:s7], [sflag:s8] =	dma.local @!p0 [hbm:s6], $0xF7A  }
0x23: {  	s9 =	sor.u32 $0xD0000000, s2;
	s6 =	simm.s32 $0x108;
	_ =	swait.ge @!p0 [sflag:s8], $0x0  }
0x24: {  	s3 =	sadd.s32 $0x88, s3;
	s6 =	simm.s32 @!p1 $0x1082;
	[sflag:s4] =	ssyncset.s32 $0xFFFFF086  }
0x25: {  	[simem:s6], [sflag:s4] =	dma.local [hbm:s3], $0xF7A  }
0x26: {  	[smem:$0x3F9F] =	sst s1;
	(tag) =	ssettag s2;
	_ =	strace s9  }
0x27: {  	s1 =	sld [smem:$0x3FAF]  }
0x28: {  	s2 =	sld [smem:$0x3FB0]  }
0x29: {  	s4 =	sld [smem:$0x3FB2]  }
0x2a: {  	p0 =	seq.s32 s5, $0x0;
	s5 =	sld [smem:$0x3FB3]  }
0x2b: {  	s6 =	sld [smem:$0x3FB4]  }
0x2c: {  	s7 =	sld [smem:$0x3FB5]  }
0x2d: {  	s3 =	simm.s32 $0x108;
	s8 =	sld [smem:$0x3FB6]  }
0x2e: {  	s3 =	simm.s32 @!p0 $0x1082;
	s9 =	sld [smem:$0x3FB7]  }
0x2f: {  	lr =	sadd.s32 s0, s3;
	s0 =	sld [smem:$0x3FAE]  }
0x30: {  	s3 =	sld [smem:$0x3FB1]  }
0x31: {  	[smem:$0x3FBA] =	sst s10  }
0x32: {  	s10 =	sld [smem:$0x3FB8];
	_ =	sdelay $0x3  }
0x33: {  	p0 =	seq.s32 s10, $0x1;
	s10 =	sld [smem:$0x3FBA];
	_ =	sdelay $0x3  }
0x34: {  	[smem:$0x3FBA] =	sst s10  }
0x35: {  	s10 =	sld [smem:$0x3FB9];
	_ =	sdelay $0x3  }
0x36: {  	p1 =	seq.s32 s10, $0x1;
	s10 =	sld [smem:$0x3FBA];
	_ =	sdelay $0x3  }
0x37: {  	[smem:$0x3FBA] =	sst s10  }
0x38: {  	s10 =	sld [smem:$0x3FBB]  }
0x39: {  	_ = 	snop;
	(pc) =	sbr.ind lr, $3  }
0x3a: {  	_ = 	snop  }
0x3b: {  	_ = 	snop  }
0x3c: {  	p2 =	seq.s32 s10, $0x1;
	s10 =	sld [smem:$0x3FBA]  }
0x3d: {  	_ =	shalt  }
0x3e: {  	_ =	shalt  }
0x3f: {  	_ =	shalt  }
0x40: {  	_ =	shalt  }
0x41: {  	_ =	shalt  }
0x42: {  	_ =	shalt  }
0x43: {  	_ =	shalt  }
0x44: {  	_ =	shalt  }
0x45: {  	_ =	shalt  }
0x46: {  	_ =	shalt  }
0x47: {  	_ =	shalt  }
0x48: {  	_ =	shalt  }
0x49: {  	_ =	shalt  }
0x4a: {  	_ =	shalt  }
0x4b: {  	_ =	shalt  }
0x4c: {  	_ =	shalt  }
0x4d: {  	_ =	shalt  }
0x4e: {  	_ =	shalt  }
0x4f: {  	_ =	shalt  }
0x50: {  	_ =	shalt  }
0x51: {  	_ =	shalt  }
0x52: {  	_ =	shalt  }
0x53: {  	_ =	shalt  }
0x54: {  	_ =	shalt  }
0x55: {  	_ =	shalt  }
0x56: {  	_ =	shalt  }
0x57: {  	_ =	shalt  }
0x58: {  	_ =	shalt  }
0x59: {  	_ =	shalt  }
0x5a: {  	_ =	shalt  }
0x5b: {  	_ =	shalt  }
0x5c: {  	_ =	shalt  }
0x5d: {  	_ =	shalt  }
0x5e: {  	_ =	shalt  }
0x5f: {  	_ =	shalt  }
0x60: {  	_ =	shalt  }
0x61: {  	_ =	shalt  }
0x62: {  	_ =	shalt  }
0x63: {  	_ =	shalt  }
0x64: {  	_ =	shalt  }
0x65: {  	_ =	shalt  }
0x66: {  	_ =	shalt  }
0x67: {  	_ =	shalt  }
0x68: {  	_ =	shalt  }
0x69: {  	_ =	shalt  }
0x6a: {  	_ =	shalt  }
0x6b: {  	_ =	shalt  }
0x6c: {  	_ =	shalt  }
0x6d: {  	_ =	shalt  }
0x6e: {  	_ =	shalt  }
0x6f: {  	_ =	shalt  }
0x70: {  	_ =	shalt  }
0x71: {  	_ =	shalt  }
0x72: {  	_ =	shalt  }
0x73: {  	_ =	shalt  }
0x74: {  	_ =	shalt  }
0x75: {  	_ =	shalt  }
0x76: {  	_ =	shalt  }
0x77: {  	_ =	shalt  }
0x78: {  	_ =	shalt  }
0x79: {  	_ =	shalt  }
0x7a: {  	_ =	shalt  }
0x7b: {  	_ =	shalt  }
0x7c: {  	_ =	shalt  }
0x7d: {  	_ =	shalt  }
0x7e: {  	_ =	shalt  }
0x7f: {  	_ =	shalt  }
0x80: {  	_ =	shalt  }
0x81: {  	_ =	shalt  }
0x82: {  	_ =	shalt  }
0x83: {  	_ =	shalt  }
0x84: {  	_ =	shalt  }
0x85: {  	_ =	shalt  }
0x86: {  	_ =	shalt  }
0x87: {  	_ =	shalt  }
.Lfunc_end0:
.L_simem_size_0:
called_computation_lowered:
.L_overlay_start_0:
0x88: {  	s2 =	sld [smem:$0x3FD9]  }
0x89: {  	s3 =	sld [smem:$0x3FFE];
	_ =	sdelay $0x1  }
0x8a: {  	s1 =	srdreg.scid  }
0x8b: {  	s0 =	sand.u32 $0x1, s1  }
0x8c: {  	s15 =	sshll.u32 s0, $0xA;
	s2 =	sadd.s32 s3, s2  }
0x8d: {  	s2 =	sadd.s32 s2, s15  }
0x8e: {  	[smem:$0x3FC6] =	sst s2  }
0x8f: {  	_ = 	snop  }
0x90: {  	s2 =	sld [smem:$0x3FD0];
	_ =	sdelay $0x1  }
0x91: {  	s16 =	sld [smem:$0x3FC9]  }
0x92: {  	s5 =	simm.s32 $0xA;
	s6 =	simm.s32 $0x10;
	s4 =	sld [smem:$0x3FC8]  }
0x93: {  	[smem:s6], [sflag:s5] =	dma.local [hbm:s2], $0x1  }
0x94: {  	_ =	swait.eq [sflag:s5], $0x1  }
0x95: {  	[sflag:s5] =	ssyncset.done $0x0  }
0x96: {  	s17 =	sld [smem:$0x10];
	[sflag:s5] =	ssyncadd.s32 $0xFFFFFFFF  }
0x97: {  	s18 =	sld [smem:$0x11];
	(tm) =	ssettm $0x1  }
0x98: {  	s19 =	sld [smem:$0x3FFB];
	_ =	sdelay $0x3  }
0x99: {  	_ =	strace s19  }
0x9a: {  	s6 =	sld [smem:$0x3FFC];
	_ =	sdelay $0x3  }
0x9b: {  	_ =	strace s6  }
0x9c: {  	s6 =	sld [smem:$0x3FFD];
	_ =	sdelay $0x3  }
0x9d: {  	_ =	strace s6  }
0x9e: {  	_ =	strace $0x8FFFFFFF  }
0x9f: {  	s20 =	sld [smem:$0x3FDB];
	_ =	sdelay $0x1  }
0xa0: {  	s7 =	simm.s32 $_scs_section_size  }
0xa1: {  	s8 =	simm.s32 $_size__tile_overlayer_lowered;
	s9 =	simm.s32 $_tile_overlayer_lowered  }
0xa2: {  	s23 =	simm.s32 $0x1BFF;
	s22 =	sshll.u32 s9, $0x1;
	s6 =	sadd.s32 s7, s20  }
0xa3: {  	s10 =	simm.s32 $0x0;
	s21 =	sshll.u32 s8, $0x1;
	s8 =	sadd.s32 s22, s6  }
0xa4: {  	[timem:s10], [sflag:s23] =	dma.local [hbm:s8], s21  }
0xa5: {  	_ =	swait.ge [sflag:s23], s21  }
0xa6: {  	s7 =	ssub.s32 $0x0, s21;
	[sflag:s23] =	ssyncset.done $0x0  }
0xa7: {  	[sflag:s23] =	ssyncadd.s32 s7;
	_ =	sdelay $0x1  }
0xa8: {  	s24 =	simm.s32 $0x1B8B  }
0xa9: {  	_ =	swait.ge [sflag:s24], $0x1  }
0xaa: {  	[sflag:s24] =	ssyncset.done $0x0  }
0xab: {  	s25 =	simm.s32 $0x1B8E;
	[sflag:s24] =	ssyncadd.s32 $0xFFFFFFFF  }
0xac: {  	s26 =	simm.s32 $execute0_lowered;
	[smem:$0x3FD2] =	sst s25  }
0xad: {  	s7 =	sshll.u32 s26, $0x1;
	_ =	strace $0x80000046;
	[dreg:$0x1] =	wrdreg $0xFFFFFFFF  }
0xae: {  	s28 =	simm.s32 $_size_execute0_lowered;
	s6 =	sadd.s32 s6, s7;
	[dreg:$0x0] =	wrdreg $0x0  }
0xaf: {  	s7 =	sshll.u32 s28, $0x1;
	[dreg:$0x2] =	wrdreg s6  }
0xb0: {  	[dreg:$0x3] =	wrdreg s7  }
0xb1: {  	[dreg:$0x4] =	wrdreg $0xC0  }
0xb2: {  	_ =	task [dreg:s10], $0x5FFFF  }
0xb3: {  	[dreg:$0x1] =	wrdreg $0xFFFFFFFF  }
0xb4: {  	[dreg:$0x0] =	wrdreg $0x60  }
0xb5: {  	[dreg:$0x2] =	wrdreg s16  }
0xb6: {  	[dreg:$0x3] =	wrdreg s4  }
0xb7: {  	[dreg:$0x4] =	wrdreg s17  }
0xb8: {  	[dreg:$0x5] =	wrdreg s18  }
0xb9: {  	[dreg:$0x6] =	wrdreg $0x9  }
0xba: {  	_ =	task.clear_ibuf [dreg:s10], $0x7FFFF;
	_ =	strace $0x90000046  }
0xbb: {  	s29 =	simm.s32 $0x9;
	_ =	strace $0x80000048  }
0xbc: {  	_ =	swait.ge [sflag:s29], $0x1  }
0xbd: {  	[sflag:s29] =	ssyncadd.s32 $0xFFFFFFFF  }
0xbe: {  	_ =	strace $0x90000048  }
0xbf: {  	_ =	sfence  }
0xc0: {  	s30 =	sld [smem:$0x0];
	_ =	sdelay $0x2  }
0xc1: {  	s31 =	sshll.u32 s1, $0xD;
	s1 =	sshrl.u32 s1, $0x2  }
0xc2: {  	s3 =	sand.u32 $0x4000, s31;
	s1 =	sadd.s32 s1, s30  }
0xc3: {  	s0 =	sor.u32 s3, s0;
	s1 =	sshll.u32 s1, $0x11  }
0xc4: {  	s0 =	sor.u32 s1, s0  }
0xc5: {  	s0 =	sadd.s32 $0x8F2B, s0  }
0xc6: {  	[sflag:s0] =	ssyncadd.remote.s32 $0x1  }
0xc7: {  	_ =	sfence.sel $0xFFFF  }
0xc8: {  	[dreg:$0x0] =	wrdreg $0xFFFFFFFF;
	(pc) =	sbr.abs _section_cstart, $3  }
0xc9: {  	[dreg:$0x1] =	wrdreg $0xFFFFFFFF  }
0xca: {  	_ =	task.clear_ibuf [dreg:s10], $0x2FFFF;
	_ =	strace $0x9FFFFFFF  }
0xcb: {  	(tm) =	ssettm $0x7FFFFFFF  }
tec
execute0_lowered:
.L_overlay_start_1:
0x0: {  	(tag) =	ssettag $0x1  }
0x1: {  	s0 =	srdreg.scid  }
0x2: {  	s1 =	stileid.u32;
	s3 =	sand.u32 $0x1, s0  }
0x3: {  	s0 =	sor.u32 s3, s1  }
0x4: {  	s4 =	rddreg [dreg:$0x0];
	p1 =	seq.s32 s3, $0x1;
	p0 =	seq.s32 s0, $0x0  }
0x5: {  	s6 =	rddreg [dreg:$0x1];
	p0 =	por !p0, !p1  }
0x6: {  	s2 =	rddreg [dreg:$0x3];
	s0 =	simm.s32 $0x1;
	p0 =	por !p0, !p0  }
0x7: {  	s31 =	simm.s32 $0x1;
	s10 =	ssub.s32 $0x2, s3;
	s0 =	simm.s32 @!p0 $0x0  }
0x8: {  	s9 =	smul.u32 $0x30000, s3;
	s12 =	sshrl.u32 s10, $0x1;
	s5 =	ssub.s32 s1, s0  }
0x9: {  	s3 =	smul.u32 $0x90000, s3;
	s24 =	ssub.s32 s10, s12;
	s7 =	sshrl.u32 s5, $0x3  }
0xa: {  	s30 =	smax.u32 s24, $0x1;
	s24 =	simm.s32 $0x80;
	s8 =	smul.u32 $0x60000, s7  }
0xb: {  	s0 =	rddreg [dreg:$0x2];
	s1 =	simm.s32 $0x0;
	s11 =	smul.u32 $0x120000, s7  }
0xc: {  	[smem:$0x7FF] =	sst s1;
	s5 =	sshll.u32 s5, $0x7;
	s7 =	smul.u32 $0x30000, s7  }
0xd: {  	s5 =	sand.u32 $0x380, s5;
	s8 =	sadd.s32 s9, s8;
	s3 =	sadd.s32 s3, s11  }
0xe: {  	s7 =	sor.u32 s5, s7;
	s8 =	sor.u32 s5, s8;
	s3 =	sor.u32 s5, s3  }
0xf: {  	s23 =	sshrl.u32 s7, $0x3;
	s25 =	sshrl.u32 s8, $0x3;
	s26 =	sshrl.u32 s3, $0x3  }
0x10: {  	s4 =	sadd.s32 s4, s23;
	s9 =	sadd.s32 $0x18000, s3;
	s11 =	sadd.s32 $0x24000, s3  }
0x11: {  	s14 =	sadd.s32 $0x30000, s3;
	s16 =	sadd.s32 $0x3C000, s3;
	s17 =	sadd.s32 $0x48000, s3  }
0x12: {  	s19 =	sadd.s32 $0x54000, s3;
	s21 =	sadd.s32 $0x60000, s3;
	s22 =	sadd.s32 $0x6C000, s3  }
0x13: {  	[dreg:$0x5] =	wrdreg s4;
	s5 =	sadd.s32 s6, s25;
	s6 =	sadd.s32 s0, s26  }
0x14: {  	s7 =	sadd.s32 s2, s26;
	s8 =	sor.u32 $0x1800, s26;
	s13 =	sshrl.u32 s11, $0x3  }
0x15: {  	s15 =	sshrl.u32 s14, $0x3;
	s18 =	sshrl.u32 s17, $0x3;
	[dreg:$0x6] =	wrdreg s5  }
0x16: {  	s20 =	sshrl.u32 s19, $0x3;
	s23 =	sshrl.u32 s22, $0x3;
	[dreg:$0x7] =	wrdreg s6  }
0x17: {  	s25 =	sadd.s32 $0x78000, s3;
	s3 =	sadd.s32 $0x84000, s3;
	[dreg:$0x8] =	wrdreg s7  }
0x18: {  	s10 =	sadd.s32 s0, s8;
	s5 =	sshrl.u32 s9, $0x3;
	s4 =	sadd.s32 s2, s8  }
0x19: {  	s11 =	sadd.s32 s2, s13;
	s17 =	sadd.s32 s2, s18;
	s19 =	sadd.s32 s2, s20  }
0x1a: {  	s22 =	sadd.s32 s0, s23;
	s23 =	sadd.s32 s2, s23;
	[dreg:$0x9] =	wrdreg s10  }
0x1b: {  	s26 =	sshrl.u32 s25, $0x3;
	s3 =	sshrl.u32 s3, $0x3;
	[dreg:$0xa] =	wrdreg s4  }
0x1c: {  	s12 =	sadd.s32 s0, s5;
	s5 =	sadd.s32 s2, s5;
	s10 =	sadd.s32 s0, s13  }
0x1d: {  	s13 =	sadd.s32 s2, s15;
	s25 =	sadd.s32 s0, s26;
	s26 =	sadd.s32 s2, s26  }
0x1e: {  	s28 =	sadd.s32 s0, s3;
	s29 =	sadd.s32 s2, s3;
	[dreg:$0xb] =	wrdreg s12  }
0x1f: {  	s3 =	simm.s32 $0xD800;
	s4 =	simm.s32 $0x0;
	[dreg:$0xc] =	wrdreg s5  }
0x20: {  	v0 =	vlaneseq.u32;
	s12 =	sadd.s32 s0, s15;
	s5 =	sshrl.u32 s16, $0x3;
	s16 =	sadd.s32 s0, s18  }
0x21: {  	v0 =	vmul.u32 $0x3, v0;
	s14 =	sadd.s32 s0, s5;
	s15 =	sadd.s32 s2, s5;
	s5 =	sshrl.u32 s21, $0x3  }
0x22: {  	s18 =	sadd.s32 s0, s20;
	_ =	strace $0x80000047;
	s20 =	sadd.s32 s0, s5  }
0x23: {  	v1 =	vimm.s32 $0x0;
	v2 =	vadd.s32 $0x1, v0;
	v3 =	vadd.s32 $0x2, v0;
	s21 =	sadd.s32 s2, s5;
	s0 =	simm.s32 $0x400;
	s2 =	simm.s32 $0xC000  }
.LBB2_1:
0x24: {  	s5 =	rddreg [dreg:$0x5]  }
0x25: {  	[tilespmem:s1], [sflag:$0x1] =	stream.strided.gather [hbm4b:s5+s24], $0x6000, s0, s24, $0x38;
	[tilespmem:$0xF000] =	vst v63  }
0x26: {  	_ =	swait.ge [sflag:s31], $0x6000  }
0x27: {  	[sflag:s31] =	ssyncset.done $0x0  }
0x28: {  	s6 =	simm.s32 $0x6000;
	s9 =	rddreg [dreg:$0x6];
	[sflag:s31] =	ssyncadd.s32 $0xFFFFA000  }
0x29: {  	[tilespmem:s6], [sflag:$0x1] =	stream.strided.gather [hbm4b:s9+s24], $0x6000, s0, s24, $0x38;
	[tilespmem:$0xF000] =	vst v63  }
0x2a: {  	_ =	swait.ge [sflag:s31], $0x6000  }
0x2b: {  	[sflag:s31] =	ssyncset.done $0x0  }
0x2c: {  	s6 =	simm.s32 $0x10;
	[sflag:s31] =	ssyncadd.s32 $0xFFFFA000  }
0x2d: {  	v4 =	vld [tilespmem:s6+$0x0]  }
0x2e: {  	v5 =	vld [tilespmem:s6+$0xFFFFFFF0];
	_ =	sdelay $0x3  }
0x2f: {  	v4 =	vadd.f32 $1.000000000e+00, v4  }
0x30: {  	v5 =	vadd.f32 $1.000000000e+00, v5  }
0x31: {  	v4 =	vmul.f32 $6.400000000e+01, v4  }
0x32: {  	v5 =	vmul.f32 $6.400000000e+01, v5  }
0x33: {  	v4 =	vmax.f32 v4, $-1.000000000e+00  }
0x34: {  	v5 =	vmax.f32 v5, $-1.000000000e+00;
	v4 =	vmin.f32 v4, $1.638400000e+04  }
0x35: {  	v5 =	vmin.f32 v5, $1.638400000e+04;
	v6 =	vtrunc.f32 v4  }
0x36: {  	v8 =	vtrunc.f32 v5;
	v7 =	vcvt.f32.s32 v6  }
0x37: {  	v9 =	vcvt.f32.s32 v8  }
0x38: {  	v10 =	vand.u32 $0x1, v7  }
0x39: {  	vm0 =	veq.f32 v4, v6;
	v4 =	vand.u32 $0x1, v9;
	vm1 =	veq.s32 v10, $0x1  }
0x3a: {  	vm12 =	veq.f32 v5, v8;
	vm2 =	veq.s32 v4, $0x1;
	vm0 =	vmand vm0, vm1  }
0x3b: {  	vm13 =	vmand vm12, vm2;
	v4 =	vsel vm0, $0xFFFFFFFF, v1  }
0x3c: {  	v5 =	vsel vm13, $0xFFFFFFFF, v1;
	v4 =	vadd.s32 v7, v4  }
0x3d: {  	v5 =	vadd.s32 v9, v5;
	vm14 =	vgt.s32 v4, $0x0  }
0x3e: {  	vm15 =	vgt.s32 v5, $0x0;
	v4 =	vnsel vm14, $0x0, v4  }
0x3f: {  	v5 =	vnsel vm15, $0x0, v5;
	v4 =	vmin.u32 v4, $0x7F  }
0x40: {  	v6 =	vcvt.s32.f32 v4;
	v4 =	vmin.u32 v5, $0x7F  }
0x41: {  	v4 =	vcvt.s32.f32 v4  }
0x42: {  	s7 =	simm.s32 $0x0;
	s8 =	simm.s32 $0x30;
	[tilespmem:s6+$0x0] =	vst v6  }
.LBB2_2:
0x43: {  	v5 =	vld [tilespmem:s8+$0x0];
	s7 =	sadd.s32 $0x2, s7;
	[tilespmem:s6+$0xFFFFFFF0] =	vst v4;
	s6 =	smov.u32 s8  }
0x44: {  	v4 =	vld [tilespmem:s8+$0xFFFFFFF0];
	p0 =	slt.u32 s7, $0x5FE;
	_ =	sdelay $0x3  }
0x45: {  	v5 =	vadd.f32 $1.000000000e+00, v5  }
0x46: {  	v4 =	vadd.f32 $1.000000000e+00, v4  }
0x47: {  	v5 =	vmul.f32 $6.400000000e+01, v5  }
0x48: {  	v4 =	vmul.f32 $6.400000000e+01, v4  }
0x49: {  	v5 =	vmax.f32 v5, $-1.000000000e+00  }
0x4a: {  	v4 =	vmax.f32 v4, $-1.000000000e+00;
	v5 =	vmin.f32 v5, $1.638400000e+04  }
0x4b: {  	v4 =	vmin.f32 v4, $1.638400000e+04;
	v6 =	vtrunc.f32 v5  }
0x4c: {  	v7 =	vtrunc.f32 v4;
	v8 =	vcvt.f32.s32 v6  }
0x4d: {  	v9 =	vcvt.f32.s32 v7;
	vm0 =	veq.f32 v4, v7  }
0x4e: {  	v4 =	vand.u32 $0x1, v8  }
0x4f: {  	vm1 =	veq.f32 v5, v6;
	v7 =	vand.u32 $0x1, v9;
	vm2 =	veq.s32 v4, $0x1  }
0x50: {  	vm3 =	veq.s32 v7, $0x1;
	vm1 =	vmand vm1, vm2  }
0x51: {  	vm0 =	vmand vm0, vm3;
	v4 =	vsel vm1, $0xFFFFFFFF, v1  }
0x52: {  	v5 =	vsel vm0, $0xFFFFFFFF, v1;
	v4 =	vadd.s32 v8, v4  }
0x53: {  	v5 =	vadd.s32 v9, v5;
	vm0 =	vgt.s32 v4, $0x0  }
.Ltmp0:
0x54: {  	vm1 =	vgt.s32 v5, $0x0;
	v4 =	vnsel vm0, $0x0, v4;
	(pc) =	sbr.rel @p0 .LBB2_2-.Ltmp0, $4  }
0x55: {  	v5 =	vnsel vm1, $0x0, v5;
	v4 =	vmin.u32 v4, $0x7F  }
0x56: {  	v5 =	vmin.u32 v5, $0x7F;
	v6 =	vcvt.s32.f32 v4  }
0x57: {  	v4 =	vcvt.s32.f32 v5  }
0x58: {  	s9 =	simm.s32 $0x0;
	s5 =	simm.s32 $0x6000;
	s8 =	sadd.s32 $0x20, s8;
	[tilespmem:s6+$0x0] =	vst v6  }
0x59: {  	[tilespmem:s6+$0xFFFFFFF0] =	vst v4  }
0x5a: {  	v4 =	vld [tilespmem:s5+$0x0];
	_ =	sdelay $0x4  }
0x5b: {  	v4 =	vmul.u32 $0x3, v4;
	_ =	sdelay $0x5  }
0x5c: {  	v5 =	vld.idx.msk [tilespmem:v4+s1+$0x0], $0xffff;
	_ =	sdelay $0x2  }
0x5d: {  	v6 =	vadd.s32 s9, v0;
	_ =	sdelay $0x1  }
0x5e: {  	v8 =	vadd.s32 $0x1, v4;
	v7 =	vtrunc.f32 v5;
	v5 =	vmul.f32 $1.562500000e-02, v5  }
0x5f: {  	v7 =	vcvt.f32.s32 v7  }
0x60: {  	v5 =	vadd.f32 $-9.921875000e-01, v5  }
0x61: {  	[tilespmem:v6+s2+$0x0] =	vst.idx.msk $0xffff, v7  }
0x62: {  	[tilespmem:v6+s3+$0x0] =	vst.idx.msk $0xffff, v5  }
0x63: {  	v5 =	vld.idx.msk [tilespmem:v8+s1+$0x0], $0xffff;
	_ =	sdelay $0x2  }
0x64: {  	v6 =	vadd.s32 s9, v2;
	_ =	sdelay $0x1  }
0x65: {  	v4 =	vadd.s32 $0x2, v4;
	v7 =	vtrunc.f32 v5;
	v5 =	vmul.f32 $1.562500000e-02, v5  }
0x66: {  	v7 =	vcvt.f32.s32 v7  }
0x67: {  	v5 =	vadd.f32 $-9.921875000e-01, v5  }
0x68: {  	[tilespmem:v6+s2+$0x0] =	vst.idx.msk $0xffff, v7  }
0x69: {  	[tilespmem:v6+s3+$0x0] =	vst.idx.msk $0xffff, v5  }
0x6a: {  	v5 =	vld.idx.msk [tilespmem:v4+s1+$0x0], $0xffff;
	_ =	sdelay $0x2  }
0x6b: {  	v4 =	vadd.s32 s9, v3;
	_ =	sdelay $0x1  }
0x6c: {  	v6 =	vtrunc.f32 v5  }
0x6d: {  	v5 =	vmul.f32 $1.562500000e-02, v5;
	v6 =	vcvt.f32.s32 v6;
	_ =	sdelay $0x1  }
0x6e: {  	s6 =	simm.s32 $0x30;
	v5 =	vadd.f32 $-9.921875000e-01, v5;
	[tilespmem:v4+s2+$0x0] =	vst.idx.msk $0xffff, v6  }
.LBB2_4:
0x6f: {  	p0 =	sne.s32 s6, $0x17D0  }
0x70: {  	[tilespmem:v4+s3+$0x0] =	vst.idx.msk $0xffff, v5;
	s5 =	sadd.s32 $0x10, s5;
	s7 =	smov.u32 s6;
	s6 =	sadd.s32 $0x30, s6  }
0x71: {  	v4 =	vld [tilespmem:s5+$0x0];
	_ =	sdelay $0x4  }
0x72: {  	v4 =	vmul.u32 $0x3, v4;
	_ =	sdelay $0x5  }
0x73: {  	v5 =	vld.idx.msk [tilespmem:v4+s1+$0x0], $0xffff;
	_ =	sdelay $0x3  }
0x74: {  	v6 =	vadd.s32 s7, v0;
	_ =	sdelay $0x1  }
0x75: {  	v8 =	vadd.s32 $0x1, v4;
	v7 =	vtrunc.f32 v5;
	v5 =	vmul.f32 $1.562500000e-02, v5  }
0x76: {  	v7 =	vcvt.f32.s32 v7  }
0x77: {  	v5 =	vadd.f32 $-9.921875000e-01, v5  }
0x78: {  	[tilespmem:v6+s2+$0x0] =	vst.idx.msk $0xffff, v7  }
0x79: {  	[tilespmem:v6+s3+$0x0] =	vst.idx.msk $0xffff, v5  }
0x7a: {  	v5 =	vld.idx.msk [tilespmem:v8+s1+$0x0], $0xffff;
	_ =	sdelay $0x3  }
0x7b: {  	v6 =	vadd.s32 s7, v2;
	_ =	sdelay $0x1  }
0x7c: {  	v4 =	vadd.s32 $0x2, v4;
	v7 =	vtrunc.f32 v5;
	v5 =	vmul.f32 $1.562500000e-02, v5  }
0x7d: {  	v7 =	vcvt.f32.s32 v7  }
0x7e: {  	v5 =	vadd.f32 $-9.921875000e-01, v5  }
0x7f: {  	[tilespmem:v6+s2+$0x0] =	vst.idx.msk $0xffff, v7  }
0x80: {  	[tilespmem:v6+s3+$0x0] =	vst.idx.msk $0xffff, v5  }
0x81: {  	v5 =	vld.idx.msk [tilespmem:v4+s1+$0x0], $0xffff;
	_ =	sdelay $0x3  }
0x82: {  	v4 =	vadd.s32 s7, v3  }
.Ltmp1:
0x83: {  	(pc) =	sbr.rel @p0 .LBB2_4-.Ltmp1, $4  }
0x84: {  	v6 =	vtrunc.f32 v5;
	v5 =	vmul.f32 $1.562500000e-02, v5  }
0x85: {  	v6 =	vcvt.f32.s32 v6  }
0x86: {  	v5 =	vadd.f32 $-9.921875000e-01, v5  }
0x87: {  	[tilespmem:v4+s2+$0x0] =	vst.idx.msk $0xffff, v6  }
0x88: {  	_ =	sdelay $0x3  }
0x89: {  	[tilespmem:v4+s3+$0x0] =	vst.idx.msk $0xffff, v5;
	s5 =	rddreg [dreg:$0x7]  }
0x8a: {  	[hbm4b:s5+s24] =	stream.strided.scatter [tilespmem:s2], [sflag:$0x1], $0x1800, s0, s24, $0x38;
	[tilespmem:$0xF000] =	vst v63  }
0x8b: {  	_ =	swait.ge [sflag:s31], $0x1800  }
0x8c: {  	[sflag:s31] =	ssyncset.done $0x0  }
0x8d: {  	s9 =	rddreg [dreg:$0x8];
	[sflag:s31] =	ssyncadd.s32 $0xFFFFE800  }
0x8e: {  	[hbm4b:s9+s24] =	stream.strided.scatter [tilespmem:s3], [sflag:$0x1], $0x1800, s0, s24, $0x38;
	[tilespmem:$0xF000] =	vst v63  }
0x8f: {  	_ =	swait.ge [sflag:s31], $0x1800  }
0x90: {  	s5 =	simm.s32 $0x0;
	[sflag:s31] =	ssyncset.done $0x0  }
0x91: {  	s6 =	sand.u32 $0x7F0, s5;
	[sflag:s31] =	ssyncadd.s32 $0xFFFFE800  }
0x92: {  	v4 =	vld [tilespmem:s6+$0x6800];
	_ =	sdelay $0x4  }
0x93: {  	v4 =	vmul.u32 $0x3, v4;
	_ =	sdelay $0x5  }
0x94: {  	v5 =	vld.idx.msk [tilespmem:v4+s1+$0x0], $0xffff;
	_ =	sdelay $0x2  }
0x95: {  	v6 =	vadd.s32 s5, v0;
	_ =	sdelay $0x1  }
0x96: {  	v8 =	vadd.s32 $0x1, v4;
	v7 =	vtrunc.f32 v5;
	v5 =	vmul.f32 $1.562500000e-02, v5  }
0x97: {  	v7 =	vcvt.f32.s32 v7  }
0x98: {  	v5 =	vadd.f32 $-9.921875000e-01, v5  }
0x99: {  	[tilespmem:v6+s2+$0x0] =	vst.idx.msk $0xffff, v7  }
0x9a: {  	[tilespmem:v6+s3+$0x0] =	vst.idx.msk $0xffff, v5  }
0x9b: {  	v5 =	vld.idx.msk [tilespmem:v8+s1+$0x0], $0xffff;
	_ =	sdelay $0x2  }
0x9c: {  	v6 =	vadd.s32 s5, v2;
	_ =	sdelay $0x1  }
0x9d: {  	v4 =	vadd.s32 $0x2, v4;
	v7 =	vtrunc.f32 v5;
	v5 =	vmul.f32 $1.562500000e-02, v5  }
0x9e: {  	v7 =	vcvt.f32.s32 v7  }
0x9f: {  	v5 =	vadd.f32 $-9.921875000e-01, v5  }
0xa0: {  	[tilespmem:v6+s2+$0x0] =	vst.idx.msk $0xffff, v7  }
0xa1: {  	[tilespmem:v6+s3+$0x0] =	vst.idx.msk $0xffff, v5  }
0xa2: {  	v5 =	vld.idx.msk [tilespmem:v4+s1+$0x0], $0xffff;
	_ =	sdelay $0x2  }
0xa3: {  	v4 =	vadd.s32 s5, v3;
	_ =	sdelay $0x1  }
0xa4: {  	v6 =	vtrunc.f32 v5  }
0xa5: {  	v5 =	vmul.f32 $1.562500000e-02, v5;
	v6 =	vcvt.f32.s32 v6;
	_ =	sdelay $0x1  }
0xa6: {  	s8 =	simm.s32 $0x20;
	s6 =	simm.s32 $0x10;
	v5 =	vadd.f32 $-9.921875000e-01, v5;
	[tilespmem:v4+s2+$0x0] =	vst.idx.msk $0xffff, v6  }
.LBB2_6:
0xa7: {  	s9 =	sand.u32 $0x7F0, s6  }
0xa8: {  	[tilespmem:v4+s3+$0x0] =	vst.idx.msk $0xffff, v5;
	s5 =	sadd.s32 $0x30, s5;
	s6 =	smov.u32 s8;
	s7 =	sadd.s32 $0x10, s8  }
0xa9: {  	p0 =	sne.s32 s8, $0x7F0;
	v4 =	vld [tilespmem:s9+$0x6800];
	_ =	sdelay $0x4  }
0xaa: {  	v4 =	vmul.u32 $0x3, v4;
	_ =	sdelay $0x5  }
0xab: {  	v5 =	vld.idx.msk [tilespmem:v4+s1+$0x0], $0xffff;
	_ =	sdelay $0x3  }
0xac: {  	v6 =	vadd.s32 s5, v0;
	_ =	sdelay $0x1  }
0xad: {  	v8 =	vadd.s32 $0x1, v4;
	v7 =	vtrunc.f32 v5;
	v5 =	vmul.f32 $1.562500000e-02, v5  }
0xae: {  	v7 =	vcvt.f32.s32 v7  }
0xaf: {  	v5 =	vadd.f32 $-9.921875000e-01, v5  }
0xb0: {  	[tilespmem:v6+s2+$0x0] =	vst.idx.msk $0xffff, v7  }
0xb1: {  	[tilespmem:v6+s3+$0x0] =	vst.idx.msk $0xffff, v5  }
0xb2: {  	v5 =	vld.idx.msk [tilespmem:v8+s1+$0x0], $0xffff;
	_ =	sdelay $0x3  }
0xb3: {  	v6 =	vadd.s32 s5, v2;
	_ =	sdelay $0x1  }
0xb4: {  	v4 =	vadd.s32 $0x2, v4;
	v7 =	vtrunc.f32 v5;
	v5 =	vmul.f32 $1.562500000e-02, v5  }
0xb5: {  	v7 =	vcvt.f32.s32 v7  }
0xb6: {  	v5 =	vadd.f32 $-9.921875000e-01, v5  }
0xb7: {  	[tilespmem:v6+s2+$0x0] =	vst.idx.msk $0xffff, v7  }
0xb8: {  	[tilespmem:v6+s3+$0x0] =	vst.idx.msk $0xffff, v5  }
0xb9: {  	v5 =	vld.idx.msk [tilespmem:v4+s1+$0x0], $0xffff;
	_ =	sdelay $0x3  }
0xba: {  	v4 =	vadd.s32 s5, v3  }
.Ltmp2:
0xbb: {  	(pc) =	sbr.rel @p0 .LBB2_6-.Ltmp2, $4  }
0xbc: {  	v6 =	vtrunc.f32 v5;
	v5 =	vmul.f32 $1.562500000e-02, v5  }
0xbd: {  	v6 =	vcvt.f32.s32 v6  }
0xbe: {  	v5 =	vadd.f32 $-9.921875000e-01, v5  }
0xbf: {  	s8 =	smov.u32 s7;
	[tilespmem:v4+s2+$0x0] =	vst.idx.msk $0xffff, v6  }
0xc0: {  	_ =	sdelay $0x3  }
0xc1: {  	s6 =	sand.u32 $0x7F0, s6;
	[tilespmem:v4+s3+$0x0] =	vst.idx.msk $0xffff, v5  }
0xc2: {  	v4 =	vld [tilespmem:s6+$0x6800];
	_ =	sdelay $0x4  }
0xc3: {  	v4 =	vmul.u32 $0x3, v4;
	_ =	sdelay $0x5  }
0xc4: {  	v5 =	vld.idx.msk [tilespmem:v4+s1+$0x0], $0xffff;
	_ =	sdelay $0x1  }
0xc5: {  	s5 =	sadd.s32 $0x30, s5  }
0xc6: {  	v6 =	vadd.s32 s5, v0;
	_ =	sdelay $0x1  }
0xc7: {  	v8 =	vadd.s32 $0x1, v4;
	v7 =	vtrunc.f32 v5;
	v5 =	vmul.f32 $1.562500000e-02, v5  }
0xc8: {  	v7 =	vcvt.f32.s32 v7  }
0xc9: {  	v5 =	vadd.f32 $-9.921875000e-01, v5  }
0xca: {  	[tilespmem:v6+s2+$0x0] =	vst.idx.msk $0xffff, v7  }
0xcb: {  	[tilespmem:v6+s3+$0x0] =	vst.idx.msk $0xffff, v5  }
0xcc: {  	v5 =	vld.idx.msk [tilespmem:v8+s1+$0x0], $0xffff;
	_ =	sdelay $0x2  }
0xcd: {  	v6 =	vadd.s32 s5, v2;
	_ =	sdelay $0x1  }
0xce: {  	v4 =	vadd.s32 $0x2, v4;
	v7 =	vtrunc.f32 v5;
	v5 =	vmul.f32 $1.562500000e-02, v5  }
0xcf: {  	v7 =	vcvt.f32.s32 v7  }
0xd0: {  	v5 =	vadd.f32 $-9.921875000e-01, v5  }
0xd1: {  	[tilespmem:v6+s2+$0x0] =	vst.idx.msk $0xffff, v7  }
0xd2: {  	[tilespmem:v6+s3+$0x0] =	vst.idx.msk $0xffff, v5  }
0xd3: {  	v4 =	vld.idx.msk [tilespmem:v4+s1+$0x0], $0xffff;
	_ =	sdelay $0x2  }
0xd4: {  	v5 =	vadd.s32 s5, v3;
	_ =	sdelay $0x1  }
0xd5: {  	v6 =	vtrunc.f32 v4;
	v4 =	vmul.f32 $1.562500000e-02, v4  }
0xd6: {  	v6 =	vcvt.f32.s32 v6  }
0xd7: {  	v4 =	vadd.f32 $-9.921875000e-01, v4  }
0xd8: {  	[tilespmem:v5+s2+$0x0] =	vst.idx.msk $0xffff, v6  }
0xd9: {  	s7 =	rddreg [dreg:$0x9];
	[tilespmem:v5+s3+$0x0] =	vst.idx.msk $0xffff, v4  }
0xda: {  	[hbm4b:s7+s24] =	stream.strided.scatter [tilespmem:s2], [sflag:$0x1], $0x1800, s0, s24, $0x38;
	[tilespmem:$0xF000] =	vst v63  }
0xdb: {  	_ =	swait.ge [sflag:s31], $0x1800  }
0xdc: {  	[sflag:s31] =	ssyncset.done $0x0  }
0xdd: {  	s8 =	rddreg [dreg:$0xa];
	[sflag:s31] =	ssyncadd.s32 $0xFFFFE800  }
0xde: {  	[hbm4b:s8+s24] =	stream.strided.scatter [tilespmem:s3], [sflag:$0x1], $0x1800, s0, s24, $0x38;
	[tilespmem:$0xF000] =	vst v63  }
0xdf: {  	_ =	swait.ge [sflag:s31], $0x1800  }
0xe0: {  	s5 =	simm.s32 $0x0;
	[sflag:s31] =	ssyncset.done $0x0  }
0xe1: {  	s9 =	sand.u32 $0x7F0, s5;
	[sflag:s31] =	ssyncadd.s32 $0xFFFFE800  }
0xe2: {  	v4 =	vld [tilespmem:s9+$0x7000];
	_ =	sdelay $0x4  }
0xe3: {  	v4 =	vmul.u32 $0x3, v4;
	_ =	sdelay $0x5  }
0xe4: {  	v5 =	vld.idx.msk [tilespmem:v4+s1+$0x0], $0xffff;
	_ =	sdelay $0x2  }
0xe5: {  	v6 =	vadd.s32 s5, v0;
	_ =	sdelay $0x1  }
0xe6: {  	v63 =	vadd.s32 $0x1, v4;
	v7 =	vtrunc.f32 v5;
	v5 =	vmul.f32 $1.562500000e-02, v5  }
0xe7: {  	v7 =	vcvt.f32.s32 v7  }
0xe8: {  	v5 =	vadd.f32 $-9.921875000e-01, v5  }
0xe9: {  	[tilespmem:v6+s2+$0x0] =	vst.idx.msk $0xffff, v7  }
0xea: {  	[tilespmem:v6+s3+$0x0] =	vst.idx.msk $0xffff, v5  }
0xeb: {  	v5 =	vld.idx.msk [tilespmem:v63+s1+$0x0], $0xffff;
	_ =	sdelay $0x2  }
0xec: {  	v6 =	vadd.s32 s5, v2;
	_ =	sdelay $0x1  }
0xed: {  	v4 =	vadd.s32 $0x2, v4;
	v7 =	vtrunc.f32 v5;
	v5 =	vmul.f32 $1.562500000e-02, v5  }
0xee: {  	v7 =	vcvt.f32.s32 v7  }
0xef: {  	v5 =	vadd.f32 $-9.921875000e-01, v5  }
0xf0: {  	[tilespmem:v6+s2+$0x0] =	vst.idx.msk $0xffff, v7  }
0xf1: {  	[tilespmem:v6+s3+$0x0] =	vst.idx.msk $0xffff, v5  }
0xf2: {  	v5 =	vld.idx.msk [tilespmem:v4+s1+$0x0], $0xffff;
	_ =	sdelay $0x2  }
0xf3: {  	v4 =	vadd.s32 s5, v3;
	_ =	sdelay $0x1  }
0xf4: {  	v6 =	vtrunc.f32 v5  }
0xf5: {  	v5 =	vmul.f32 $1.562500000e-02, v5;
	v6 =	vcvt.f32.s32 v6;
	_ =	sdelay $0x1  }
0xf6: {  	s6 =	simm.s32 $0x10;
	s8 =	simm.s32 $0x20;
	v5 =	vadd.f32 $-9.921875000e-01, v5;
	[tilespmem:v4+s2+$0x0] =	vst.idx.msk $0xffff, v6  }
.LBB2_8:
0xf7: {  	s9 =	sand.u32 $0x7F0, s6  }
0xf8: {  	[tilespmem:v4+s3+$0x0] =	vst.idx.msk $0xffff, v5;
	s5 =	sadd.s32 $0x30, s5;
	s6 =	smov.u32 s8;
	s7 =	sadd.s32 $0x10, s8  }
0xf9: {  	p0 =	sne.s32 s8, $0x7F0;
	v4 =	vld [tilespmem:s9+$0x7000];
	_ =	sdelay $0x4  }
0xfa: {  	v4 =	vmul.u32 $0x3, v4;
	_ =	sdelay $0x5  }
0xfb: {  	v5 =	vld.idx.msk [tilespmem:v4+s1+$0x0], $0xffff;
	_ =	sdelay $0x3  }
0xfc: {  	v6 =	vadd.s32 s5, v0;
	_ =	sdelay $0x1  }
0xfd: {  	v8 =	vadd.s32 $0x1, v4;
	v7 =	vtrunc.f32 v5;
	v5 =	vmul.f32 $1.562500000e-02, v5  }
0xfe: {  	v7 =	vcvt.f32.s32 v7  }
0xff: {  	v5 =	vadd.f32 $-9.921875000e-01, v5  }
0x100: {  	[tilespmem:v6+s2+$0x0] =	vst.idx.msk $0xffff, v7  }
0x101: {  	[tilespmem:v6+s3+$0x0] =	vst.idx.msk $0xffff, v5  }
0x102: {  	v5 =	vld.idx.msk [tilespmem:v8+s1+$0x0], $0xffff;
	_ =	sdelay $0x3  }
0x103: {  	v6 =	vadd.s32 s5, v2;
	_ =	sdelay $0x1  }
0x104: {  	v4 =	vadd.s32 $0x2, v4;
	v7 =	vtrunc.f32 v5;
	v5 =	vmul.f32 $1.562500000e-02, v5  }
0x105: {  	v7 =	vcvt.f32.s32 v7  }
0x106: {  	v5 =	vadd.f32 $-9.921875000e-01, v5  }
0x107: {  	[tilespmem:v6+s2+$0x0] =	vst.idx.msk $0xffff, v7  }
0x108: {  	[tilespmem:v6+s3+$0x0] =	vst.idx.msk $0xffff, v5  }
0x109: {  	v5 =	vld.idx.msk [tilespmem:v4+s1+$0x0], $0xffff;
	_ =	sdelay $0x3  }
0x10a: {  	v4 =	vadd.s32 s5, v3  }
.Ltmp3:
0x10b: {  	(pc) =	sbr.rel @p0 .LBB2_8-.Ltmp3, $4  }
0x10c: {  	v6 =	vtrunc.f32 v5;
	v5 =	vmul.f32 $1.562500000e-02, v5  }
0x10d: {  	v6 =	vcvt.f32.s32 v6  }
0x10e: {  	v5 =	vadd.f32 $-9.921875000e-01, v5  }
0x10f: {  	s8 =	smov.u32 s7;
	[tilespmem:v4+s2+$0x0] =	vst.idx.msk $0xffff, v6  }
0x110: {  	_ =	sdelay $0x3  }
0x111: {  	s6 =	sand.u32 $0x7F0, s6;
	[tilespmem:v4+s3+$0x0] =	vst.idx.msk $0xffff, v5  }
0x112: {  	v4 =	vld [tilespmem:s6+$0x7000];
	_ =	sdelay $0x4  }
0x113: {  	v4 =	vmul.u32 $0x3, v4;
	_ =	sdelay $0x5  }
0x114: {  	v5 =	vld.idx.msk [tilespmem:v4+s1+$0x0], $0xffff;
	_ =	sdelay $0x1  }
0x115: {  	s5 =	sadd.s32 $0x30, s5  }
0x116: {  	v6 =	vadd.s32 s5, v0;
	_ =	sdelay $0x1  }
0x117: {  	v8 =	vadd.s32 $0x1, v4;
	v7 =	vtrunc.f32 v5;
	v5 =	vmul.f32 $1.562500000e-02, v5  }
0x118: {  	v7 =	vcvt.f32.s32 v7  }
0x119: {  	v5 =	vadd.f32 $-9.921875000e-01, v5  }
0x11a: {  	[tilespmem:v6+s2+$0x0] =	vst.idx.msk $0xffff, v7  }
0x11b: {  	[tilespmem:v6+s3+$0x0] =	vst.idx.msk $0xffff, v5  }
0x11c: {  	v5 =	vld.idx.msk [tilespmem:v8+s1+$0x0], $0xffff;
	_ =	sdelay $0x2  }
0x11d: {  	v6 =	vadd.s32 s5, v2;
	_ =	sdelay $0x1  }
0x11e: {  	v4 =	vadd.s32 $0x2, v4;
	v7 =	vtrunc.f32 v5;
	v5 =	vmul.f32 $1.562500000e-02, v5  }
0x11f: {  	v7 =	vcvt.f32.s32 v7  }
0x120: {  	v5 =	vadd.f32 $-9.921875000e-01, v5  }
0x121: {  	[tilespmem:v6+s2+$0x0] =	vst.idx.msk $0xffff, v7  }
0x122: {  	[tilespmem:v6+s3+$0x0] =	vst.idx.msk $0xffff, v5  }
0x123: {  	v4 =	vld.idx.msk [tilespmem:v4+s1+$0x0], $0xffff;
	_ =	sdelay $0x2  }
0x124: {  	v5 =	vadd.s32 s5, v3;
	_ =	sdelay $0x1  }
0x125: {  	v6 =	vtrunc.f32 v4;
	v4 =	vmul.f32 $1.562500000e-02, v4  }
0x126: {  	v6 =	vcvt.f32.s32 v6  }
0x127: {  	v4 =	vadd.f32 $-9.921875000e-01, v4  }
0x128: {  	[tilespmem:v5+s2+$0x0] =	vst.idx.msk $0xffff, v6  }
0x129: {  	s7 =	rddreg [dreg:$0xb];
	[tilespmem:v5+s3+$0x0] =	vst.idx.msk $0xffff, v4  }
0x12a: {  	[hbm4b:s7+s24] =	stream.strided.scatter [tilespmem:s2], [sflag:$0x1], $0x1800, s0, s24, $0x38;
	[tilespmem:$0xF000] =	vst v63  }
0x12b: {  	_ =	swait.ge [sflag:s31], $0x1800  }
0x12c: {  	[sflag:s31] =	ssyncset.done $0x0  }
0x12d: {  	s8 =	rddreg [dreg:$0xc];
	[sflag:s31] =	ssyncadd.s32 $0xFFFFE800  }
0x12e: {  	[hbm4b:s8+s24] =	stream.strided.scatter [tilespmem:s3], [sflag:$0x1], $0x1800, s0, s24, $0x38;
	[tilespmem:$0xF000] =	vst v63  }
0x12f: {  	_ =	swait.ge [sflag:s31], $0x1800  }
0x130: {  	s5 =	simm.s32 $0x0;
	[sflag:s31] =	ssyncset.done $0x0  }
0x131: {  	s9 =	sand.u32 $0x7F0, s5;
	[sflag:s31] =	ssyncadd.s32 $0xFFFFE800  }
0x132: {  	v4 =	vld [tilespmem:s9+$0x7800];
	_ =	sdelay $0x4  }
0x133: {  	v4 =	vmul.u32 $0x3, v4;
	_ =	sdelay $0x5  }
0x134: {  	v5 =	vld.idx.msk [tilespmem:v4+s1+$0x0], $0xffff;
	_ =	sdelay $0x2  }
0x135: {  	v6 =	vadd.s32 s5, v0;
	_ =	sdelay $0x1  }
0x136: {  	v63 =	vadd.s32 $0x1, v4;
	v7 =	vtrunc.f32 v5;
	v5 =	vmul.f32 $1.562500000e-02, v5  }
0x137: {  	v7 =	vcvt.f32.s32 v7  }
0x138: {  	v5 =	vadd.f32 $-9.921875000e-01, v5  }
0x139: {  	[tilespmem:v6+s2+$0x0] =	vst.idx.msk $0xffff, v7  }
0x13a: {  	[tilespmem:v6+s3+$0x0] =	vst.idx.msk $0xffff, v5  }
0x13b: {  	v5 =	vld.idx.msk [tilespmem:v63+s1+$0x0], $0xffff;
	_ =	sdelay $0x2  }
0x13c: {  	v6 =	vadd.s32 s5, v2;
	_ =	sdelay $0x1  }
0x13d: {  	v4 =	vadd.s32 $0x2, v4;
	v7 =	vtrunc.f32 v5;
	v5 =	vmul.f32 $1.562500000e-02, v5  }
0x13e: {  	v7 =	vcvt.f32.s32 v7  }
0x13f: {  	v5 =	vadd.f32 $-9.921875000e-01, v5  }
0x140: {  	[tilespmem:v6+s2+$0x0] =	vst.idx.msk $0xffff, v7  }
0x141: {  	[tilespmem:v6+s3+$0x0] =	vst.idx.msk $0xffff, v5  }
0x142: {  	v5 =	vld.idx.msk [tilespmem:v4+s1+$0x0], $0xffff;
	_ =	sdelay $0x2  }
0x143: {  	v4 =	vadd.s32 s5, v3;
	_ =	sdelay $0x1  }
0x144: {  	v6 =	vtrunc.f32 v5  }
0x145: {  	v5 =	vmul.f32 $1.562500000e-02, v5;
	v6 =	vcvt.f32.s32 v6;
	_ =	sdelay $0x1  }
0x146: {  	s6 =	simm.s32 $0x10;
	s8 =	simm.s32 $0x20;
	v5 =	vadd.f32 $-9.921875000e-01, v5;
	[tilespmem:v4+s2+$0x0] =	vst.idx.msk $0xffff, v6  }
.LBB2_10:
0x147: {  	s9 =	sand.u32 $0x7F0, s6  }
0x148: {  	[tilespmem:v4+s3+$0x0] =	vst.idx.msk $0xffff, v5;
	s5 =	sadd.s32 $0x30, s5;
	s6 =	smov.u32 s8;
	s7 =	sadd.s32 $0x10, s8  }
0x149: {  	p0 =	sne.s32 s8, $0x7F0;
	v4 =	vld [tilespmem:s9+$0x7800];
	_ =	sdelay $0x4  }
0x14a: {  	v4 =	vmul.u32 $0x3, v4;
	_ =	sdelay $0x5  }
0x14b: {  	v5 =	vld.idx.msk [tilespmem:v4+s1+$0x0], $0xffff;
	_ =	sdelay $0x3  }
0x14c: {  	v6 =	vadd.s32 s5, v0;
	_ =	sdelay $0x1  }
0x14d: {  	v8 =	vadd.s32 $0x1, v4;
	v7 =	vtrunc.f32 v5;
	v5 =	vmul.f32 $1.562500000e-02, v5  }
0x14e: {  	v7 =	vcvt.f32.s32 v7  }
0x14f: {  	v5 =	vadd.f32 $-9.921875000e-01, v5  }
0x150: {  	[tilespmem:v6+s2+$0x0] =	vst.idx.msk $0xffff, v7  }
0x151: {  	[tilespmem:v6+s3+$0x0] =	vst.idx.msk $0xffff, v5  }
0x152: {  	v5 =	vld.idx.msk [tilespmem:v8+s1+$0x0], $0xffff;
	_ =	sdelay $0x3  }
0x153: {  	v6 =	vadd.s32 s5, v2;
	_ =	sdelay $0x1  }
0x154: {  	v4 =	vadd.s32 $0x2, v4;
	v7 =	vtrunc.f32 v5;
	v5 =	vmul.f32 $1.562500000e-02, v5  }
0x155: {  	v7 =	vcvt.f32.s32 v7  }
0x156: {  	v5 =	vadd.f32 $-9.921875000e-01, v5  }
0x157: {  	[tilespmem:v6+s2+$0x0] =	vst.idx.msk $0xffff, v7  }
0x158: {  	[tilespmem:v6+s3+$0x0] =	vst.idx.msk $0xffff, v5  }
0x159: {  	v5 =	vld.idx.msk [tilespmem:v4+s1+$0x0], $0xffff;
	_ =	sdelay $0x3  }
0x15a: {  	v4 =	vadd.s32 s5, v3  }
.Ltmp4:
0x15b: {  	(pc) =	sbr.rel @p0 .LBB2_10-.Ltmp4, $4  }
0x15c: {  	v6 =	vtrunc.f32 v5;
	v5 =	vmul.f32 $1.562500000e-02, v5  }
0x15d: {  	v6 =	vcvt.f32.s32 v6  }
0x15e: {  	v5 =	vadd.f32 $-9.921875000e-01, v5  }
0x15f: {  	s8 =	smov.u32 s7;
	[tilespmem:v4+s2+$0x0] =	vst.idx.msk $0xffff, v6  }
0x160: {  	_ =	sdelay $0x3  }
0x161: {  	s6 =	sand.u32 $0x7F0, s6;
	[tilespmem:v4+s3+$0x0] =	vst.idx.msk $0xffff, v5  }
0x162: {  	v4 =	vld [tilespmem:s6+$0x7800];
	_ =	sdelay $0x4  }
0x163: {  	v4 =	vmul.u32 $0x3, v4;
	_ =	sdelay $0x5  }
0x164: {  	v5 =	vld.idx.msk [tilespmem:v4+s1+$0x0], $0xffff;
	_ =	sdelay $0x1  }
0x165: {  	s5 =	sadd.s32 $0x30, s5  }
0x166: {  	v6 =	vadd.s32 s5, v0;
	_ =	sdelay $0x1  }
0x167: {  	v8 =	vadd.s32 $0x1, v4;
	v7 =	vtrunc.f32 v5;
	v5 =	vmul.f32 $1.562500000e-02, v5  }
0x168: {  	v7 =	vcvt.f32.s32 v7  }
0x169: {  	v5 =	vadd.f32 $-9.921875000e-01, v5  }
0x16a: {  	[tilespmem:v6+s2+$0x0] =	vst.idx.msk $0xffff, v7  }
0x16b: {  	[tilespmem:v6+s3+$0x0] =	vst.idx.msk $0xffff, v5  }
0x16c: {  	v5 =	vld.idx.msk [tilespmem:v8+s1+$0x0], $0xffff;
	_ =	sdelay $0x2  }
0x16d: {  	v6 =	vadd.s32 s5, v2;
	_ =	sdelay $0x1  }
0x16e: {  	v4 =	vadd.s32 $0x2, v4;
	v7 =	vtrunc.f32 v5;
	v5 =	vmul.f32 $1.562500000e-02, v5  }
0x16f: {  	v7 =	vcvt.f32.s32 v7  }
0x170: {  	v5 =	vadd.f32 $-9.921875000e-01, v5  }
0x171: {  	[tilespmem:v6+s2+$0x0] =	vst.idx.msk $0xffff, v7  }
0x172: {  	[tilespmem:v6+s3+$0x0] =	vst.idx.msk $0xffff, v5  }
0x173: {  	v4 =	vld.idx.msk [tilespmem:v4+s1+$0x0], $0xffff;
	_ =	sdelay $0x2  }
0x174: {  	v5 =	vadd.s32 s5, v3;
	_ =	sdelay $0x1  }
0x175: {  	v6 =	vtrunc.f32 v4;
	v4 =	vmul.f32 $1.562500000e-02, v4  }
0x176: {  	v6 =	vcvt.f32.s32 v6  }
0x177: {  	v4 =	vadd.f32 $-9.921875000e-01, v4  }
0x178: {  	[tilespmem:v5+s2+$0x0] =	vst.idx.msk $0xffff, v6  }
0x179: {  	[tilespmem:v5+s3+$0x0] =	vst.idx.msk $0xffff, v4  }
0x17a: {  	[hbm4b:s10+s24] =	stream.strided.scatter [tilespmem:s2], [sflag:$0x1], $0x1800, s0, s24, $0x38;
	[tilespmem:$0xF000] =	vst v63  }
0x17b: {  	_ =	swait.ge [sflag:s31], $0x1800  }
0x17c: {  	[sflag:s31] =	ssyncset.done $0x0  }
0x17d: {  	[sflag:s31] =	ssyncadd.s32 $0xFFFFE800  }
0x17e: {  	[hbm4b:s11+s24] =	stream.strided.scatter [tilespmem:s3], [sflag:$0x1], $0x1800, s0, s24, $0x38;
	[tilespmem:$0xF000] =	vst v63  }
0x17f: {  	_ =	swait.ge [sflag:s31], $0x1800  }
0x180: {  	s5 =	simm.s32 $0x0;
	[sflag:s31] =	ssyncset.done $0x0  }
0x181: {  	s9 =	sand.u32 $0x7F0, s5;
	[sflag:s31] =	ssyncadd.s32 $0xFFFFE800  }
0x182: {  	v4 =	vld [tilespmem:s9+$0x8000];
	_ =	sdelay $0x4  }
0x183: {  	v4 =	vmul.u32 $0x3, v4;
	_ =	sdelay $0x5  }
0x184: {  	v5 =	vld.idx.msk [tilespmem:v4+s1+$0x0], $0xffff;
	_ =	sdelay $0x2  }
0x185: {  	v6 =	vadd.s32 s5, v0;
	_ =	sdelay $0x1  }
0x186: {  	v63 =	vadd.s32 $0x1, v4;
	v7 =	vtrunc.f32 v5;
	v5 =	vmul.f32 $1.562500000e-02, v5  }
0x187: {  	v7 =	vcvt.f32.s32 v7  }
0x188: {  	v5 =	vadd.f32 $-9.921875000e-01, v5  }
0x189: {  	[tilespmem:v6+s2+$0x0] =	vst.idx.msk $0xffff, v7  }
0x18a: {  	[tilespmem:v6+s3+$0x0] =	vst.idx.msk $0xffff, v5  }
0x18b: {  	v5 =	vld.idx.msk [tilespmem:v63+s1+$0x0], $0xffff;
	_ =	sdelay $0x2  }
0x18c: {  	v6 =	vadd.s32 s5, v2;
	_ =	sdelay $0x1  }
0x18d: {  	v4 =	vadd.s32 $0x2, v4;
	v7 =	vtrunc.f32 v5;
	v5 =	vmul.f32 $1.562500000e-02, v5  }
0x18e: {  	v7 =	vcvt.f32.s32 v7  }
0x18f: {  	v5 =	vadd.f32 $-9.921875000e-01, v5  }
0x190: {  	[tilespmem:v6+s2+$0x0] =	vst.idx.msk $0xffff, v7  }
0x191: {  	[tilespmem:v6+s3+$0x0] =	vst.idx.msk $0xffff, v5  }
0x192: {  	v5 =	vld.idx.msk [tilespmem:v4+s1+$0x0], $0xffff;
	_ =	sdelay $0x2  }
0x193: {  	v4 =	vadd.s32 s5, v3;
	_ =	sdelay $0x1  }
0x194: {  	v6 =	vtrunc.f32 v5  }
0x195: {  	v5 =	vmul.f32 $1.562500000e-02, v5;
	v6 =	vcvt.f32.s32 v6;
	_ =	sdelay $0x1  }
0x196: {  	s8 =	simm.s32 $0x20;
	s6 =	simm.s32 $0x10;
	v5 =	vadd.f32 $-9.921875000e-01, v5;
	[tilespmem:v4+s2+$0x0] =	vst.idx.msk $0xffff, v6  }
.LBB2_12:
0x197: {  	s9 =	sand.u32 $0x7F0, s6  }
0x198: {  	[tilespmem:v4+s3+$0x0] =	vst.idx.msk $0xffff, v5;
	s5 =	sadd.s32 $0x30, s5;
	s6 =	smov.u32 s8;
	s7 =	sadd.s32 $0x10, s8  }
0x199: {  	p0 =	sne.s32 s8, $0x7F0;
	v4 =	vld [tilespmem:s9+$0x8000];
	_ =	sdelay $0x4  }
0x19a: {  	v4 =	vmul.u32 $0x3, v4;
	_ =	sdelay $0x5  }
0x19b: {  	v5 =	vld.idx.msk [tilespmem:v4+s1+$0x0], $0xffff;
	_ =	sdelay $0x3  }
0x19c: {  	v6 =	vadd.s32 s5, v0;
	_ =	sdelay $0x1  }
0x19d: {  	v8 =	vadd.s32 $0x1, v4;
	v7 =	vtrunc.f32 v5;
	v5 =	vmul.f32 $1.562500000e-02, v5  }
0x19e: {  	v7 =	vcvt.f32.s32 v7  }
0x19f: {  	v5 =	vadd.f32 $-9.921875000e-01, v5  }
0x1a0: {  	[tilespmem:v6+s2+$0x0] =	vst.idx.msk $0xffff, v7  }
0x1a1: {  	[tilespmem:v6+s3+$0x0] =	vst.idx.msk $0xffff, v5  }
0x1a2: {  	v5 =	vld.idx.msk [tilespmem:v8+s1+$0x0], $0xffff;
	_ =	sdelay $0x3  }
0x1a3: {  	v6 =	vadd.s32 s5, v2;
	_ =	sdelay $0x1  }
0x1a4: {  	v4 =	vadd.s32 $0x2, v4;
	v7 =	vtrunc.f32 v5;
	v5 =	vmul.f32 $1.562500000e-02, v5  }
0x1a5: {  	v7 =	vcvt.f32.s32 v7  }
0x1a6: {  	v5 =	vadd.f32 $-9.921875000e-01, v5  }
0x1a7: {  	[tilespmem:v6+s2+$0x0] =	vst.idx.msk $0xffff, v7  }
0x1a8: {  	[tilespmem:v6+s3+$0x0] =	vst.idx.msk $0xffff, v5  }
0x1a9: {  	v5 =	vld.idx.msk [tilespmem:v4+s1+$0x0], $0xffff;
	_ =	sdelay $0x3  }
0x1aa: {  	v4 =	vadd.s32 s5, v3  }
.Ltmp5:
0x1ab: {  	(pc) =	sbr.rel @p0 .LBB2_12-.Ltmp5, $4  }
0x1ac: {  	v6 =	vtrunc.f32 v5;
	v5 =	vmul.f32 $1.562500000e-02, v5  }
0x1ad: {  	v6 =	vcvt.f32.s32 v6  }
0x1ae: {  	v5 =	vadd.f32 $-9.921875000e-01, v5  }
0x1af: {  	s8 =	smov.u32 s7;
	[tilespmem:v4+s2+$0x0] =	vst.idx.msk $0xffff, v6  }
0x1b0: {  	_ =	sdelay $0x3  }
0x1b1: {  	s6 =	sand.u32 $0x7F0, s6;
	[tilespmem:v4+s3+$0x0] =	vst.idx.msk $0xffff, v5  }
0x1b2: {  	v4 =	vld [tilespmem:s6+$0x8000];
	_ =	sdelay $0x4  }
0x1b3: {  	v4 =	vmul.u32 $0x3, v4;
	_ =	sdelay $0x5  }
0x1b4: {  	v5 =	vld.idx.msk [tilespmem:v4+s1+$0x0], $0xffff;
	_ =	sdelay $0x1  }
0x1b5: {  	s5 =	sadd.s32 $0x30, s5  }
0x1b6: {  	v6 =	vadd.s32 s5, v0;
	_ =	sdelay $0x1  }
0x1b7: {  	v8 =	vadd.s32 $0x1, v4;
	v7 =	vtrunc.f32 v5;
	v5 =	vmul.f32 $1.562500000e-02, v5  }
0x1b8: {  	v7 =	vcvt.f32.s32 v7  }
0x1b9: {  	v5 =	vadd.f32 $-9.921875000e-01, v5  }
0x1ba: {  	[tilespmem:v6+s2+$0x0] =	vst.idx.msk $0xffff, v7  }
0x1bb: {  	[tilespmem:v6+s3+$0x0] =	vst.idx.msk $0xffff, v5  }
0x1bc: {  	v5 =	vld.idx.msk [tilespmem:v8+s1+$0x0], $0xffff;
	_ =	sdelay $0x2  }
0x1bd: {  	v6 =	vadd.s32 s5, v2;
	_ =	sdelay $0x1  }
0x1be: {  	v4 =	vadd.s32 $0x2, v4;
	v7 =	vtrunc.f32 v5;
	v5 =	vmul.f32 $1.562500000e-02, v5  }
0x1bf: {  	v7 =	vcvt.f32.s32 v7  }
0x1c0: {  	v5 =	vadd.f32 $-9.921875000e-01, v5  }
0x1c1: {  	[tilespmem:v6+s2+$0x0] =	vst.idx.msk $0xffff, v7  }
0x1c2: {  	[tilespmem:v6+s3+$0x0] =	vst.idx.msk $0xffff, v5  }
0x1c3: {  	v4 =	vld.idx.msk [tilespmem:v4+s1+$0x0], $0xffff;
	_ =	sdelay $0x2  }
0x1c4: {  	v5 =	vadd.s32 s5, v3;
	_ =	sdelay $0x1  }
0x1c5: {  	v6 =	vtrunc.f32 v4;
	v4 =	vmul.f32 $1.562500000e-02, v4  }
0x1c6: {  	v6 =	vcvt.f32.s32 v6  }
0x1c7: {  	v4 =	vadd.f32 $-9.921875000e-01, v4  }
0x1c8: {  	[tilespmem:v5+s2+$0x0] =	vst.idx.msk $0xffff, v6  }
0x1c9: {  	[tilespmem:v5+s3+$0x0] =	vst.idx.msk $0xffff, v4  }
0x1ca: {  	[hbm4b:s12+s24] =	stream.strided.scatter [tilespmem:s2], [sflag:$0x1], $0x1800, s0, s24, $0x38;
	[tilespmem:$0xF000] =	vst v63  }
0x1cb: {  	_ =	swait.ge [sflag:s31], $0x1800  }
0x1cc: {  	[sflag:s31] =	ssyncset.done $0x0  }
0x1cd: {  	[sflag:s31] =	ssyncadd.s32 $0xFFFFE800  }
0x1ce: {  	[hbm4b:s13+s24] =	stream.strided.scatter [tilespmem:s3], [sflag:$0x1], $0x1800, s0, s24, $0x38;
	[tilespmem:$0xF000] =	vst v63  }
0x1cf: {  	_ =	swait.ge [sflag:s31], $0x1800  }
0x1d0: {  	s5 =	simm.s32 $0x0;
	[sflag:s31] =	ssyncset.done $0x0  }
0x1d1: {  	s9 =	sand.u32 $0x7F0, s5;
	[sflag:s31] =	ssyncadd.s32 $0xFFFFE800  }
0x1d2: {  	v4 =	vld [tilespmem:s9+$0x8800];
	_ =	sdelay $0x4  }
0x1d3: {  	v4 =	vmul.u32 $0x3, v4;
	_ =	sdelay $0x5  }
0x1d4: {  	v5 =	vld.idx.msk [tilespmem:v4+s1+$0x0], $0xffff;
	_ =	sdelay $0x2  }
0x1d5: {  	v6 =	vadd.s32 s5, v0;
	_ =	sdelay $0x1  }
0x1d6: {  	v63 =	vadd.s32 $0x1, v4;
	v7 =	vtrunc.f32 v5;
	v5 =	vmul.f32 $1.562500000e-02, v5  }
0x1d7: {  	v7 =	vcvt.f32.s32 v7  }
0x1d8: {  	v5 =	vadd.f32 $-9.921875000e-01, v5  }
0x1d9: {  	[tilespmem:v6+s2+$0x0] =	vst.idx.msk $0xffff, v7  }
0x1da: {  	[tilespmem:v6+s3+$0x0] =	vst.idx.msk $0xffff, v5  }
0x1db: {  	v5 =	vld.idx.msk [tilespmem:v63+s1+$0x0], $0xffff;
	_ =	sdelay $0x2  }
0x1dc: {  	v6 =	vadd.s32 s5, v2;
	_ =	sdelay $0x1  }
0x1dd: {  	v4 =	vadd.s32 $0x2, v4;
	v7 =	vtrunc.f32 v5;
	v5 =	vmul.f32 $1.562500000e-02, v5  }
0x1de: {  	v7 =	vcvt.f32.s32 v7  }
0x1df: {  	v5 =	vadd.f32 $-9.921875000e-01, v5  }
0x1e0: {  	[tilespmem:v6+s2+$0x0] =	vst.idx.msk $0xffff, v7  }
0x1e1: {  	[tilespmem:v6+s3+$0x0] =	vst.idx.msk $0xffff, v5  }
0x1e2: {  	v5 =	vld.idx.msk [tilespmem:v4+s1+$0x0], $0xffff;
	_ =	sdelay $0x2  }
0x1e3: {  	v4 =	vadd.s32 s5, v3;
	_ =	sdelay $0x1  }
0x1e4: {  	v6 =	vtrunc.f32 v5  }
0x1e5: {  	v5 =	vmul.f32 $1.562500000e-02, v5;
	v6 =	vcvt.f32.s32 v6;
	_ =	sdelay $0x1  }
0x1e6: {  	s8 =	simm.s32 $0x20;
	s6 =	simm.s32 $0x10;
	v5 =	vadd.f32 $-9.921875000e-01, v5;
	[tilespmem:v4+s2+$0x0] =	vst.idx.msk $0xffff, v6  }
.LBB2_14:
0x1e7: {  	s9 =	sand.u32 $0x7F0, s6  }
0x1e8: {  	[tilespmem:v4+s3+$0x0] =	vst.idx.msk $0xffff, v5;
	s5 =	sadd.s32 $0x30, s5;
	s6 =	smov.u32 s8;
	s7 =	sadd.s32 $0x10, s8  }
0x1e9: {  	p0 =	sne.s32 s8, $0x7F0;
	v4 =	vld [tilespmem:s9+$0x8800];
	_ =	sdelay $0x4  }
0x1ea: {  	v4 =	vmul.u32 $0x3, v4;
	_ =	sdelay $0x5  }
0x1eb: {  	v5 =	vld.idx.msk [tilespmem:v4+s1+$0x0], $0xffff;
	_ =	sdelay $0x3  }
0x1ec: {  	v6 =	vadd.s32 s5, v0;
	_ =	sdelay $0x1  }
0x1ed: {  	v8 =	vadd.s32 $0x1, v4;
	v7 =	vtrunc.f32 v5;
	v5 =	vmul.f32 $1.562500000e-02, v5  }
0x1ee: {  	v7 =	vcvt.f32.s32 v7  }
0x1ef: {  	v5 =	vadd.f32 $-9.921875000e-01, v5  }
0x1f0: {  	[tilespmem:v6+s2+$0x0] =	vst.idx.msk $0xffff, v7  }
0x1f1: {  	[tilespmem:v6+s3+$0x0] =	vst.idx.msk $0xffff, v5  }
0x1f2: {  	v5 =	vld.idx.msk [tilespmem:v8+s1+$0x0], $0xffff;
	_ =	sdelay $0x3  }
0x1f3: {  	v6 =	vadd.s32 s5, v2;
	_ =	sdelay $0x1  }
0x1f4: {  	v4 =	vadd.s32 $0x2, v4;
	v7 =	vtrunc.f32 v5;
	v5 =	vmul.f32 $1.562500000e-02, v5  }
0x1f5: {  	v7 =	vcvt.f32.s32 v7  }
0x1f6: {  	v5 =	vadd.f32 $-9.921875000e-01, v5  }
0x1f7: {  	[tilespmem:v6+s2+$0x0] =	vst.idx.msk $0xffff, v7  }
0x1f8: {  	[tilespmem:v6+s3+$0x0] =	vst.idx.msk $0xffff, v5  }
0x1f9: {  	v5 =	vld.idx.msk [tilespmem:v4+s1+$0x0], $0xffff;
	_ =	sdelay $0x3  }
0x1fa: {  	v4 =	vadd.s32 s5, v3  }
.Ltmp6:
0x1fb: {  	(pc) =	sbr.rel @p0 .LBB2_14-.Ltmp6, $4  }
0x1fc: {  	v6 =	vtrunc.f32 v5;
	v5 =	vmul.f32 $1.562500000e-02, v5  }
0x1fd: {  	v6 =	vcvt.f32.s32 v6  }
0x1fe: {  	v5 =	vadd.f32 $-9.921875000e-01, v5  }
0x1ff: {  	s8 =	smov.u32 s7;
	[tilespmem:v4+s2+$0x0] =	vst.idx.msk $0xffff, v6  }
0x200: {  	_ =	sdelay $0x3  }
0x201: {  	s6 =	sand.u32 $0x7F0, s6;
	[tilespmem:v4+s3+$0x0] =	vst.idx.msk $0xffff, v5  }
0x202: {  	v4 =	vld [tilespmem:s6+$0x8800];
	_ =	sdelay $0x4  }
0x203: {  	v4 =	vmul.u32 $0x3, v4;
	_ =	sdelay $0x5  }
0x204: {  	v5 =	vld.idx.msk [tilespmem:v4+s1+$0x0], $0xffff;
	_ =	sdelay $0x1  }
0x205: {  	s5 =	sadd.s32 $0x30, s5  }
0x206: {  	v6 =	vadd.s32 s5, v0;
	_ =	sdelay $0x1  }
0x207: {  	v8 =	vadd.s32 $0x1, v4;
	v7 =	vtrunc.f32 v5;
	v5 =	vmul.f32 $1.562500000e-02, v5  }
0x208: {  	v7 =	vcvt.f32.s32 v7  }
0x209: {  	v5 =	vadd.f32 $-9.921875000e-01, v5  }
0x20a: {  	[tilespmem:v6+s2+$0x0] =	vst.idx.msk $0xffff, v7  }
0x20b: {  	[tilespmem:v6+s3+$0x0] =	vst.idx.msk $0xffff, v5  }
0x20c: {  	v5 =	vld.idx.msk [tilespmem:v8+s1+$0x0], $0xffff;
	_ =	sdelay $0x2  }
0x20d: {  	v6 =	vadd.s32 s5, v2;
	_ =	sdelay $0x1  }
0x20e: {  	v4 =	vadd.s32 $0x2, v4;
	v7 =	vtrunc.f32 v5;
	v5 =	vmul.f32 $1.562500000e-02, v5  }
0x20f: {  	v7 =	vcvt.f32.s32 v7  }
0x210: {  	v5 =	vadd.f32 $-9.921875000e-01, v5  }
0x211: {  	[tilespmem:v6+s2+$0x0] =	vst.idx.msk $0xffff, v7  }
0x212: {  	[tilespmem:v6+s3+$0x0] =	vst.idx.msk $0xffff, v5  }
0x213: {  	v4 =	vld.idx.msk [tilespmem:v4+s1+$0x0], $0xffff;
	_ =	sdelay $0x2  }
0x214: {  	v5 =	vadd.s32 s5, v3;
	_ =	sdelay $0x1  }
0x215: {  	v6 =	vtrunc.f32 v4;
	v4 =	vmul.f32 $1.562500000e-02, v4  }
0x216: {  	v6 =	vcvt.f32.s32 v6  }
0x217: {  	v4 =	vadd.f32 $-9.921875000e-01, v4  }
0x218: {  	[tilespmem:v5+s2+$0x0] =	vst.idx.msk $0xffff, v6  }
0x219: {  	[tilespmem:v5+s3+$0x0] =	vst.idx.msk $0xffff, v4  }
0x21a: {  	[hbm4b:s14+s24] =	stream.strided.scatter [tilespmem:s2], [sflag:$0x1], $0x1800, s0, s24, $0x38;
	[tilespmem:$0xF000] =	vst v63  }
0x21b: {  	_ =	swait.ge [sflag:s31], $0x1800  }
0x21c: {  	[sflag:s31] =	ssyncset.done $0x0  }
0x21d: {  	[sflag:s31] =	ssyncadd.s32 $0xFFFFE800  }
0x21e: {  	[hbm4b:s15+s24] =	stream.strided.scatter [tilespmem:s3], [sflag:$0x1], $0x1800, s0, s24, $0x38;
	[tilespmem:$0xF000] =	vst v63  }
0x21f: {  	_ =	swait.ge [sflag:s31], $0x1800  }
0x220: {  	s5 =	simm.s32 $0x0;
	[sflag:s31] =	ssyncset.done $0x0  }
0x221: {  	s9 =	sand.u32 $0x7F0, s5;
	[sflag:s31] =	ssyncadd.s32 $0xFFFFE800  }
0x222: {  	v4 =	vld [tilespmem:s9+$0x9000];
	_ =	sdelay $0x4  }
0x223: {  	v4 =	vmul.u32 $0x3, v4;
	_ =	sdelay $0x5  }
0x224: {  	v5 =	vld.idx.msk [tilespmem:v4+s1+$0x0], $0xffff;
	_ =	sdelay $0x2  }
0x225: {  	v6 =	vadd.s32 s5, v0;
	_ =	sdelay $0x1  }
0x226: {  	v63 =	vadd.s32 $0x1, v4;
	v7 =	vtrunc.f32 v5;
	v5 =	vmul.f32 $1.562500000e-02, v5  }
0x227: {  	v7 =	vcvt.f32.s32 v7  }
0x228: {  	v5 =	vadd.f32 $-9.921875000e-01, v5  }
0x229: {  	[tilespmem:v6+s2+$0x0] =	vst.idx.msk $0xffff, v7  }
0x22a: {  	[tilespmem:v6+s3+$0x0] =	vst.idx.msk $0xffff, v5  }
0x22b: {  	v5 =	vld.idx.msk [tilespmem:v63+s1+$0x0], $0xffff;
	_ =	sdelay $0x2  }
0x22c: {  	v6 =	vadd.s32 s5, v2;
	_ =	sdelay $0x1  }
0x22d: {  	v4 =	vadd.s32 $0x2, v4;
	v7 =	vtrunc.f32 v5;
	v5 =	vmul.f32 $1.562500000e-02, v5  }
0x22e: {  	v7 =	vcvt.f32.s32 v7  }
0x22f: {  	v5 =	vadd.f32 $-9.921875000e-01, v5  }
0x230: {  	[tilespmem:v6+s2+$0x0] =	vst.idx.msk $0xffff, v7  }
0x231: {  	[tilespmem:v6+s3+$0x0] =	vst.idx.msk $0xffff, v5  }
0x232: {  	v5 =	vld.idx.msk [tilespmem:v4+s1+$0x0], $0xffff;
	_ =	sdelay $0x2  }
0x233: {  	v4 =	vadd.s32 s5, v3;
	_ =	sdelay $0x1  }
0x234: {  	v6 =	vtrunc.f32 v5  }
0x235: {  	v5 =	vmul.f32 $1.562500000e-02, v5;
	v6 =	vcvt.f32.s32 v6;
	_ =	sdelay $0x1  }
0x236: {  	s8 =	simm.s32 $0x20;
	s6 =	simm.s32 $0x10;
	v5 =	vadd.f32 $-9.921875000e-01, v5;
	[tilespmem:v4+s2+$0x0] =	vst.idx.msk $0xffff, v6  }
.LBB2_16:
0x237: {  	s9 =	sand.u32 $0x7F0, s6  }
0x238: {  	[tilespmem:v4+s3+$0x0] =	vst.idx.msk $0xffff, v5;
	s5 =	sadd.s32 $0x30, s5;
	s6 =	smov.u32 s8;
	s7 =	sadd.s32 $0x10, s8  }
0x239: {  	p0 =	sne.s32 s8, $0x7F0;
	v4 =	vld [tilespmem:s9+$0x9000];
	_ =	sdelay $0x4  }
0x23a: {  	v4 =	vmul.u32 $0x3, v4;
	_ =	sdelay $0x5  }
0x23b: {  	v5 =	vld.idx.msk [tilespmem:v4+s1+$0x0], $0xffff;
	_ =	sdelay $0x3  }
0x23c: {  	v6 =	vadd.s32 s5, v0;
	_ =	sdelay $0x1  }
0x23d: {  	v8 =	vadd.s32 $0x1, v4;
	v7 =	vtrunc.f32 v5;
	v5 =	vmul.f32 $1.562500000e-02, v5  }
0x23e: {  	v7 =	vcvt.f32.s32 v7  }
0x23f: {  	v5 =	vadd.f32 $-9.921875000e-01, v5  }
0x240: {  	[tilespmem:v6+s2+$0x0] =	vst.idx.msk $0xffff, v7  }
0x241: {  	[tilespmem:v6+s3+$0x0] =	vst.idx.msk $0xffff, v5  }
0x242: {  	v5 =	vld.idx.msk [tilespmem:v8+s1+$0x0], $0xffff;
	_ =	sdelay $0x3  }
0x243: {  	v6 =	vadd.s32 s5, v2;
	_ =	sdelay $0x1  }
0x244: {  	v4 =	vadd.s32 $0x2, v4;
	v7 =	vtrunc.f32 v5;
	v5 =	vmul.f32 $1.562500000e-02, v5  }
0x245: {  	v7 =	vcvt.f32.s32 v7  }
0x246: {  	v5 =	vadd.f32 $-9.921875000e-01, v5  }
0x247: {  	[tilespmem:v6+s2+$0x0] =	vst.idx.msk $0xffff, v7  }
0x248: {  	[tilespmem:v6+s3+$0x0] =	vst.idx.msk $0xffff, v5  }
0x249: {  	v5 =	vld.idx.msk [tilespmem:v4+s1+$0x0], $0xffff;
	_ =	sdelay $0x3  }
0x24a: {  	v4 =	vadd.s32 s5, v3  }
.Ltmp7:
0x24b: {  	(pc) =	sbr.rel @p0 .LBB2_16-.Ltmp7, $4  }
0x24c: {  	v6 =	vtrunc.f32 v5;
	v5 =	vmul.f32 $1.562500000e-02, v5  }
0x24d: {  	v6 =	vcvt.f32.s32 v6  }
0x24e: {  	v5 =	vadd.f32 $-9.921875000e-01, v5  }
0x24f: {  	s8 =	smov.u32 s7;
	[tilespmem:v4+s2+$0x0] =	vst.idx.msk $0xffff, v6  }
0x250: {  	_ =	sdelay $0x3  }
0x251: {  	s6 =	sand.u32 $0x7F0, s6;
	[tilespmem:v4+s3+$0x0] =	vst.idx.msk $0xffff, v5  }
0x252: {  	v4 =	vld [tilespmem:s6+$0x9000];
	_ =	sdelay $0x4  }
0x253: {  	v4 =	vmul.u32 $0x3, v4;
	_ =	sdelay $0x5  }
0x254: {  	v5 =	vld.idx.msk [tilespmem:v4+s1+$0x0], $0xffff;
	_ =	sdelay $0x1  }
0x255: {  	s5 =	sadd.s32 $0x30, s5  }
0x256: {  	v6 =	vadd.s32 s5, v0;
	_ =	sdelay $0x1  }
0x257: {  	v8 =	vadd.s32 $0x1, v4;
	v7 =	vtrunc.f32 v5;
	v5 =	vmul.f32 $1.562500000e-02, v5  }
0x258: {  	v7 =	vcvt.f32.s32 v7  }
0x259: {  	v5 =	vadd.f32 $-9.921875000e-01, v5  }
0x25a: {  	[tilespmem:v6+s2+$0x0] =	vst.idx.msk $0xffff, v7  }
0x25b: {  	[tilespmem:v6+s3+$0x0] =	vst.idx.msk $0xffff, v5  }
0x25c: {  	v5 =	vld.idx.msk [tilespmem:v8+s1+$0x0], $0xffff;
	_ =	sdelay $0x2  }
0x25d: {  	v6 =	vadd.s32 s5, v2;
	_ =	sdelay $0x1  }
0x25e: {  	v4 =	vadd.s32 $0x2, v4;
	v7 =	vtrunc.f32 v5;
	v5 =	vmul.f32 $1.562500000e-02, v5  }
0x25f: {  	v7 =	vcvt.f32.s32 v7  }
0x260: {  	v5 =	vadd.f32 $-9.921875000e-01, v5  }
0x261: {  	[tilespmem:v6+s2+$0x0] =	vst.idx.msk $0xffff, v7  }
0x262: {  	[tilespmem:v6+s3+$0x0] =	vst.idx.msk $0xffff, v5  }
0x263: {  	v4 =	vld.idx.msk [tilespmem:v4+s1+$0x0], $0xffff;
	_ =	sdelay $0x2  }
0x264: {  	v5 =	vadd.s32 s5, v3;
	_ =	sdelay $0x1  }
0x265: {  	v6 =	vtrunc.f32 v4;
	v4 =	vmul.f32 $1.562500000e-02, v4  }
0x266: {  	v6 =	vcvt.f32.s32 v6  }
0x267: {  	v4 =	vadd.f32 $-9.921875000e-01, v4  }
0x268: {  	[tilespmem:v5+s2+$0x0] =	vst.idx.msk $0xffff, v6  }
0x269: {  	[tilespmem:v5+s3+$0x0] =	vst.idx.msk $0xffff, v4  }
0x26a: {  	[hbm4b:s16+s24] =	stream.strided.scatter [tilespmem:s2], [sflag:$0x1], $0x1800, s0, s24, $0x38;
	[tilespmem:$0xF000] =	vst v63  }
0x26b: {  	_ =	swait.ge [sflag:s31], $0x1800  }
0x26c: {  	[sflag:s31] =	ssyncset.done $0x0  }
0x26d: {  	[sflag:s31] =	ssyncadd.s32 $0xFFFFE800  }
0x26e: {  	[hbm4b:s17+s24] =	stream.strided.scatter [tilespmem:s3], [sflag:$0x1], $0x1800, s0, s24, $0x38;
	[tilespmem:$0xF000] =	vst v63  }
0x26f: {  	_ =	swait.ge [sflag:s31], $0x1800  }
0x270: {  	s5 =	simm.s32 $0x0;
	[sflag:s31] =	ssyncset.done $0x0  }
0x271: {  	s9 =	sand.u32 $0x7F0, s5;
	[sflag:s31] =	ssyncadd.s32 $0xFFFFE800  }
0x272: {  	v4 =	vld [tilespmem:s9+$0x9800];
	_ =	sdelay $0x4  }
0x273: {  	v4 =	vmul.u32 $0x3, v4;
	_ =	sdelay $0x5  }
0x274: {  	v5 =	vld.idx.msk [tilespmem:v4+s1+$0x0], $0xffff;
	_ =	sdelay $0x2  }
0x275: {  	v6 =	vadd.s32 s5, v0;
	_ =	sdelay $0x1  }
0x276: {  	v63 =	vadd.s32 $0x1, v4;
	v7 =	vtrunc.f32 v5;
	v5 =	vmul.f32 $1.562500000e-02, v5  }
0x277: {  	v7 =	vcvt.f32.s32 v7  }
0x278: {  	v5 =	vadd.f32 $-9.921875000e-01, v5  }
0x279: {  	[tilespmem:v6+s2+$0x0] =	vst.idx.msk $0xffff, v7  }
0x27a: {  	[tilespmem:v6+s3+$0x0] =	vst.idx.msk $0xffff, v5  }
0x27b: {  	v5 =	vld.idx.msk [tilespmem:v63+s1+$0x0], $0xffff;
	_ =	sdelay $0x2  }
0x27c: {  	v6 =	vadd.s32 s5, v2;
	_ =	sdelay $0x1  }
0x27d: {  	v4 =	vadd.s32 $0x2, v4;
	v7 =	vtrunc.f32 v5;
	v5 =	vmul.f32 $1.562500000e-02, v5  }
0x27e: {  	v7 =	vcvt.f32.s32 v7  }
0x27f: {  	v5 =	vadd.f32 $-9.921875000e-01, v5  }
0x280: {  	[tilespmem:v6+s2+$0x0] =	vst.idx.msk $0xffff, v7  }
0x281: {  	[tilespmem:v6+s3+$0x0] =	vst.idx.msk $0xffff, v5  }
0x282: {  	v5 =	vld.idx.msk [tilespmem:v4+s1+$0x0], $0xffff;
	_ =	sdelay $0x2  }
0x283: {  	v4 =	vadd.s32 s5, v3;
	_ =	sdelay $0x1  }
0x284: {  	v6 =	vtrunc.f32 v5  }
0x285: {  	v5 =	vmul.f32 $1.562500000e-02, v5;
	v6 =	vcvt.f32.s32 v6;
	_ =	sdelay $0x1  }
0x286: {  	s8 =	simm.s32 $0x20;
	s6 =	simm.s32 $0x10;
	v5 =	vadd.f32 $-9.921875000e-01, v5;
	[tilespmem:v4+s2+$0x0] =	vst.idx.msk $0xffff, v6  }
.LBB2_18:
0x287: {  	s9 =	sand.u32 $0x7F0, s6  }
0x288: {  	[tilespmem:v4+s3+$0x0] =	vst.idx.msk $0xffff, v5;
	s5 =	sadd.s32 $0x30, s5;
	s6 =	smov.u32 s8;
	s7 =	sadd.s32 $0x10, s8  }
0x289: {  	p0 =	sne.s32 s8, $0x7F0;
	v4 =	vld [tilespmem:s9+$0x9800];
	_ =	sdelay $0x4  }
0x28a: {  	v4 =	vmul.u32 $0x3, v4;
	_ =	sdelay $0x5  }
0x28b: {  	v5 =	vld.idx.msk [tilespmem:v4+s1+$0x0], $0xffff;
	_ =	sdelay $0x3  }
0x28c: {  	v6 =	vadd.s32 s5, v0;
	_ =	sdelay $0x1  }
0x28d: {  	v8 =	vadd.s32 $0x1, v4;
	v7 =	vtrunc.f32 v5;
	v5 =	vmul.f32 $1.562500000e-02, v5  }
0x28e: {  	v7 =	vcvt.f32.s32 v7  }
0x28f: {  	v5 =	vadd.f32 $-9.921875000e-01, v5  }
0x290: {  	[tilespmem:v6+s2+$0x0] =	vst.idx.msk $0xffff, v7  }
0x291: {  	[tilespmem:v6+s3+$0x0] =	vst.idx.msk $0xffff, v5  }
0x292: {  	v5 =	vld.idx.msk [tilespmem:v8+s1+$0x0], $0xffff;
	_ =	sdelay $0x3  }
0x293: {  	v6 =	vadd.s32 s5, v2;
	_ =	sdelay $0x1  }
0x294: {  	v4 =	vadd.s32 $0x2, v4;
	v7 =	vtrunc.f32 v5;
	v5 =	vmul.f32 $1.562500000e-02, v5  }
0x295: {  	v7 =	vcvt.f32.s32 v7  }
0x296: {  	v5 =	vadd.f32 $-9.921875000e-01, v5  }
0x297: {  	[tilespmem:v6+s2+$0x0] =	vst.idx.msk $0xffff, v7  }
0x298: {  	[tilespmem:v6+s3+$0x0] =	vst.idx.msk $0xffff, v5  }
0x299: {  	v5 =	vld.idx.msk [tilespmem:v4+s1+$0x0], $0xffff;
	_ =	sdelay $0x3  }
0x29a: {  	v4 =	vadd.s32 s5, v3  }
.Ltmp8:
0x29b: {  	(pc) =	sbr.rel @p0 .LBB2_18-.Ltmp8, $4  }
0x29c: {  	v6 =	vtrunc.f32 v5;
	v5 =	vmul.f32 $1.562500000e-02, v5  }
0x29d: {  	v6 =	vcvt.f32.s32 v6  }
0x29e: {  	v5 =	vadd.f32 $-9.921875000e-01, v5  }
0x29f: {  	s8 =	smov.u32 s7;
	[tilespmem:v4+s2+$0x0] =	vst.idx.msk $0xffff, v6  }
0x2a0: {  	_ =	sdelay $0x3  }
0x2a1: {  	s6 =	sand.u32 $0x7F0, s6;
	[tilespmem:v4+s3+$0x0] =	vst.idx.msk $0xffff, v5  }
0x2a2: {  	v4 =	vld [tilespmem:s6+$0x9800];
	_ =	sdelay $0x4  }
0x2a3: {  	v4 =	vmul.u32 $0x3, v4;
	_ =	sdelay $0x5  }
0x2a4: {  	v5 =	vld.idx.msk [tilespmem:v4+s1+$0x0], $0xffff;
	_ =	sdelay $0x1  }
0x2a5: {  	s5 =	sadd.s32 $0x30, s5  }
0x2a6: {  	v6 =	vadd.s32 s5, v0;
	_ =	sdelay $0x1  }
0x2a7: {  	v8 =	vadd.s32 $0x1, v4;
	v7 =	vtrunc.f32 v5;
	v5 =	vmul.f32 $1.562500000e-02, v5  }
0x2a8: {  	v7 =	vcvt.f32.s32 v7  }
0x2a9: {  	v5 =	vadd.f32 $-9.921875000e-01, v5  }
0x2aa: {  	[tilespmem:v6+s2+$0x0] =	vst.idx.msk $0xffff, v7  }
0x2ab: {  	[tilespmem:v6+s3+$0x0] =	vst.idx.msk $0xffff, v5  }
0x2ac: {  	v5 =	vld.idx.msk [tilespmem:v8+s1+$0x0], $0xffff;
	_ =	sdelay $0x2  }
0x2ad: {  	v6 =	vadd.s32 s5, v2;
	_ =	sdelay $0x1  }
0x2ae: {  	v4 =	vadd.s32 $0x2, v4;
	v7 =	vtrunc.f32 v5;
	v5 =	vmul.f32 $1.562500000e-02, v5  }
0x2af: {  	v7 =	vcvt.f32.s32 v7  }
0x2b0: {  	v5 =	vadd.f32 $-9.921875000e-01, v5  }
0x2b1: {  	[tilespmem:v6+s2+$0x0] =	vst.idx.msk $0xffff, v7  }
0x2b2: {  	[tilespmem:v6+s3+$0x0] =	vst.idx.msk $0xffff, v5  }
0x2b3: {  	v4 =	vld.idx.msk [tilespmem:v4+s1+$0x0], $0xffff;
	_ =	sdelay $0x2  }
0x2b4: {  	v5 =	vadd.s32 s5, v3;
	_ =	sdelay $0x1  }
0x2b5: {  	v6 =	vtrunc.f32 v4;
	v4 =	vmul.f32 $1.562500000e-02, v4  }
0x2b6: {  	v6 =	vcvt.f32.s32 v6  }
0x2b7: {  	v4 =	vadd.f32 $-9.921875000e-01, v4  }
0x2b8: {  	[tilespmem:v5+s2+$0x0] =	vst.idx.msk $0xffff, v6  }
0x2b9: {  	[tilespmem:v5+s3+$0x0] =	vst.idx.msk $0xffff, v4  }
0x2ba: {  	[hbm4b:s18+s24] =	stream.strided.scatter [tilespmem:s2], [sflag:$0x1], $0x1800, s0, s24, $0x38;
	[tilespmem:$0xF000] =	vst v63  }
0x2bb: {  	_ =	swait.ge [sflag:s31], $0x1800  }
0x2bc: {  	[sflag:s31] =	ssyncset.done $0x0  }
0x2bd: {  	[sflag:s31] =	ssyncadd.s32 $0xFFFFE800  }
0x2be: {  	[hbm4b:s19+s24] =	stream.strided.scatter [tilespmem:s3], [sflag:$0x1], $0x1800, s0, s24, $0x38;
	[tilespmem:$0xF000] =	vst v63  }
0x2bf: {  	_ =	swait.ge [sflag:s31], $0x1800  }
0x2c0: {  	s5 =	simm.s32 $0x0;
	[sflag:s31] =	ssyncset.done $0x0  }
0x2c1: {  	s9 =	sand.u32 $0x7F0, s5;
	[sflag:s31] =	ssyncadd.s32 $0xFFFFE800  }
0x2c2: {  	v4 =	vld [tilespmem:s9+$0xA000];
	_ =	sdelay $0x4  }
0x2c3: {  	v4 =	vmul.u32 $0x3, v4;
	_ =	sdelay $0x5  }
0x2c4: {  	v5 =	vld.idx.msk [tilespmem:v4+s1+$0x0], $0xffff;
	_ =	sdelay $0x2  }
0x2c5: {  	v6 =	vadd.s32 s5, v0;
	_ =	sdelay $0x1  }
0x2c6: {  	v63 =	vadd.s32 $0x1, v4;
	v7 =	vtrunc.f32 v5;
	v5 =	vmul.f32 $1.562500000e-02, v5  }
0x2c7: {  	v7 =	vcvt.f32.s32 v7  }
0x2c8: {  	v5 =	vadd.f32 $-9.921875000e-01, v5  }
0x2c9: {  	[tilespmem:v6+s2+$0x0] =	vst.idx.msk $0xffff, v7  }
0x2ca: {  	[tilespmem:v6+s3+$0x0] =	vst.idx.msk $0xffff, v5  }
0x2cb: {  	v5 =	vld.idx.msk [tilespmem:v63+s1+$0x0], $0xffff;
	_ =	sdelay $0x2  }
0x2cc: {  	v6 =	vadd.s32 s5, v2;
	_ =	sdelay $0x1  }
0x2cd: {  	v4 =	vadd.s32 $0x2, v4;
	v7 =	vtrunc.f32 v5;
	v5 =	vmul.f32 $1.562500000e-02, v5  }
0x2ce: {  	v7 =	vcvt.f32.s32 v7  }
0x2cf: {  	v5 =	vadd.f32 $-9.921875000e-01, v5  }
0x2d0: {  	[tilespmem:v6+s2+$0x0] =	vst.idx.msk $0xffff, v7  }
0x2d1: {  	[tilespmem:v6+s3+$0x0] =	vst.idx.msk $0xffff, v5  }
0x2d2: {  	v5 =	vld.idx.msk [tilespmem:v4+s1+$0x0], $0xffff;
	_ =	sdelay $0x2  }
0x2d3: {  	v4 =	vadd.s32 s5, v3;
	_ =	sdelay $0x1  }
0x2d4: {  	v6 =	vtrunc.f32 v5  }
0x2d5: {  	v5 =	vmul.f32 $1.562500000e-02, v5;
	v6 =	vcvt.f32.s32 v6;
	_ =	sdelay $0x1  }
0x2d6: {  	s8 =	simm.s32 $0x20;
	s6 =	simm.s32 $0x10;
	v5 =	vadd.f32 $-9.921875000e-01, v5;
	[tilespmem:v4+s2+$0x0] =	vst.idx.msk $0xffff, v6  }
.LBB2_20:
0x2d7: {  	s9 =	sand.u32 $0x7F0, s6  }
0x2d8: {  	[tilespmem:v4+s3+$0x0] =	vst.idx.msk $0xffff, v5;
	s5 =	sadd.s32 $0x30, s5;
	s6 =	smov.u32 s8;
	s7 =	sadd.s32 $0x10, s8  }
0x2d9: {  	p0 =	sne.s32 s8, $0x7F0;
	v4 =	vld [tilespmem:s9+$0xA000];
	_ =	sdelay $0x4  }
0x2da: {  	v4 =	vmul.u32 $0x3, v4;
	_ =	sdelay $0x5  }
0x2db: {  	v5 =	vld.idx.msk [tilespmem:v4+s1+$0x0], $0xffff;
	_ =	sdelay $0x3  }
0x2dc: {  	v6 =	vadd.s32 s5, v0;
	_ =	sdelay $0x1  }
0x2dd: {  	v8 =	vadd.s32 $0x1, v4;
	v7 =	vtrunc.f32 v5;
	v5 =	vmul.f32 $1.562500000e-02, v5  }
0x2de: {  	v7 =	vcvt.f32.s32 v7  }
0x2df: {  	v5 =	vadd.f32 $-9.921875000e-01, v5  }
0x2e0: {  	[tilespmem:v6+s2+$0x0] =	vst.idx.msk $0xffff, v7  }
0x2e1: {  	[tilespmem:v6+s3+$0x0] =	vst.idx.msk $0xffff, v5  }
0x2e2: {  	v5 =	vld.idx.msk [tilespmem:v8+s1+$0x0], $0xffff;
	_ =	sdelay $0x3  }
0x2e3: {  	v6 =	vadd.s32 s5, v2;
	_ =	sdelay $0x1  }
0x2e4: {  	v4 =	vadd.s32 $0x2, v4;
	v7 =	vtrunc.f32 v5;
	v5 =	vmul.f32 $1.562500000e-02, v5  }
0x2e5: {  	v7 =	vcvt.f32.s32 v7  }
0x2e6: {  	v5 =	vadd.f32 $-9.921875000e-01, v5  }
0x2e7: {  	[tilespmem:v6+s2+$0x0] =	vst.idx.msk $0xffff, v7  }
0x2e8: {  	[tilespmem:v6+s3+$0x0] =	vst.idx.msk $0xffff, v5  }
0x2e9: {  	v5 =	vld.idx.msk [tilespmem:v4+s1+$0x0], $0xffff;
	_ =	sdelay $0x3  }
0x2ea: {  	v4 =	vadd.s32 s5, v3  }
.Ltmp9:
0x2eb: {  	(pc) =	sbr.rel @p0 .LBB2_20-.Ltmp9, $4  }
0x2ec: {  	v6 =	vtrunc.f32 v5;
	v5 =	vmul.f32 $1.562500000e-02, v5  }
0x2ed: {  	v6 =	vcvt.f32.s32 v6  }
0x2ee: {  	v5 =	vadd.f32 $-9.921875000e-01, v5  }
0x2ef: {  	s8 =	smov.u32 s7;
	[tilespmem:v4+s2+$0x0] =	vst.idx.msk $0xffff, v6  }
0x2f0: {  	_ =	sdelay $0x3  }
0x2f1: {  	s6 =	sand.u32 $0x7F0, s6;
	[tilespmem:v4+s3+$0x0] =	vst.idx.msk $0xffff, v5  }
0x2f2: {  	v4 =	vld [tilespmem:s6+$0xA000];
	_ =	sdelay $0x4  }
0x2f3: {  	v4 =	vmul.u32 $0x3, v4;
	_ =	sdelay $0x5  }
0x2f4: {  	v5 =	vld.idx.msk [tilespmem:v4+s1+$0x0], $0xffff;
	_ =	sdelay $0x1  }
0x2f5: {  	s5 =	sadd.s32 $0x30, s5  }
0x2f6: {  	v6 =	vadd.s32 s5, v0;
	_ =	sdelay $0x1  }
0x2f7: {  	v8 =	vadd.s32 $0x1, v4;
	v7 =	vtrunc.f32 v5;
	v5 =	vmul.f32 $1.562500000e-02, v5  }
0x2f8: {  	v7 =	vcvt.f32.s32 v7  }
0x2f9: {  	v5 =	vadd.f32 $-9.921875000e-01, v5  }
0x2fa: {  	[tilespmem:v6+s2+$0x0] =	vst.idx.msk $0xffff, v7  }
0x2fb: {  	[tilespmem:v6+s3+$0x0] =	vst.idx.msk $0xffff, v5  }
0x2fc: {  	v5 =	vld.idx.msk [tilespmem:v8+s1+$0x0], $0xffff;
	_ =	sdelay $0x2  }
0x2fd: {  	v6 =	vadd.s32 s5, v2;
	_ =	sdelay $0x1  }
0x2fe: {  	v4 =	vadd.s32 $0x2, v4;
	v7 =	vtrunc.f32 v5;
	v5 =	vmul.f32 $1.562500000e-02, v5  }
0x2ff: {  	v7 =	vcvt.f32.s32 v7  }
0x300: {  	v5 =	vadd.f32 $-9.921875000e-01, v5  }
0x301: {  	[tilespmem:v6+s2+$0x0] =	vst.idx.msk $0xffff, v7  }
0x302: {  	[tilespmem:v6+s3+$0x0] =	vst.idx.msk $0xffff, v5  }
0x303: {  	v4 =	vld.idx.msk [tilespmem:v4+s1+$0x0], $0xffff;
	_ =	sdelay $0x2  }
0x304: {  	v5 =	vadd.s32 s5, v3;
	_ =	sdelay $0x1  }
0x305: {  	v6 =	vtrunc.f32 v4;
	v4 =	vmul.f32 $1.562500000e-02, v4  }
0x306: {  	v6 =	vcvt.f32.s32 v6  }
0x307: {  	v4 =	vadd.f32 $-9.921875000e-01, v4  }
0x308: {  	[tilespmem:v5+s2+$0x0] =	vst.idx.msk $0xffff, v6  }
0x309: {  	[tilespmem:v5+s3+$0x0] =	vst.idx.msk $0xffff, v4  }
0x30a: {  	[hbm4b:s20+s24] =	stream.strided.scatter [tilespmem:s2], [sflag:$0x1], $0x1800, s0, s24, $0x38;
	[tilespmem:$0xF000] =	vst v63  }
0x30b: {  	_ =	swait.ge [sflag:s31], $0x1800  }
0x30c: {  	[sflag:s31] =	ssyncset.done $0x0  }
0x30d: {  	[sflag:s31] =	ssyncadd.s32 $0xFFFFE800  }
0x30e: {  	[hbm4b:s21+s24] =	stream.strided.scatter [tilespmem:s3], [sflag:$0x1], $0x1800, s0, s24, $0x38;
	[tilespmem:$0xF000] =	vst v63  }
0x30f: {  	_ =	swait.ge [sflag:s31], $0x1800  }
0x310: {  	s5 =	simm.s32 $0x0;
	[sflag:s31] =	ssyncset.done $0x0  }
0x311: {  	s9 =	sand.u32 $0x7F0, s5;
	[sflag:s31] =	ssyncadd.s32 $0xFFFFE800  }
0x312: {  	v4 =	vld [tilespmem:s9+$0xA800];
	_ =	sdelay $0x4  }
0x313: {  	v4 =	vmul.u32 $0x3, v4;
	_ =	sdelay $0x5  }
0x314: {  	v5 =	vld.idx.msk [tilespmem:v4+s1+$0x0], $0xffff;
	_ =	sdelay $0x2  }
0x315: {  	v6 =	vadd.s32 s5, v0;
	_ =	sdelay $0x1  }
0x316: {  	v63 =	vadd.s32 $0x1, v4;
	v7 =	vtrunc.f32 v5;
	v5 =	vmul.f32 $1.562500000e-02, v5  }
0x317: {  	v7 =	vcvt.f32.s32 v7  }
0x318: {  	v5 =	vadd.f32 $-9.921875000e-01, v5  }
0x319: {  	[tilespmem:v6+s2+$0x0] =	vst.idx.msk $0xffff, v7  }
0x31a: {  	[tilespmem:v6+s3+$0x0] =	vst.idx.msk $0xffff, v5  }
0x31b: {  	v5 =	vld.idx.msk [tilespmem:v63+s1+$0x0], $0xffff;
	_ =	sdelay $0x2  }
0x31c: {  	v6 =	vadd.s32 s5, v2;
	_ =	sdelay $0x1  }
0x31d: {  	v4 =	vadd.s32 $0x2, v4;
	v7 =	vtrunc.f32 v5;
	v5 =	vmul.f32 $1.562500000e-02, v5  }
0x31e: {  	v7 =	vcvt.f32.s32 v7  }
0x31f: {  	v5 =	vadd.f32 $-9.921875000e-01, v5  }
0x320: {  	[tilespmem:v6+s2+$0x0] =	vst.idx.msk $0xffff, v7  }
0x321: {  	[tilespmem:v6+s3+$0x0] =	vst.idx.msk $0xffff, v5  }
0x322: {  	v5 =	vld.idx.msk [tilespmem:v4+s1+$0x0], $0xffff;
	_ =	sdelay $0x2  }
0x323: {  	v4 =	vadd.s32 s5, v3;
	_ =	sdelay $0x1  }
0x324: {  	v6 =	vtrunc.f32 v5  }
0x325: {  	v5 =	vmul.f32 $1.562500000e-02, v5;
	v6 =	vcvt.f32.s32 v6;
	_ =	sdelay $0x1  }
0x326: {  	s8 =	simm.s32 $0x20;
	s6 =	simm.s32 $0x10;
	v5 =	vadd.f32 $-9.921875000e-01, v5;
	[tilespmem:v4+s2+$0x0] =	vst.idx.msk $0xffff, v6  }
.LBB2_22:
0x327: {  	s9 =	sand.u32 $0x7F0, s6  }
0x328: {  	[tilespmem:v4+s3+$0x0] =	vst.idx.msk $0xffff, v5;
	s5 =	sadd.s32 $0x30, s5;
	s6 =	smov.u32 s8;
	s7 =	sadd.s32 $0x10, s8  }
0x329: {  	p0 =	sne.s32 s8, $0x7F0;
	v4 =	vld [tilespmem:s9+$0xA800];
	_ =	sdelay $0x4  }
0x32a: {  	v4 =	vmul.u32 $0x3, v4;
	_ =	sdelay $0x5  }
0x32b: {  	v5 =	vld.idx.msk [tilespmem:v4+s1+$0x0], $0xffff;
	_ =	sdelay $0x3  }
0x32c: {  	v6 =	vadd.s32 s5, v0;
	_ =	sdelay $0x1  }
0x32d: {  	v8 =	vadd.s32 $0x1, v4;
	v7 =	vtrunc.f32 v5;
	v5 =	vmul.f32 $1.562500000e-02, v5  }
0x32e: {  	v7 =	vcvt.f32.s32 v7  }
0x32f: {  	v5 =	vadd.f32 $-9.921875000e-01, v5  }
0x330: {  	[tilespmem:v6+s2+$0x0] =	vst.idx.msk $0xffff, v7  }
0x331: {  	[tilespmem:v6+s3+$0x0] =	vst.idx.msk $0xffff, v5  }
0x332: {  	v5 =	vld.idx.msk [tilespmem:v8+s1+$0x0], $0xffff;
	_ =	sdelay $0x3  }
0x333: {  	v6 =	vadd.s32 s5, v2;
	_ =	sdelay $0x1  }
0x334: {  	v4 =	vadd.s32 $0x2, v4;
	v7 =	vtrunc.f32 v5;
	v5 =	vmul.f32 $1.562500000e-02, v5  }
0x335: {  	v7 =	vcvt.f32.s32 v7  }
0x336: {  	v5 =	vadd.f32 $-9.921875000e-01, v5  }
0x337: {  	[tilespmem:v6+s2+$0x0] =	vst.idx.msk $0xffff, v7  }
0x338: {  	[tilespmem:v6+s3+$0x0] =	vst.idx.msk $0xffff, v5  }
0x339: {  	v5 =	vld.idx.msk [tilespmem:v4+s1+$0x0], $0xffff;
	_ =	sdelay $0x3  }
0x33a: {  	v4 =	vadd.s32 s5, v3  }
.Ltmp10:
0x33b: {  	(pc) =	sbr.rel @p0 .LBB2_22-.Ltmp10, $4  }
0x33c: {  	v6 =	vtrunc.f32 v5;
	v5 =	vmul.f32 $1.562500000e-02, v5  }
0x33d: {  	v6 =	vcvt.f32.s32 v6  }
0x33e: {  	v5 =	vadd.f32 $-9.921875000e-01, v5  }
0x33f: {  	s8 =	smov.u32 s7;
	[tilespmem:v4+s2+$0x0] =	vst.idx.msk $0xffff, v6  }
0x340: {  	_ =	sdelay $0x3  }
0x341: {  	s6 =	sand.u32 $0x7F0, s6;
	[tilespmem:v4+s3+$0x0] =	vst.idx.msk $0xffff, v5  }
0x342: {  	v4 =	vld [tilespmem:s6+$0xA800];
	_ =	sdelay $0x4  }
0x343: {  	v4 =	vmul.u32 $0x3, v4;
	_ =	sdelay $0x5  }
0x344: {  	v5 =	vld.idx.msk [tilespmem:v4+s1+$0x0], $0xffff;
	_ =	sdelay $0x1  }
0x345: {  	s5 =	sadd.s32 $0x30, s5  }
0x346: {  	v6 =	vadd.s32 s5, v0;
	_ =	sdelay $0x1  }
0x347: {  	v8 =	vadd.s32 $0x1, v4;
	v7 =	vtrunc.f32 v5;
	v5 =	vmul.f32 $1.562500000e-02, v5  }
0x348: {  	v7 =	vcvt.f32.s32 v7  }
0x349: {  	v5 =	vadd.f32 $-9.921875000e-01, v5  }
0x34a: {  	[tilespmem:v6+s2+$0x0] =	vst.idx.msk $0xffff, v7  }
0x34b: {  	[tilespmem:v6+s3+$0x0] =	vst.idx.msk $0xffff, v5  }
0x34c: {  	v5 =	vld.idx.msk [tilespmem:v8+s1+$0x0], $0xffff;
	_ =	sdelay $0x2  }
0x34d: {  	v6 =	vadd.s32 s5, v2;
	_ =	sdelay $0x1  }
0x34e: {  	v4 =	vadd.s32 $0x2, v4;
	v7 =	vtrunc.f32 v5;
	v5 =	vmul.f32 $1.562500000e-02, v5  }
0x34f: {  	v7 =	vcvt.f32.s32 v7  }
0x350: {  	v5 =	vadd.f32 $-9.921875000e-01, v5  }
0x351: {  	[tilespmem:v6+s2+$0x0] =	vst.idx.msk $0xffff, v7  }
0x352: {  	[tilespmem:v6+s3+$0x0] =	vst.idx.msk $0xffff, v5  }
0x353: {  	v4 =	vld.idx.msk [tilespmem:v4+s1+$0x0], $0xffff;
	_ =	sdelay $0x2  }
0x354: {  	v5 =	vadd.s32 s5, v3;
	_ =	sdelay $0x1  }
0x355: {  	v6 =	vtrunc.f32 v4;
	v4 =	vmul.f32 $1.562500000e-02, v4  }
0x356: {  	v6 =	vcvt.f32.s32 v6  }
0x357: {  	v4 =	vadd.f32 $-9.921875000e-01, v4  }
0x358: {  	[tilespmem:v5+s2+$0x0] =	vst.idx.msk $0xffff, v6  }
0x359: {  	[tilespmem:v5+s3+$0x0] =	vst.idx.msk $0xffff, v4  }
0x35a: {  	[hbm4b:s22+s24] =	stream.strided.scatter [tilespmem:s2], [sflag:$0x1], $0x1800, s0, s24, $0x38;
	[tilespmem:$0xF000] =	vst v63  }
0x35b: {  	_ =	swait.ge [sflag:s31], $0x1800  }
0x35c: {  	[sflag:s31] =	ssyncset.done $0x0  }
0x35d: {  	[sflag:s31] =	ssyncadd.s32 $0xFFFFE800  }
0x35e: {  	[hbm4b:s23+s24] =	stream.strided.scatter [tilespmem:s3], [sflag:$0x1], $0x1800, s0, s24, $0x38;
	[tilespmem:$0xF000] =	vst v63  }
0x35f: {  	_ =	swait.ge [sflag:s31], $0x1800  }
0x360: {  	s5 =	simm.s32 $0x0;
	[sflag:s31] =	ssyncset.done $0x0  }
0x361: {  	s9 =	sand.u32 $0x7F0, s5;
	[sflag:s31] =	ssyncadd.s32 $0xFFFFE800  }
0x362: {  	v4 =	vld [tilespmem:s9+$0xB000];
	_ =	sdelay $0x4  }
0x363: {  	v4 =	vmul.u32 $0x3, v4;
	_ =	sdelay $0x5  }
0x364: {  	v5 =	vld.idx.msk [tilespmem:v4+s1+$0x0], $0xffff;
	_ =	sdelay $0x2  }
0x365: {  	v6 =	vadd.s32 s5, v0;
	_ =	sdelay $0x1  }
0x366: {  	v63 =	vadd.s32 $0x1, v4;
	v7 =	vtrunc.f32 v5;
	v5 =	vmul.f32 $1.562500000e-02, v5  }
0x367: {  	v7 =	vcvt.f32.s32 v7  }
0x368: {  	v5 =	vadd.f32 $-9.921875000e-01, v5  }
0x369: {  	[tilespmem:v6+s2+$0x0] =	vst.idx.msk $0xffff, v7  }
0x36a: {  	[tilespmem:v6+s3+$0x0] =	vst.idx.msk $0xffff, v5  }
0x36b: {  	v5 =	vld.idx.msk [tilespmem:v63+s1+$0x0], $0xffff;
	_ =	sdelay $0x2  }
0x36c: {  	v6 =	vadd.s32 s5, v2;
	_ =	sdelay $0x1  }
0x36d: {  	v4 =	vadd.s32 $0x2, v4;
	v7 =	vtrunc.f32 v5;
	v5 =	vmul.f32 $1.562500000e-02, v5  }
0x36e: {  	v7 =	vcvt.f32.s32 v7  }
0x36f: {  	v5 =	vadd.f32 $-9.921875000e-01, v5  }
0x370: {  	[tilespmem:v6+s2+$0x0] =	vst.idx.msk $0xffff, v7  }
0x371: {  	[tilespmem:v6+s3+$0x0] =	vst.idx.msk $0xffff, v5  }
0x372: {  	v5 =	vld.idx.msk [tilespmem:v4+s1+$0x0], $0xffff;
	_ =	sdelay $0x2  }
0x373: {  	v4 =	vadd.s32 s5, v3;
	_ =	sdelay $0x1  }
0x374: {  	v6 =	vtrunc.f32 v5  }
0x375: {  	v5 =	vmul.f32 $1.562500000e-02, v5;
	v6 =	vcvt.f32.s32 v6;
	_ =	sdelay $0x1  }
0x376: {  	s8 =	simm.s32 $0x20;
	s6 =	simm.s32 $0x10;
	v5 =	vadd.f32 $-9.921875000e-01, v5;
	[tilespmem:v4+s2+$0x0] =	vst.idx.msk $0xffff, v6  }
.LBB2_24:
0x377: {  	s9 =	sand.u32 $0x7F0, s6  }
0x378: {  	[tilespmem:v4+s3+$0x0] =	vst.idx.msk $0xffff, v5;
	s5 =	sadd.s32 $0x30, s5;
	s6 =	smov.u32 s8;
	s7 =	sadd.s32 $0x10, s8  }
0x379: {  	p0 =	sne.s32 s8, $0x7F0;
	v4 =	vld [tilespmem:s9+$0xB000];
	_ =	sdelay $0x4  }
0x37a: {  	v4 =	vmul.u32 $0x3, v4;
	_ =	sdelay $0x5  }
0x37b: {  	v5 =	vld.idx.msk [tilespmem:v4+s1+$0x0], $0xffff;
	_ =	sdelay $0x3  }
0x37c: {  	v6 =	vadd.s32 s5, v0;
	_ =	sdelay $0x1  }
0x37d: {  	v8 =	vadd.s32 $0x1, v4;
	v7 =	vtrunc.f32 v5;
	v5 =	vmul.f32 $1.562500000e-02, v5  }
0x37e: {  	v7 =	vcvt.f32.s32 v7  }
0x37f: {  	v5 =	vadd.f32 $-9.921875000e-01, v5  }
0x380: {  	[tilespmem:v6+s2+$0x0] =	vst.idx.msk $0xffff, v7  }
0x381: {  	[tilespmem:v6+s3+$0x0] =	vst.idx.msk $0xffff, v5  }
0x382: {  	v5 =	vld.idx.msk [tilespmem:v8+s1+$0x0], $0xffff;
	_ =	sdelay $0x3  }
0x383: {  	v6 =	vadd.s32 s5, v2;
	_ =	sdelay $0x1  }
0x384: {  	v4 =	vadd.s32 $0x2, v4;
	v7 =	vtrunc.f32 v5;
	v5 =	vmul.f32 $1.562500000e-02, v5  }
0x385: {  	v7 =	vcvt.f32.s32 v7  }
0x386: {  	v5 =	vadd.f32 $-9.921875000e-01, v5  }
0x387: {  	[tilespmem:v6+s2+$0x0] =	vst.idx.msk $0xffff, v7  }
0x388: {  	[tilespmem:v6+s3+$0x0] =	vst.idx.msk $0xffff, v5  }
0x389: {  	v5 =	vld.idx.msk [tilespmem:v4+s1+$0x0], $0xffff;
	_ =	sdelay $0x3  }
0x38a: {  	v4 =	vadd.s32 s5, v3  }
.Ltmp11:
0x38b: {  	(pc) =	sbr.rel @p0 .LBB2_24-.Ltmp11, $4  }
0x38c: {  	v6 =	vtrunc.f32 v5;
	v5 =	vmul.f32 $1.562500000e-02, v5  }
0x38d: {  	v6 =	vcvt.f32.s32 v6  }
0x38e: {  	v5 =	vadd.f32 $-9.921875000e-01, v5  }
0x38f: {  	s8 =	smov.u32 s7;
	[tilespmem:v4+s2+$0x0] =	vst.idx.msk $0xffff, v6  }
0x390: {  	_ =	sdelay $0x3  }
0x391: {  	s6 =	sand.u32 $0x7F0, s6;
	[tilespmem:v4+s3+$0x0] =	vst.idx.msk $0xffff, v5  }
0x392: {  	v4 =	vld [tilespmem:s6+$0xB000];
	_ =	sdelay $0x4  }
0x393: {  	v4 =	vmul.u32 $0x3, v4;
	_ =	sdelay $0x5  }
0x394: {  	v5 =	vld.idx.msk [tilespmem:v4+s1+$0x0], $0xffff;
	_ =	sdelay $0x1  }
0x395: {  	s5 =	sadd.s32 $0x30, s5  }
0x396: {  	v6 =	vadd.s32 s5, v0;
	_ =	sdelay $0x1  }
0x397: {  	v8 =	vadd.s32 $0x1, v4;
	v7 =	vtrunc.f32 v5;
	v5 =	vmul.f32 $1.562500000e-02, v5  }
0x398: {  	v7 =	vcvt.f32.s32 v7  }
0x399: {  	v5 =	vadd.f32 $-9.921875000e-01, v5  }
0x39a: {  	[tilespmem:v6+s2+$0x0] =	vst.idx.msk $0xffff, v7  }
0x39b: {  	[tilespmem:v6+s3+$0x0] =	vst.idx.msk $0xffff, v5  }
0x39c: {  	v5 =	vld.idx.msk [tilespmem:v8+s1+$0x0], $0xffff;
	_ =	sdelay $0x2  }
0x39d: {  	v6 =	vadd.s32 s5, v2;
	_ =	sdelay $0x1  }
0x39e: {  	v4 =	vadd.s32 $0x2, v4;
	v7 =	vtrunc.f32 v5;
	v5 =	vmul.f32 $1.562500000e-02, v5  }
0x39f: {  	v7 =	vcvt.f32.s32 v7  }
0x3a0: {  	v5 =	vadd.f32 $-9.921875000e-01, v5  }
0x3a1: {  	[tilespmem:v6+s2+$0x0] =	vst.idx.msk $0xffff, v7  }
0x3a2: {  	[tilespmem:v6+s3+$0x0] =	vst.idx.msk $0xffff, v5  }
0x3a3: {  	v4 =	vld.idx.msk [tilespmem:v4+s1+$0x0], $0xffff;
	_ =	sdelay $0x2  }
0x3a4: {  	v5 =	vadd.s32 s5, v3;
	_ =	sdelay $0x1  }
0x3a5: {  	v6 =	vtrunc.f32 v4;
	v4 =	vmul.f32 $1.562500000e-02, v4  }
0x3a6: {  	v6 =	vcvt.f32.s32 v6  }
0x3a7: {  	v4 =	vadd.f32 $-9.921875000e-01, v4  }
0x3a8: {  	[tilespmem:v5+s2+$0x0] =	vst.idx.msk $0xffff, v6  }
0x3a9: {  	[tilespmem:v5+s3+$0x0] =	vst.idx.msk $0xffff, v4  }
0x3aa: {  	[hbm4b:s25+s24] =	stream.strided.scatter [tilespmem:s2], [sflag:$0x1], $0x1800, s0, s24, $0x38;
	[tilespmem:$0xF000] =	vst v63  }
0x3ab: {  	_ =	swait.ge [sflag:s31], $0x1800  }
0x3ac: {  	[sflag:s31] =	ssyncset.done $0x0  }
0x3ad: {  	[sflag:s31] =	ssyncadd.s32 $0xFFFFE800  }
0x3ae: {  	[hbm4b:s26+s24] =	stream.strided.scatter [tilespmem:s3], [sflag:$0x1], $0x1800, s0, s24, $0x38;
	[tilespmem:$0xF000] =	vst v63  }
0x3af: {  	_ =	swait.ge [sflag:s31], $0x1800  }
0x3b0: {  	s5 =	simm.s32 $0x0;
	[sflag:s31] =	ssyncset.done $0x0  }
0x3b1: {  	s9 =	sand.u32 $0x7F0, s5;
	[sflag:s31] =	ssyncadd.s32 $0xFFFFE800  }
0x3b2: {  	v4 =	vld [tilespmem:s9+$0xB800];
	_ =	sdelay $0x4  }
0x3b3: {  	v4 =	vmul.u32 $0x3, v4;
	_ =	sdelay $0x5  }
0x3b4: {  	v5 =	vld.idx.msk [tilespmem:v4+s1+$0x0], $0xffff;
	_ =	sdelay $0x2  }
0x3b5: {  	v6 =	vadd.s32 s5, v0;
	_ =	sdelay $0x1  }
0x3b6: {  	v63 =	vadd.s32 $0x1, v4;
	v7 =	vtrunc.f32 v5;
	v5 =	vmul.f32 $1.562500000e-02, v5  }
0x3b7: {  	v7 =	vcvt.f32.s32 v7  }
0x3b8: {  	v5 =	vadd.f32 $-9.921875000e-01, v5  }
0x3b9: {  	[tilespmem:v6+s2+$0x0] =	vst.idx.msk $0xffff, v7  }
0x3ba: {  	[tilespmem:v6+s3+$0x0] =	vst.idx.msk $0xffff, v5  }
0x3bb: {  	v5 =	vld.idx.msk [tilespmem:v63+s1+$0x0], $0xffff;
	_ =	sdelay $0x2  }
0x3bc: {  	v6 =	vadd.s32 s5, v2;
	_ =	sdelay $0x1  }
0x3bd: {  	v4 =	vadd.s32 $0x2, v4;
	v7 =	vtrunc.f32 v5;
	v5 =	vmul.f32 $1.562500000e-02, v5  }
0x3be: {  	v7 =	vcvt.f32.s32 v7  }
0x3bf: {  	v5 =	vadd.f32 $-9.921875000e-01, v5  }
0x3c0: {  	[tilespmem:v6+s2+$0x0] =	vst.idx.msk $0xffff, v7  }
0x3c1: {  	[tilespmem:v6+s3+$0x0] =	vst.idx.msk $0xffff, v5  }
0x3c2: {  	v5 =	vld.idx.msk [tilespmem:v4+s1+$0x0], $0xffff;
	_ =	sdelay $0x2  }
0x3c3: {  	v4 =	vadd.s32 s5, v3;
	_ =	sdelay $0x1  }
0x3c4: {  	v6 =	vtrunc.f32 v5  }
0x3c5: {  	v5 =	vmul.f32 $1.562500000e-02, v5;
	v6 =	vcvt.f32.s32 v6;
	_ =	sdelay $0x1  }
0x3c6: {  	s8 =	simm.s32 $0x20;
	s6 =	simm.s32 $0x10;
	v5 =	vadd.f32 $-9.921875000e-01, v5;
	[tilespmem:v4+s2+$0x0] =	vst.idx.msk $0xffff, v6  }
.LBB2_26:
0x3c7: {  	s9 =	sand.u32 $0x7F0, s6  }
0x3c8: {  	[tilespmem:v4+s3+$0x0] =	vst.idx.msk $0xffff, v5;
	s5 =	sadd.s32 $0x30, s5;
	s6 =	smov.u32 s8;
	s7 =	sadd.s32 $0x10, s8  }
0x3c9: {  	p0 =	sne.s32 s8, $0x7F0;
	v4 =	vld [tilespmem:s9+$0xB800];
	_ =	sdelay $0x4  }
0x3ca: {  	v4 =	vmul.u32 $0x3, v4;
	_ =	sdelay $0x5  }
0x3cb: {  	v5 =	vld.idx.msk [tilespmem:v4+s1+$0x0], $0xffff;
	_ =	sdelay $0x3  }
0x3cc: {  	v6 =	vadd.s32 s5, v0;
	_ =	sdelay $0x1  }
0x3cd: {  	v8 =	vadd.s32 $0x1, v4;
	v7 =	vtrunc.f32 v5;
	v5 =	vmul.f32 $1.562500000e-02, v5  }
0x3ce: {  	v7 =	vcvt.f32.s32 v7  }
0x3cf: {  	v5 =	vadd.f32 $-9.921875000e-01, v5  }
0x3d0: {  	[tilespmem:v6+s2+$0x0] =	vst.idx.msk $0xffff, v7  }
0x3d1: {  	[tilespmem:v6+s3+$0x0] =	vst.idx.msk $0xffff, v5  }
0x3d2: {  	v5 =	vld.idx.msk [tilespmem:v8+s1+$0x0], $0xffff;
	_ =	sdelay $0x3  }
0x3d3: {  	v6 =	vadd.s32 s5, v2;
	_ =	sdelay $0x1  }
0x3d4: {  	v4 =	vadd.s32 $0x2, v4;
	v7 =	vtrunc.f32 v5;
	v5 =	vmul.f32 $1.562500000e-02, v5  }
0x3d5: {  	v7 =	vcvt.f32.s32 v7  }
0x3d6: {  	v5 =	vadd.f32 $-9.921875000e-01, v5  }
0x3d7: {  	[tilespmem:v6+s2+$0x0] =	vst.idx.msk $0xffff, v7  }
0x3d8: {  	[tilespmem:v6+s3+$0x0] =	vst.idx.msk $0xffff, v5  }
0x3d9: {  	v5 =	vld.idx.msk [tilespmem:v4+s1+$0x0], $0xffff;
	_ =	sdelay $0x3  }
0x3da: {  	v4 =	vadd.s32 s5, v3  }
.Ltmp12:
0x3db: {  	(pc) =	sbr.rel @p0 .LBB2_26-.Ltmp12, $4  }
0x3dc: {  	v6 =	vtrunc.f32 v5;
	v5 =	vmul.f32 $1.562500000e-02, v5  }
0x3dd: {  	v6 =	vcvt.f32.s32 v6  }
0x3de: {  	v5 =	vadd.f32 $-9.921875000e-01, v5  }
0x3df: {  	s8 =	smov.u32 s7;
	[tilespmem:v4+s2+$0x0] =	vst.idx.msk $0xffff, v6  }
0x3e0: {  	_ =	sdelay $0x3  }
0x3e1: {  	s6 =	sand.u32 $0x7F0, s6;
	[tilespmem:v4+s3+$0x0] =	vst.idx.msk $0xffff, v5  }
0x3e2: {  	v4 =	vld [tilespmem:s6+$0xB800];
	_ =	sdelay $0x4  }
0x3e3: {  	v4 =	vmul.u32 $0x3, v4;
	_ =	sdelay $0x5  }
0x3e4: {  	v5 =	vld.idx.msk [tilespmem:v4+s1+$0x0], $0xffff;
	_ =	sdelay $0x1  }
0x3e5: {  	s5 =	sadd.s32 $0x30, s5  }
0x3e6: {  	v6 =	vadd.s32 s5, v0;
	_ =	sdelay $0x1  }
0x3e7: {  	v8 =	vadd.s32 $0x1, v4;
	v7 =	vtrunc.f32 v5;
	v5 =	vmul.f32 $1.562500000e-02, v5  }
0x3e8: {  	v7 =	vcvt.f32.s32 v7  }
0x3e9: {  	v5 =	vadd.f32 $-9.921875000e-01, v5  }
0x3ea: {  	[tilespmem:v6+s2+$0x0] =	vst.idx.msk $0xffff, v7  }
0x3eb: {  	[tilespmem:v6+s3+$0x0] =	vst.idx.msk $0xffff, v5  }
0x3ec: {  	v5 =	vld.idx.msk [tilespmem:v8+s1+$0x0], $0xffff;
	_ =	sdelay $0x2  }
0x3ed: {  	v61 =	vadd.s32 s5, v2;
	_ =	sdelay $0x1  }
0x3ee: {  	v4 =	vadd.s32 $0x2, v4;
	v62 =	vtrunc.f32 v5;
	v5 =	vmul.f32 $1.562500000e-02, v5  }
0x3ef: {  	v7 =	vcvt.f32.s32 v62  }
0x3f0: {  	v5 =	vadd.f32 $-9.921875000e-01, v5  }
0x3f1: {  	[tilespmem:v61+s2+$0x0] =	vst.idx.msk $0xffff, v7  }
0x3f2: {  	[tilespmem:v61+s3+$0x0] =	vst.idx.msk $0xffff, v5  }
0x3f3: {  	v4 =	vld.idx.msk [tilespmem:v4+s1+$0x0], $0xffff;
	_ =	sdelay $0x2  }
0x3f4: {  	v5 =	vadd.s32 s5, v3;
	_ =	sdelay $0x1  }
0x3f5: {  	v63 =	vtrunc.f32 v4;
	v4 =	vmul.f32 $1.562500000e-02, v4  }
0x3f6: {  	v6 =	vcvt.f32.s32 v63  }
0x3f7: {  	v4 =	vadd.f32 $-9.921875000e-01, v4  }
0x3f8: {  	[tilespmem:v5+s2+$0x0] =	vst.idx.msk $0xffff, v6  }
0x3f9: {  	[tilespmem:v5+s3+$0x0] =	vst.idx.msk $0xffff, v4  }
0x3fa: {  	[hbm4b:s28+s24] =	stream.strided.scatter [tilespmem:s2], [sflag:$0x1], $0x1800, s0, s24, $0x38;
	[tilespmem:$0xF000] =	vst v63  }
0x3fb: {  	s4 =	sadd.s32 $0x1, s4;
	_ =	swait.ge [sflag:s31], $0x1800  }
0x3fc: {  	p0 =	sne.s32 s4, s30;
	[sflag:s31] =	ssyncset.done $0x0  }
.Ltmp13:
0x3fd: {  	[sflag:s31] =	ssyncadd.s32 $0xFFFFE800;
	(pc) =	sbr.rel @p0 .LBB2_1-.Ltmp13, $4  }
0x3fe: {  	[hbm4b:s29+s24] =	stream.strided.scatter [tilespmem:s3], [sflag:$0x1], $0x1800, s0, s24, $0x38;
	[tilespmem:$0xF000] =	vst v63  }
0x3ff: {  	_ =	swait.ge [sflag:s31], $0x1800  }
0x400: {  	[sflag:s31] =	ssyncset.done $0x0  }
0x401: {  	[sflag:s31] =	ssyncadd.s32 $0xFFFFE800  }
0x402: {  	_ =	sfence.sel $0x180000  }
0x403: {  	[bflag:$0x0] =	sbarrier.arrive $0xFFFF  }
0x404: {  	_ =	strace $0x90000047  }
0x405: {  	s0 =	stileid.u32;
	[bflag:$0x2] =	sbarrier.arrive $0xFFFF  }
0x406: {  	p0 =	sne.s32 s0, $0x0;
	s0 =	rddreg [dreg:$0x4]  }
0x407: {  	s0 =	sadd.s32 @!p0 $0x100000, s0  }
0x408: {  	[sflag:s0] =	ssyncadd.tile.s32 @!p0 $0x1;
	_ =	shalt  }
.Lfunc_end2:
_tile_overlayer_lowered:
.L_overlay_start_2:
0x409: {  	(tag) =	ssettag $0x2  }
0x40a: {  	s0 =	rddreg [dreg:$0x0];
	s2 =	stileid.u32  }
0x40b: {  	s1 =	rddreg [dreg:$0x1];
	p0 =	sne.s32 s2, $0x0  }
0x40c: {  	s3 =	rddreg [dreg:$0x2];
	[bflag:$0x3] =	sbarrier.arrive $0xFFFF;
	s2 =	simm.s32 @!p0 $0x1C01  }
0x40d: {  	[timem:s3], [sflag:s2] =	dma.local @!p0 [hbm:s0], s1  }
0x40e: {  	s0 =	simm.s32 @!p0 $0x1  }
0x40f: {  	_ =	swait.ge @!p0 [sflag:s0], s1  }
0x410: {  	s1 =	ssub.s32 @!p0 $0x0, s1;
	[sflag:s0] =	ssyncset.done @!p0 $0x0  }
0x411: {  	[sflag:s0] =	ssyncadd.s32 @!p0 s1  }
0x412: {  	[bflag:$0x3] =	sbarrier.arrive $0xFFFF  }
0x413: {  	_ =	shalt  }

</sc_bundles>
